<compile_context>
chip_gen: v7x
topology: tpu7x:2x2x1
jax: 0.10.2.dev20260603
libtpu: 0.0.44.dev20260713+nightly
codegen_flags: <defaults>
</compile_context>

<pallas_src>
import functools

import jax
import jax.numpy as jnp
from jax import lax
from jax.experimental import pallas as pl
from jax.experimental.pallas import tpu as pltpu
from jax.experimental.pallas import tpu_sc as plsc

N = 10000
E = 320000
D = 128
NREL = 200
SQRT_C = 0.1
SLOPE = (1.0 / 8.0 + 1.0 / 3.0) / 2.0

NC = 2
NS = 16
NW = NC * NS
EPW = E // NW
CH = 80
NCHUNK = EPW // CH
NPAD = 10112
RPT = NPAD // NS

NN = 10240
HALF = NN // 2
RPT_E = HALF // NS
EPT = E // NS
NCHUNK_E = EPT // CH

BLK = 1000
GRID = N // BLK



def _expmap0(x):
    n = jnp.sqrt(jnp.sum(x * x, axis=-1, keepdims=True))
    n = jnp.clip(n, 1e-10, None)
    return jnp.tanh(SQRT_C * n) * x / (SQRT_C * n)


def _logmap0(p):
    n = jnp.sqrt(jnp.sum(p * p, axis=-1, keepdims=True))
    n = jnp.clip(n, 1e-10, None)
    a = jnp.clip(SQRT_C * n, 0.0, 1.0 - 1e-5)
    atanh = 0.5 * jnp.log((1.0 + a) / (1.0 - a))
    return atanh * p / (SQRT_C * n)


def _leaky(a):
    return jnp.where(a >= 0, a, a * SLOPE)



def _prep_body(u_ref, w_ref, er_ref, hw_ref, ht_ref, rw_ref):
    ht = _logmap0(_expmap0(u_ref[...]))
    ht_ref[...] = ht
    hw_ref[...] = jnp.dot(ht, w_ref[...], preferred_element_type=jnp.float32)

    @pl.when(pl.program_id(0) == 0)
    def _():
        rw_ref[...] = jnp.dot(er_ref[...], w_ref[...],
                              preferred_element_type=jnp.float32)


def _tc_prep(u, w, er):
    return pl.pallas_call(
        _prep_body,
        grid=(GRID,),
        in_specs=[
            pl.BlockSpec((BLK, D), lambda i: (i, 0)),
            pl.BlockSpec((D, D), lambda i: (0, 0)),
            pl.BlockSpec((NREL, D), lambda i: (0, 0)),
        ],
        out_specs=[
            pl.BlockSpec((BLK, D), lambda i: (i, 0)),
            pl.BlockSpec((BLK, D), lambda i: (i, 0)),
            pl.BlockSpec((NREL, D), lambda i: (0, 0)),
        ],
        out_shape=[
            jax.ShapeDtypeStruct((N, D), jnp.float32),
            jax.ShapeDtypeStruct((N, D), jnp.float32),
            jax.ShapeDtypeStruct((NREL, D), jnp.float32),
        ],
    )(u, w, er)



def _combine_body(acc_ref, deg_ref, htp_ref, w_ref, er_ref,
                  hw_ref, ht_ref, rw_ref):
    d = deg_ref[:, 0:1]
    a = acc_ref[...] / jnp.clip(d, 1.0, None) + htp_ref[...]
    ht = _logmap0(_expmap0(_leaky(a)))
    ht_ref[...] = ht
    hw_ref[...] = jnp.dot(ht, w_ref[...], preferred_element_type=jnp.float32)

    @pl.when(pl.program_id(0) == 0)
    def _():
        rw_ref[...] = jnp.dot(er_ref[...], w_ref[...],
                              preferred_element_type=jnp.float32)


def _tc_combine(acc, deg, htp, w, er):
    return pl.pallas_call(
        _combine_body,
        grid=(GRID,),
        in_specs=[
            pl.BlockSpec((BLK, D), lambda i: (i, 0)),
            pl.BlockSpec((BLK, D), lambda i: (i, 0)),
            pl.BlockSpec((BLK, D), lambda i: (i, 0)),
            pl.BlockSpec((D, D), lambda i: (0, 0)),
            pl.BlockSpec((NREL, D), lambda i: (0, 0)),
        ],
        out_specs=[
            pl.BlockSpec((BLK, D), lambda i: (i, 0)),
            pl.BlockSpec((BLK, D), lambda i: (i, 0)),
            pl.BlockSpec((NREL, D), lambda i: (0, 0)),
        ],
        out_shape=[
            jax.ShapeDtypeStruct((N, D), jnp.float32),
            jax.ShapeDtypeStruct((N, D), jnp.float32),
            jax.ShapeDtypeStruct((NREL, D), jnp.float32),
        ],
    )(acc, deg, htp, w, er)



def _final_body(acc_ref, deg_ref, htp_ref, u_ref, w1_ref, w2_ref, out_ref):
    d = deg_ref[:, 0:1]
    a = acc_ref[...] / jnp.clip(d, 1.0, None) + htp_ref[...]
    ht = _logmap0(_expmap0(_leaky(a)))
    pt = _logmap0(_expmap0(u_ref[...]))
    gate = jax.nn.sigmoid(
        jnp.dot(ht, w1_ref[...], preferred_element_type=jnp.float32)
        + jnp.dot(pt, w2_ref[...], preferred_element_type=jnp.float32))
    out_ref[...] = _expmap0(gate * ht + (1.0 - gate) * pt)


def _tc_final(acc, deg, htp, u, w1, w2):
    return pl.pallas_call(
        _final_body,
        grid=(GRID,),
        in_specs=[
            pl.BlockSpec((BLK, D), lambda i: (i, 0)),
            pl.BlockSpec((BLK, D), lambda i: (i, 0)),
            pl.BlockSpec((BLK, D), lambda i: (i, 0)),
            pl.BlockSpec((BLK, D), lambda i: (i, 0)),
            pl.BlockSpec((D, D), lambda i: (0, 0)),
            pl.BlockSpec((D, D), lambda i: (0, 0)),
        ],
        out_specs=pl.BlockSpec((BLK, D), lambda i: (i, 0)),
        out_shape=jax.ShapeDtypeStruct((N, D), jnp.float32),
    )(acc, deg, htp, u, w1, w2)



def _sc_edge_body(idx3_h, hw_h, rw_h, out_h,
                  acc_s, idx3a, idx3b, didx2, hrowsa, hrowsb, rrowsa, rrowsb,
                  zbuf, semha, semhb, semra, semrb):
    cid = lax.axis_index("c")
    sid = lax.axis_index("s")
    base = sid * RPT_E
    lo_node = cid * HALF
    ebase = sid * NCHUNK_E

    idx3 = [idx3a, idx3b]
    hrows = [hrowsa, hrowsb]
    rrows = [rrowsa, rrowsb]
    semh = [semha, semhb]
    semr = [semra, semrb]

    zeros16 = jnp.zeros((16,), jnp.float32)
    lane8 = jnp.arange(16, dtype=jnp.int32) & 7

    @pl.loop(0, RPT_E)
    def _(i):
        for j in range(D // 16):
            zbuf[i, pl.ds(j * 16, 16)] = zeros16

    pltpu.sync_copy(zbuf, acc_s.at[pl.ds(base, RPT_E)])

    plsc.subcore_barrier()

    def issue(t, s):
        off = pl.multiple_of((ebase + t) * (3 * CH), 8)
        pltpu.sync_copy(idx3_h.at[pl.ds(off, 3 * CH)], idx3[s])
        pltpu.async_copy(hw_h.at[idx3[s].at[pl.ds(0, CH)]], hrows[s], semh[s])
        pltpu.async_copy(rw_h.at[idx3[s].at[pl.ds(CH, CH)]], rrows[s],
                         semr[s])

    issue(0, 0)

    @pl.loop(0, NCHUNK_E, step=2)
    def _(t):
        for b in range(2):
            tt = t + b
            s = b

            @pl.when(tt + 1 < NCHUNK_E)
            def _():
                issue(tt + 1, 1 - b)

            pltpu.make_async_copy(hw_h.at[idx3[s].at[pl.ds(0, CH)]],
                                  hrows[s], semh[s]).wait()
            pltpu.make_async_copy(rw_h.at[idx3[s].at[pl.ds(CH, CH)]],
                                  rrows[s], semr[s]).wait()

            for k in range(CH // 16):
                v = idx3[s][pl.ds(2 * CH + k * 16, 16)] - lo_node
                ok = (v >= 0) & (v < HALF)
                didx2[pl.ds(k * 16, 16)] = jnp.where(ok, v, HALF + lane8)

            pltpu.sync_copy(hrows[s], acc_s.at[didx2], add=True)
            pltpu.sync_copy(rrows[s], acc_s.at[didx2], add=True)

    plsc.subcore_barrier()
    pltpu.sync_copy(acc_s.at[pl.ds(base, RPT_E)],
                    out_h.at[cid].at[pl.ds(base, RPT_E)])


_sc_edge = pl.kernel(
    _sc_edge_body,
    out_type=jax.ShapeDtypeStruct((NC, HALF, D), jnp.float32),
    mesh=plsc.VectorSubcoreMesh(core_axis_name="c", subcore_axis_name="s"),
    scratch_types=[
        pltpu.VMEM_SHARED((HALF + 8, D), jnp.float32),
        pltpu.VMEM((3 * CH,), jnp.int32),
        pltpu.VMEM((3 * CH,), jnp.int32),
        pltpu.VMEM((CH,), jnp.int32),
        pltpu.VMEM((CH, D), jnp.float32),
        pltpu.VMEM((CH, D), jnp.float32),
        pltpu.VMEM((CH, D), jnp.float32),
        pltpu.VMEM((CH, D), jnp.float32),
        pltpu.VMEM((RPT_E, D), jnp.float32),
        pltpu.SemaphoreType.DMA,
        pltpu.SemaphoreType.DMA,
        pltpu.SemaphoreType.DMA,
        pltpu.SemaphoreType.DMA,
    ],
)



def _sc_deg_body(dst_h, out_h, deg_s, didx, didx2, ones, zbuf):
    cid = lax.axis_index("c")
    sid = lax.axis_index("s")
    base = sid * RPT_E
    lo_node = cid * HALF

    zeros16 = jnp.zeros((16,), jnp.float32)
    ones16 = jnp.full((16,), 1.0, jnp.float32)

    @pl.loop(0, RPT_E)
    def _(i):
        for j in range(D // 16):
            zbuf[i, pl.ds(j * 16, 16)] = zeros16

    @pl.loop(0, CH)
    def _(i):
        for j in range(D // 16):
            ones[i, pl.ds(j * 16, 16)] = ones16

    pltpu.sync_copy(zbuf, deg_s.at[pl.ds(base, RPT_E)])

    plsc.subcore_barrier()

    @pl.loop(0, NCHUNK_E)
    def _(t):
        off = pl.multiple_of(sid * EPT + t * CH, 8)
        pltpu.sync_copy(dst_h.at[pl.ds(off, CH)], didx)
        for k in range(CH // 16):
            v = didx[pl.ds(k * 16, 16)] - lo_node
            ok = (v >= 0) & (v < HALF)
            didx2[pl.ds(k * 16, 16)] = jnp.where(ok, v, HALF)
        pltpu.sync_copy(ones, deg_s.at[didx2], add=True)

    plsc.subcore_barrier()
    pltpu.sync_copy(deg_s.at[pl.ds(base, RPT_E)],
                    out_h.at[cid].at[pl.ds(base, RPT_E)])


_sc_deg = pl.kernel(
    _sc_deg_body,
    out_type=jax.ShapeDtypeStruct((NC, HALF, D), jnp.float32),
    mesh=plsc.VectorSubcoreMesh(core_axis_name="c", subcore_axis_name="s"),
    scratch_types=[
        pltpu.VMEM_SHARED((HALF + 8, D), jnp.float32),
        pltpu.VMEM((CH,), jnp.int32),
        pltpu.VMEM((CH,), jnp.int32),
        pltpu.VMEM((CH, D), jnp.float32),
        pltpu.VMEM((RPT_E, D), jnp.float32),
    ],
)



@jax.jit
def kernel(edge_index, edge_type, dynamic_emb, emb_rel, W_layers, w1, w2):
    src = edge_index[0].astype(jnp.int32)
    dst = edge_index[1].astype(jnp.int32)
    et = edge_type.astype(jnp.int32)
    edges3 = jnp.stack([src.reshape(-1, CH), et.reshape(-1, CH),
                        dst.reshape(-1, CH)], axis=1).reshape(-1)

    deg = _sc_deg(dst).reshape(NN, D)[:N]

    hw1, ht1, rw1 = _tc_prep(dynamic_emb, W_layers[0], emb_rel)
    acc1 = _sc_edge(edges3, hw1, rw1).reshape(NN, D)[:N]
    hw2, ht2, rw2 = _tc_combine(acc1, deg, ht1, W_layers[1], emb_rel)
    acc2 = _sc_edge(edges3, hw2, rw2).reshape(NN, D)[:N]
    return _tc_final(acc2, deg, ht2, dynamic_emb, w1, w2)

# --- scband reference (transcript-rebuilt; emitter-appended) ---
"""Pipeline reference for scband-hyperbolic-recurrent-rgcn-24919400252127 (READ-ONLY COPY).

The authoritative reference and input builder live on the scoring server;
editing this copy changes nothing except your own understanding.
"""

import jax, jax.numpy as jnp
import numpy as np

N = 10000      # num_ents
E = 320000     # n_edges
D = 128        # h_dim
R = 100        # num_rels (2*R directed relation embeddings)
L = 2          # num_hidden_layers
C = 0.01       # fixed curvature


def _safe_norm(x, axis=-1, keepdims=True):
    return jnp.clip(jnp.linalg.norm(x, axis=axis, keepdims=keepdims), 1e-10, None)


def expmap0(u, c):
    # Poincare ball exponential map at origin
    sqrt_c = jnp.sqrt(c)
    norm = _safe_norm(u)
    return jnp.tanh(sqrt_c * norm) * u / (sqrt_c * norm)


def logmap0(p, c):
    # Poincare ball logarithmic map at origin
    sqrt_c = jnp.sqrt(c)
    norm = _safe_norm(p)
    arg = jnp.clip(sqrt_c * norm, 0.0, 1.0 - 1e-5)
    return jnp.arctanh(arg) * p / (sqrt_c * norm)


def setup_inputs(seed: int = 0) -> dict:
    key = jax.random.key(seed)
    k1, k2, k3, k4, k5, k6, k7 = jax.random.split(key, 7)
    edge_index = jax.random.randint(k1, (2, E), 0, N, dtype=jnp.int64)
    edge_type = jax.random.randint(k2, (E,), 0, 2 * R, dtype=jnp.int64)
    dynamic_emb = jax.random.normal(k3, (N, D), dtype=jnp.float32)          # nn.init.normal_(std=1.0)
    emb_rel = jax.random.normal(k4, (2 * R, D), dtype=jnp.float32) * 0.1    # xavier-like
    W_layers = jax.random.normal(k5, (L, D, D), dtype=jnp.float32) * 0.05   # per-layer RGCN weight
    w1 = jax.random.normal(k6, (D, D), dtype=jnp.float32) * 0.05            # time-gate weight
    w2 = jax.random.normal(k7, (D, D), dtype=jnp.float32) * 0.05            # time-gate weight
    return {"edge_index": edge_index, "edge_type": edge_type,
            "dynamic_emb": dynamic_emb, "emb_rel": emb_rel,
            "W_layers": W_layers, "w1": w1, "w2": w2}


def reference(edge_index, edge_type, dynamic_emb, emb_rel, W_layers, w1, w2):
    c = jnp.float32(C)
    src = edge_index[0]
    dst = edge_index[1]
    # map initial entity embeddings into the Poincare ball
    h = expmap0(dynamic_emb, c)
    prev = h
    for i in range(L):
        h_tan = logmap0(h, c)
        # relational message passing in tangent space: msg = (h_src + r_e) @ W_i
        msg = h_tan[src] + emb_rel[edge_type]
        msg = msg @ W_layers[i]
        agg = jax.ops.segment_sum(msg, dst, num_segments=N)
        deg = jax.ops.segment_sum(jnp.ones((E,), dtype=jnp.float32), dst, num_segments=N)
        agg = agg / jnp.clip(deg, 1.0, None)[:, None]
        # self-loop
        agg = agg + h_tan
        # rrelu in eval mode == leaky_relu with mean slope (lower=1/8, upper=1/3 -> 0.2083)
        h_tan_new = jnp.where(agg >= 0, agg, agg * ((1.0 / 8.0 + 1.0 / 3.0) / 2.0))
        h = expmap0(h_tan_new, c)
    # hyperbolic GRU-style temporal gate (residual evolution)
    ht = logmap0(h, c)
    pt = logmap0(prev, c)
    gate = jax.nn.sigmoid(ht @ w1 + pt @ w2)
    out_tan = gate * ht + (1.0 - gate) * pt
    out = expmap0(out_tan, c)
    return out

if __name__ == "__main__":
    import jax
    _d = setup_inputs()
    print(jax.jit(kernel)(*tuple(_d.values())))

</pallas_src>

<mosaic_0001>
#map = affine_map<(d0, d1) -> (0)>
#map1 = affine_map<(d0, d1) -> (0, 0)>
#map2 = affine_map<(d0, d1) -> (0, 0, 0)>
module attributes {stable_mosaic.version = 14 : i64} {
  func.func @_sc_edge_body(%arg0: i32, %arg1: i32, %arg2: memref<960000xi32, #tpu.memory_space<hbm>>, %arg3: memref<10000x128xf32, #tpu.memory_space<hbm>>, %arg4: memref<200x128xf32, #tpu.memory_space<hbm>>, %arg5: memref<2x5120x128xf32, #tpu.memory_space<hbm>>, %arg6: memref<5128x128xf32, #tpu.memory_space<vmem_shared>>, %arg7: memref<240xi32, #tpu.memory_space<vmem>>, %arg8: memref<240xi32, #tpu.memory_space<vmem>>, %arg9: memref<80xi32, #tpu.memory_space<vmem>>, %arg10: memref<80x128xf32, #tpu.memory_space<vmem>>, %arg11: memref<80x128xf32, #tpu.memory_space<vmem>>, %arg12: memref<80x128xf32, #tpu.memory_space<vmem>>, %arg13: memref<80x128xf32, #tpu.memory_space<vmem>>, %arg14: memref<320x128xf32, #tpu.memory_space<vmem>>, %arg15: memref<!tpu.dma_semaphore, #tpu.memory_space<semaphore_mem>>, %arg16: memref<!tpu.dma_semaphore, #tpu.memory_space<semaphore_mem>>, %arg17: memref<!tpu.dma_semaphore, #tpu.memory_space<semaphore_mem>>, %arg18: memref<!tpu.dma_semaphore, #tpu.memory_space<semaphore_mem>>) attributes {dimension_semantics = [#tpu.dimension_semantics<core_parallel>, #tpu.dimension_semantics<subcore_parallel>], iteration_bounds = array<i64: 2, 16>, scalar_prefetch = 0 : i64, scratch_operands = 13 : i64, tpu.core_type = #tpu.core_type<sc_vector_subcore>, window_params = [{transform_indices = #map}, {transform_indices = #map1}, {transform_indices = #map1}, {transform_indices = #map2}]} {
    %mul3A = arith.constant 320 : i32
    %mul3A_0 = arith.muli %arg1, %mul3A : i32
    %mul3A_1 = arith.constant 5120 : i32
    %mul3A_2 = arith.muli %arg0, %mul3A_1 : i32
    %mul3A_3 = arith.constant 250 : i32
    %mul3A_4 = arith.muli %arg1, %mul3A_3 : i32
    %broadcast_in_dim3A = arith.constant 0.000000e+00 : f32
    %broadcast_in_dim3A_5 = vector.broadcast %broadcast_in_dim3A : f32 to vector<16xf32>
    %iota3A = tpu.iota {dimensions = array<i32: 0>} : vector<16xi32>
    %and3A = arith.constant 7 : i32
    %and3A_6 = vector.broadcast %and3A : i32 to vector<16xi32>
    %and3A_7 = arith.andi %iota3A, %and3A_6 : vector<16xi32>
    %scan3A = arith.constant 0 : i32
    %scan3A_8 = arith.constant 320 : i32
    %scan3A_9 = arith.addi %scan3A, %scan3A_8 : i32
    %scan3A_10 = arith.constant 1 : i32
    scf.for %scan3A_30 = %scan3A to %scan3A_9 step %scan3A_10  : i32 {
      %mul3A_31 = arith.constant 1 : i32
      %mul3A_32 = arith.muli %scan3A_30, %mul3A_31 : i32
      %add3A_33 = arith.constant 0 : i32
      %add3A_34 = arith.addi %add3A_33, %mul3A_32 : i32
      %swap3A = arith.index_cast %add3A_34 : i32 to index
      %swap3A_35 = arith.constant 0 : index
      %swap3A_36 = tpu.vector_load %arg14[%swap3A, %swap3A_35] {strides = array<i32>} : memref<320x128xf32, #tpu.memory_space<vmem>>, vector<1x16xf32>,
      %swap3A_37 = vector.shape_cast %swap3A_36 : vector<1x16xf32> to vector<16xf32>
      %swap3A_38 = vector.shape_cast %broadcast_in_dim3A_5 : vector<16xf32> to vector<1x16xf32>
      tpu.vector_store %arg14[%swap3A, %swap3A_35], %swap3A_38 {strides = array<i32>} : memref<320x128xf32, #tpu.memory_space<vmem>>, vector<1x16xf32>,
      %swap3A_39 = arith.index_cast %add3A_34 : i32 to index
      %swap3A_40 = arith.constant 16 : index
      %swap3A_41 = tpu.vector_load %arg14[%swap3A_39, %swap3A_40] {strides = array<i32>} : memref<320x128xf32, #tpu.memory_space<vmem>>, vector<1x16xf32>,
      %swap3A_42 = vector.shape_cast %swap3A_41 : vector<1x16xf32> to vector<16xf32>
      %swap3A_43 = vector.shape_cast %broadcast_in_dim3A_5 : vector<16xf32> to vector<1x16xf32>
      tpu.vector_store %arg14[%swap3A_39, %swap3A_40], %swap3A_43 {strides = array<i32>} : memref<320x128xf32, #tpu.memory_space<vmem>>, vector<1x16xf32>,
      %swap3A_44 = arith.index_cast %add3A_34 : i32 to index
      %swap3A_45 = arith.constant 32 : index
      %swap3A_46 = tpu.vector_load %arg14[%swap3A_44, %swap3A_45] {strides = array<i32>} : memref<320x128xf32, #tpu.memory_space<vmem>>, vector<1x16xf32>,
      %swap3A_47 = vector.shape_cast %swap3A_46 : vector<1x16xf32> to vector<16xf32>
      %swap3A_48 = vector.shape_cast %broadcast_in_dim3A_5 : vector<16xf32> to vector<1x16xf32>
      tpu.vector_store %arg14[%swap3A_44, %swap3A_45], %swap3A_48 {strides = array<i32>} : memref<320x128xf32, #tpu.memory_space<vmem>>, vector<1x16xf32>,
      %swap3A_49 = arith.index_cast %add3A_34 : i32 to index
      %swap3A_50 = arith.constant 48 : index
      %swap3A_51 = tpu.vector_load %arg14[%swap3A_49, %swap3A_50] {strides = array<i32>} : memref<320x128xf32, #tpu.memory_space<vmem>>, vector<1x16xf32>,
      %swap3A_52 = vector.shape_cast %swap3A_51 : vector<1x16xf32> to vector<16xf32>
      %swap3A_53 = vector.shape_cast %broadcast_in_dim3A_5 : vector<16xf32> to vector<1x16xf32>
      tpu.vector_store %arg14[%swap3A_49, %swap3A_50], %swap3A_53 {strides = array<i32>} : memref<320x128xf32, #tpu.memory_space<vmem>>, vector<1x16xf32>,
      %swap3A_54 = arith.index_cast %add3A_34 : i32 to index
      %swap3A_55 = arith.constant 64 : index
      %swap3A_56 = tpu.vector_load %arg14[%swap3A_54, %swap3A_55] {strides = array<i32>} : memref<320x128xf32, #tpu.memory_space<vmem>>, vector<1x16xf32>,
      %swap3A_57 = vector.shape_cast %swap3A_56 : vector<1x16xf32> to vector<16xf32>
      %swap3A_58 = vector.shape_cast %broadcast_in_dim3A_5 : vector<16xf32> to vector<1x16xf32>
      tpu.vector_store %arg14[%swap3A_54, %swap3A_55], %swap3A_58 {strides = array<i32>} : memref<320x128xf32, #tpu.memory_space<vmem>>, vector<1x16xf32>,
      %swap3A_59 = arith.index_cast %add3A_34 : i32 to index
      %swap3A_60 = arith.constant 80 : index
      %swap3A_61 = tpu.vector_load %arg14[%swap3A_59, %swap3A_60] {strides = array<i32>} : memref<320x128xf32, #tpu.memory_space<vmem>>, vector<1x16xf32>,
      %swap3A_62 = vector.shape_cast %swap3A_61 : vector<1x16xf32> to vector<16xf32>
      %swap3A_63 = vector.shape_cast %broadcast_in_dim3A_5 : vector<16xf32> to vector<1x16xf32>
      tpu.vector_store %arg14[%swap3A_59, %swap3A_60], %swap3A_63 {strides = array<i32>} : memref<320x128xf32, #tpu.memory_space<vmem>>, vector<1x16xf32>,
      %swap3A_64 = arith.index_cast %add3A_34 : i32 to index
      %swap3A_65 = arith.constant 96 : index
      %swap3A_66 = tpu.vector_load %arg14[%swap3A_64, %swap3A_65] {strides = array<i32>} : memref<320x128xf32, #tpu.memory_space<vmem>>, vector<1x16xf32>,
      %swap3A_67 = vector.shape_cast %swap3A_66 : vector<1x16xf32> to vector<16xf32>
      %swap3A_68 = vector.shape_cast %broadcast_in_dim3A_5 : vector<16xf32> to vector<1x16xf32>
      tpu.vector_store %arg14[%swap3A_64, %swap3A_65], %swap3A_68 {strides = array<i32>} : memref<320x128xf32, #tpu.memory_space<vmem>>, vector<1x16xf32>,
      %swap3A_69 = arith.index_cast %add3A_34 : i32 to index
      %swap3A_70 = arith.constant 112 : index
      %swap3A_71 = tpu.vector_load %arg14[%swap3A_69, %swap3A_70] {strides = array<i32>} : memref<320x128xf32, #tpu.memory_space<vmem>>, vector<1x16xf32>,
      %swap3A_72 = vector.shape_cast %swap3A_71 : vector<1x16xf32> to vector<16xf32>
      %swap3A_73 = vector.shape_cast %broadcast_in_dim3A_5 : vector<16xf32> to vector<1x16xf32>
      tpu.vector_store %arg14[%swap3A_69, %swap3A_70], %swap3A_73 {strides = array<i32>} : memref<320x128xf32, #tpu.memory_space<vmem>>, vector<1x16xf32>,
    }
    %scan3A_11 = arith.constant 320 : i32
    "tpu.region"() ({
      %run_scoped3A = tpu.sem_alloc : memref<!tpu.dma_semaphore, #tpu.memory_space<semaphore_mem>>
      %dma_start3A_30 = arith.constant 0 : i32
      %dma_start3A_31 = tpu.memref_slice %arg6[%mul3A_0, %dma_start3A_30] : memref<5128x128xf32, #tpu.memory_space<vmem_shared>> -> memref<320x128xf32, #tpu.memory_space<vmem_shared>>
      %dma_start3A_32 = arith.constant 0 : i32
      %dma_start3A_33 = tpu.memref_slice %arg6[%mul3A_0, %dma_start3A_32] : memref<5128x128xf32, #tpu.memory_space<vmem_shared>> -> memref<320x128xf32, #tpu.memory_space<vmem_shared>>
      tpu.enqueue_dma source(%arg14 : memref<320x128xf32, #tpu.memory_space<vmem>>) target(%dma_start3A_33 : memref<320x128xf32, #tpu.memory_space<vmem_shared>>) target_semaphore(%run_scoped3A : memref<!tpu.dma_semaphore, #tpu.memory_space<semaphore_mem>>)
      %dma_wait3A = arith.constant 0 : i32
      %dma_wait3A_34 = tpu.memref_slice %arg6[%mul3A_0, %dma_wait3A] : memref<5128x128xf32, #tpu.memory_space<vmem_shared>> -> memref<320x128xf32, #tpu.memory_space<vmem_shared>>
      %dma_wait3A_35 = arith.constant 0 : i32
      %dma_wait3A_36 = tpu.memref_slice %arg6[%mul3A_0, %dma_wait3A_35] : memref<5128x128xf32, #tpu.memory_space<vmem_shared>> -> memref<320x128xf32, #tpu.memory_space<vmem_shared>>
      tpu.wait_dma2 semaphore(%run_scoped3A : memref<!tpu.dma_semaphore, #tpu.memory_space<semaphore_mem>>) src(%arg14 : memref<320x128xf32, #tpu.memory_space<vmem>>) dst(%dma_wait3A_36 : memref<320x128xf32, #tpu.memory_space<vmem_shared>>)
      tpu.yield
    }) : () -> ()
    %barrier3A = arith.constant 0 : index
    tpu.barrier barrier_id(%barrier3A)
    %add3A = arith.constant 0 : i32
    %add3A_12 = arith.addi %mul3A_4, %add3A : i32
    %mul3A_13 = arith.constant 240 : i32
    %mul3A_14 = arith.muli %add3A_12, %mul3A_13 : i32
    %multiple_of3A = tpu.assume_multiple %mul3A_14, 8 : i32
    "tpu.region"() ({
      %run_scoped3A = tpu.sem_alloc : memref<!tpu.dma_semaphore, #tpu.memory_space<semaphore_mem>>
      %dma_start3A_30 = tpu.memref_slice %arg2[%multiple_of3A] : memref<960000xi32, #tpu.memory_space<hbm>> -> memref<240xi32, #tpu.memory_space<hbm>>
      %dma_start3A_31 = tpu.memref_slice %arg2[%multiple_of3A] : memref<960000xi32, #tpu.memory_space<hbm>> -> memref<240xi32, #tpu.memory_space<hbm>>
      tpu.enqueue_dma source(%dma_start3A_31 : memref<240xi32, #tpu.memory_space<hbm>>) target(%arg7 : memref<240xi32, #tpu.memory_space<vmem>>) target_semaphore(%run_scoped3A : memref<!tpu.dma_semaphore, #tpu.memory_space<semaphore_mem>>)
      %dma_wait3A = tpu.memref_slice %arg2[%multiple_of3A] : memref<960000xi32, #tpu.memory_space<hbm>> -> memref<240xi32, #tpu.memory_space<hbm>>
      %dma_wait3A_32 = tpu.memref_slice %arg2[%multiple_of3A] : memref<960000xi32, #tpu.memory_space<hbm>> -> memref<240xi32, #tpu.memory_space<hbm>>
      tpu.wait_dma2 semaphore(%run_scoped3A : memref<!tpu.dma_semaphore, #tpu.memory_space<semaphore_mem>>) src(%dma_wait3A_32 : memref<240xi32, #tpu.memory_space<hbm>>) dst(%arg7 : memref<240xi32, #tpu.memory_space<vmem>>)
      tpu.yield
    }) : () -> ()
    %dma_start3A = arith.constant 0 : i32
    %dma_start3A_15 = tpu.memref_slice %arg7[%dma_start3A] : memref<240xi32, #tpu.memory_space<vmem>> -> memref<80xi32, #tpu.memory_space<vmem>>
    %dma_start3A_16 = arith.constant 0 : i32
    %dma_start3A_17 = arith.constant 0 : i32
    %dma_start3A_18 = tpu.memref_slice %arg3[%dma_start3A_16, %dma_start3A_17] : memref<10000x128xf32, #tpu.memory_space<hbm>> -> memref<10000x128xf32, #tpu.memory_space<hbm>>
    tpu.enqueue_indirect_dma source(%dma_start3A_18 : memref<10000x128xf32, #tpu.memory_space<hbm>>) target(%arg10 : memref<80x128xf32, #tpu.memory_space<vmem>>) offsets(%dma_start3A_15 : memref<80xi32, #tpu.memory_space<vmem>>) semaphore(%arg15 : memref<!tpu.dma_semaphore, #tpu.memory_space<semaphore_mem>>)
    %dma_start3A_19 = arith.constant 80 : i32
    %dma_start3A_20 = tpu.memref_slice %arg7[%dma_start3A_19] : memref<240xi32, #tpu.memory_space<vmem>> -> memref<80xi32, #tpu.memory_space<vmem>>
    %dma_start3A_21 = arith.constant 0 : i32
    %dma_start3A_22 = arith.constant 0 : i32
    %dma_start3A_23 = tpu.memref_slice %arg4[%dma_start3A_21, %dma_start3A_22] : memref<200x128xf32, #tpu.memory_space<hbm>> -> memref<200x128xf32, #tpu.memory_space<hbm>>
    tpu.enqueue_indirect_dma source(%dma_start3A_23 : memref<200x128xf32, #tpu.memory_space<hbm>>) target(%arg12 : memref<80x128xf32, #tpu.memory_space<vmem>>) offsets(%dma_start3A_20 : memref<80xi32, #tpu.memory_space<vmem>>) semaphore(%arg17 : memref<!tpu.dma_semaphore, #tpu.memory_space<semaphore_mem>>)
    %scan3A_24 = arith.constant 0 : i32
    %scan3A_25 = arith.constant 125 : i32
    %scan3A_26 = arith.addi %scan3A_24, %scan3A_25 : i32
    %scan3A_27 = arith.constant 1 : i32
    scf.for %scan3A_30 = %scan3A_24 to %scan3A_26 step %scan3A_27  : i32 {
      %mul3A_31 = arith.constant 2 : i32
      %mul3A_32 = arith.muli %scan3A_30, %mul3A_31 : i32
      %add3A_33 = arith.constant 0 : i32
      %add3A_34 = arith.addi %add3A_33, %mul3A_32 : i32
      %add3A_35 = arith.constant 0 : i32
      %add3A_36 = arith.addi %add3A_34, %add3A_35 : i32
      %add3A_37 = arith.constant 1 : i32
      %add3A_38 = arith.addi %add3A_36, %add3A_37 : i32
      %lt3A = arith.constant 250 : i32
      %lt3A_39 = arith.cmpi slt, %add3A_38, %lt3A : i32
      %convert_element_type3A = arith.extui %lt3A_39 : i1 to i32
      %cond3A = arith.constant 0 : i32
      %cond3A_40 = arith.cmpi ne, %convert_element_type3A, %cond3A : i32
      scf.if %cond3A_40 {
        %add3A_264 = arith.constant 1 : i32
        %add3A_265 = arith.addi %add3A_36, %add3A_264 : i32
        %add3A_266 = arith.addi %mul3A_4, %add3A_265 : i32
        %mul3A_267 = arith.constant 240 : i32
        %mul3A_268 = arith.muli %add3A_266, %mul3A_267 : i32
        %multiple_of3A_269 = tpu.assume_multiple %mul3A_268, 8 : i32
        "tpu.region"() ({
          %run_scoped3A = tpu.sem_alloc : memref<!tpu.dma_semaphore, #tpu.memory_space<semaphore_mem>>
          %dma_start3A_280 = tpu.memref_slice %arg2[%multiple_of3A_269] : memref<960000xi32, #tpu.memory_space<hbm>> -> memref<240xi32, #tpu.memory_space<hbm>>
          %dma_start3A_281 = tpu.memref_slice %arg2[%multiple_of3A_269] : memref<960000xi32, #tpu.memory_space<hbm>> -> memref<240xi32, #tpu.memory_space<hbm>>
          tpu.enqueue_dma source(%dma_start3A_281 : memref<240xi32, #tpu.memory_space<hbm>>) target(%arg8 : memref<240xi32, #tpu.memory_space<vmem>>) target_semaphore(%run_scoped3A : memref<!tpu.dma_semaphore, #tpu.memory_space<semaphore_mem>>)
          %dma_wait3A_282 = tpu.memref_slice %arg2[%multiple_of3A_269] : memref<960000xi32, #tpu.memory_space<hbm>> -> memref<240xi32, #tpu.memory_space<hbm>>
          %dma_wait3A_283 = tpu.memref_slice %arg2[%multiple_of3A_269] : memref<960000xi32, #tpu.memory_space<hbm>> -> memref<240xi32, #tpu.memory_space<hbm>>
          tpu.wait_dma2 semaphore(%run_scoped3A : memref<!tpu.dma_semaphore, #tpu.memory_space<semaphore_mem>>) src(%dma_wait3A_283 : memref<240xi32, #tpu.memory_space<hbm>>) dst(%arg8 : memref<240xi32, #tpu.memory_space<vmem>>)
          tpu.yield
        }) : () -> ()
        %dma_start3A_270 = arith.constant 0 : i32
        %dma_start3A_271 = tpu.memref_slice %arg8[%dma_start3A_270] : memref<240xi32, #tpu.memory_space<vmem>> -> memref<80xi32, #tpu.memory_space<vmem>>
        %dma_start3A_272 = arith.constant 0 : i32
        %dma_start3A_273 = arith.constant 0 : i32
        %dma_start3A_274 = tpu.memref_slice %arg3[%dma_start3A_272, %dma_start3A_273] : memref<10000x128xf32, #tpu.memory_space<hbm>> -> memref<10000x128xf32, #tpu.memory_space<hbm>>
        tpu.enqueue_indirect_dma source(%dma_start3A_274 : memref<10000x128xf32, #tpu.memory_space<hbm>>) target(%arg11 : memref<80x128xf32, #tpu.memory_space<vmem>>) offsets(%dma_start3A_271 : memref<80xi32, #tpu.memory_space<vmem>>) semaphore(%arg16 : memref<!tpu.dma_semaphore, #tpu.memory_space<semaphore_mem>>)
        %dma_start3A_275 = arith.constant 80 : i32
        %dma_start3A_276 = tpu.memref_slice %arg8[%dma_start3A_275] : memref<240xi32, #tpu.memory_space<vmem>> -> memref<80xi32, #tpu.memory_space<vmem>>
        %dma_start3A_277 = arith.constant 0 : i32
        %dma_start3A_278 = arith.constant 0 : i32
        %dma_start3A_279 = tpu.memref_slice %arg4[%dma_start3A_277, %dma_start3A_278] : memref<200x128xf32, #tpu.memory_space<hbm>> -> memref<200x128xf32, #tpu.memory_space<hbm>>
        tpu.enqueue_indirect_dma source(%dma_start3A_279 : memref<200x128xf32, #tpu.memory_space<hbm>>) target(%arg13 : memref<80x128xf32, #tpu.memory_space<vmem>>) offsets(%dma_start3A_276 : memref<80xi32, #tpu.memory_space<vmem>>) semaphore(%arg18 : memref<!tpu.dma_semaphore, #tpu.memory_space<semaphore_mem>>)
      } else {
      }
      %dma_wait3A = arith.constant 0 : i32
      %dma_wait3A_41 = tpu.memref_slice %arg7[%dma_wait3A] : memref<240xi32, #tpu.memory_space<vmem>> -> memref<80xi32, #tpu.memory_space<vmem>>
      %dma_wait3A_42 = arith.constant 0 : i32
      %dma_wait3A_43 = arith.constant 0 : i32
      %dma_wait3A_44 = tpu.memref_slice %arg3[%dma_wait3A_42, %dma_wait3A_43] : memref<10000x128xf32, #tpu.memory_space<hbm>> -> memref<10000x128xf32, #tpu.memory_space<hbm>>
      tpu.wait_indirect_dma semaphore(%arg15 : memref<!tpu.dma_semaphore, #tpu.memory_space<semaphore_mem>>) src(%dma_wait3A_44 : memref<10000x128xf32, #tpu.memory_space<hbm>>) dst(%arg10 : memref<80x128xf32, #tpu.memory_space<vmem>>)
      %dma_wait3A_45 = arith.constant 80 : i32
      %dma_wait3A_46 = tpu.memref_slice %arg7[%dma_wait3A_45] : memref<240xi32, #tpu.memory_space<vmem>> -> memref<80xi32, #tpu.memory_space<vmem>>
      %dma_wait3A_47 = arith.constant 0 : i32
      %dma_wait3A_48 = arith.constant 0 : i32
      %dma_wait3A_49 = tpu.memref_slice %arg4[%dma_wait3A_47, %dma_wait3A_48] : memref<200x128xf32, #tpu.memory_space<hbm>> -> memref<200x128xf32, #tpu.memory_space<hbm>>
      tpu.wait_indirect_dma semaphore(%arg17 : memref<!tpu.dma_semaphore, #tpu.memory_space<semaphore_mem>>) src(%dma_wait3A_49 : memref<200x128xf32, #tpu.memory_space<hbm>>) dst(%arg12 : memref<80x128xf32, #tpu.memory_space<vmem>>)
      %get3A = arith.constant 160 : index
      %get3A_50 = tpu.vector_load %arg7[%get3A] {strides = array<i32>} : memref<240xi32, #tpu.memory_space<vmem>>, vector<16xi32>,
      %get3A_51 = vector.shape_cast %get3A_50 : vector<16xi32> to vector<16xi32>
      %sub3A = vector.broadcast %mul3A_2 : i32 to vector<16xi32>
      %sub3A_52 = arith.subi %get3A_51, %sub3A : vector<16xi32>
      %ge3A = arith.constant 0 : i32
      %ge3A_53 = vector.broadcast %ge3A : i32 to vector<16xi32>
      %ge3A_54 = arith.cmpi sge, %sub3A_52, %ge3A_53 : vector<16xi32>
      %lt3A_55 = arith.constant 5120 : i32
      %lt3A_56 = vector.broadcast %lt3A_55 : i32 to vector<16xi32>
      %lt3A_57 = arith.cmpi slt, %sub3A_52, %lt3A_56 : vector<16xi32>
      %and3A_58 = arith.andi %ge3A_54, %lt3A_57 : vector<16xi1>
      %add3A_59 = arith.constant 5120 : i32
      %add3A_60 = vector.broadcast %add3A_59 : i32 to vector<16xi32>
      %add3A_61 = arith.addi %add3A_60, %and3A_7 : vector<16xi32>
      %select_n3A = arith.select %and3A_58, %sub3A_52, %add3A_61 : vector<16xi1>, vector<16xi32>
      %swap3A = arith.constant 0 : index
      %swap3A_62 = tpu.vector_load %arg9[%swap3A] {strides = array<i32>} : memref<80xi32, #tpu.memory_space<vmem>>, vector<16xi32>,
      %swap3A_63 = vector.shape_cast %swap3A_62 : vector<16xi32> to vector<16xi32>
      %swap3A_64 = vector.shape_cast %select_n3A : vector<16xi32> to vector<16xi32>
      tpu.vector_store %arg9[%swap3A], %swap3A_64 {strides = array<i32>} : memref<80xi32, #tpu.memory_space<vmem>>, vector<16xi32>,
      %get3A_65 = arith.constant 176 : index
      %get3A_66 = tpu.vector_load %arg7[%get3A_65] {strides = array<i32>} : memref<240xi32, #tpu.memory_space<vmem>>, vector<16xi32>,
      %get3A_67 = vector.shape_cast %get3A_66 : vector<16xi32> to vector<16xi32>
      %sub3A_68 = vector.broadcast %mul3A_2 : i32 to vector<16xi32>
      %sub3A_69 = arith.subi %get3A_67, %sub3A_68 : vector<16xi32>
      %ge3A_70 = arith.constant 0 : i32
      %ge3A_71 = vector.broadcast %ge3A_70 : i32 to vector<16xi32>
      %ge3A_72 = arith.cmpi sge, %sub3A_69, %ge3A_71 : vector<16xi32>
      %lt3A_73 = arith.constant 5120 : i32
      %lt3A_74 = vector.broadcast %lt3A_73 : i32 to vector<16xi32>
      %lt3A_75 = arith.cmpi slt, %sub3A_69, %lt3A_74 : vector<16xi32>
      %and3A_76 = arith.andi %ge3A_72, %lt3A_75 : vector<16xi1>
      %add3A_77 = arith.constant 5120 : i32
      %add3A_78 = vector.broadcast %add3A_77 : i32 to vector<16xi32>
      %add3A_79 = arith.addi %add3A_78, %and3A_7 : vector<16xi32>
      %select_n3A_80 = arith.select %and3A_76, %sub3A_69, %add3A_79 : vector<16xi1>, vector<16xi32>
      %swap3A_81 = arith.constant 16 : index
      %swap3A_82 = tpu.vector_load %arg9[%swap3A_81] {strides = array<i32>} : memref<80xi32, #tpu.memory_space<vmem>>, vector<16xi32>,
      %swap3A_83 = vector.shape_cast %swap3A_82 : vector<16xi32> to vector<16xi32>
      %swap3A_84 = vector.shape_cast %select_n3A_80 : vector<16xi32> to vector<16xi32>
      tpu.vector_store %arg9[%swap3A_81], %swap3A_84 {strides = array<i32>} : memref<80xi32, #tpu.memory_space<vmem>>, vector<16xi32>,
      %get3A_85 = arith.constant 192 : index
      %get3A_86 = tpu.vector_load %arg7[%get3A_85] {strides = array<i32>} : memref<240xi32, #tpu.memory_space<vmem>>, vector<16xi32>,
      %get3A_87 = vector.shape_cast %get3A_86 : vector<16xi32> to vector<16xi32>
      %sub3A_88 = vector.broadcast %mul3A_2 : i32 to vector<16xi32>
      %sub3A_89 = arith.subi %get3A_87, %sub3A_88 : vector<16xi32>
      %ge3A_90 = arith.constant 0 : i32
      %ge3A_91 = vector.broadcast %ge3A_90 : i32 to vector<16xi32>
      %ge3A_92 = arith.cmpi sge, %sub3A_89, %ge3A_91 : vector<16xi32>
      %lt3A_93 = arith.constant 5120 : i32
      %lt3A_94 = vector.broadcast %lt3A_93 : i32 to vector<16xi32>
      %lt3A_95 = arith.cmpi slt, %sub3A_89, %lt3A_94 : vector<16xi32>
      %and3A_96 = arith.andi %ge3A_92, %lt3A_95 : vector<16xi1>
      %add3A_97 = arith.constant 5120 : i32
      %add3A_98 = vector.broadcast %add3A_97 : i32 to vector<16xi32>
      %add3A_99 = arith.addi %add3A_98, %and3A_7 : vector<16xi32>
      %select_n3A_100 = arith.select %and3A_96, %sub3A_89, %add3A_99 : vector<16xi1>, vector<16xi32>
      %swap3A_101 = arith.constant 32 : index
      %swap3A_102 = tpu.vector_load %arg9[%swap3A_101] {strides = array<i32>} : memref<80xi32, #tpu.memory_space<vmem>>, vector<16xi32>,
      %swap3A_103 = vector.shape_cast %swap3A_102 : vector<16xi32> to vector<16xi32>
      %swap3A_104 = vector.shape_cast %select_n3A_100 : vector<16xi32> to vector<16xi32>
      tpu.vector_store %arg9[%swap3A_101], %swap3A_104 {strides = array<i32>} : memref<80xi32, #tpu.memory_space<vmem>>, vector<16xi32>,
      %get3A_105 = arith.constant 208 : index
      %get3A_106 = tpu.vector_load %arg7[%get3A_105] {strides = array<i32>} : memref<240xi32, #tpu.memory_space<vmem>>, vector<16xi32>,
      %get3A_107 = vector.shape_cast %get3A_106 : vector<16xi32> to vector<16xi32>
      %sub3A_108 = vector.broadcast %mul3A_2 : i32 to vector<16xi32>
      %sub3A_109 = arith.subi %get3A_107, %sub3A_108 : vector<16xi32>
      %ge3A_110 = arith.constant 0 : i32
      %ge3A_111 = vector.broadcast %ge3A_110 : i32 to vector<16xi32>
      %ge3A_112 = arith.cmpi sge, %sub3A_109, %ge3A_111 : vector<16xi32>
      %lt3A_113 = arith.constant 5120 : i32
      %lt3A_114 = vector.broadcast %lt3A_113 : i32 to vector<16xi32>
      %lt3A_115 = arith.cmpi slt, %sub3A_109, %lt3A_114 : vector<16xi32>
      %and3A_116 = arith.andi %ge3A_112, %lt3A_115 : vector<16xi1>
      %add3A_117 = arith.constant 5120 : i32
      %add3A_118 = vector.broadcast %add3A_117 : i32 to vector<16xi32>
      %add3A_119 = arith.addi %add3A_118, %and3A_7 : vector<16xi32>
      %select_n3A_120 = arith.select %and3A_116, %sub3A_109, %add3A_119 : vector<16xi1>, vector<16xi32>
      %swap3A_121 = arith.constant 48 : index
      %swap3A_122 = tpu.vector_load %arg9[%swap3A_121] {strides = array<i32>} : memref<80xi32, #tpu.memory_space<vmem>>, vector<16xi32>,
      %swap3A_123 = vector.shape_cast %swap3A_122 : vector<16xi32> to vector<16xi32>
      %swap3A_124 = vector.shape_cast %select_n3A_120 : vector<16xi32> to vector<16xi32>
      tpu.vector_store %arg9[%swap3A_121], %swap3A_124 {strides = array<i32>} : memref<80xi32, #tpu.memory_space<vmem>>, vector<16xi32>,
      %get3A_125 = arith.constant 224 : index
      %get3A_126 = tpu.vector_load %arg7[%get3A_125] {strides = array<i32>} : memref<240xi32, #tpu.memory_space<vmem>>, vector<16xi32>,
      %get3A_127 = vector.shape_cast %get3A_126 : vector<16xi32> to vector<16xi32>
      %sub3A_128 = vector.broadcast %mul3A_2 : i32 to vector<16xi32>
      %sub3A_129 = arith.subi %get3A_127, %sub3A_128 : vector<16xi32>
      %ge3A_130 = arith.constant 0 : i32
      %ge3A_131 = vector.broadcast %ge3A_130 : i32 to vector<16xi32>
      %ge3A_132 = arith.cmpi sge, %sub3A_129, %ge3A_131 : vector<16xi32>
      %lt3A_133 = arith.constant 5120 : i32
      %lt3A_134 = vector.broadcast %lt3A_133 : i32 to vector<16xi32>
      %lt3A_135 = arith.cmpi slt, %sub3A_129, %lt3A_134 : vector<16xi32>
      %and3A_136 = arith.andi %ge3A_132, %lt3A_135 : vector<16xi1>
      %add3A_137 = arith.constant 5120 : i32
      %add3A_138 = vector.broadcast %add3A_137 : i32 to vector<16xi32>
      %add3A_139 = arith.addi %add3A_138, %and3A_7 : vector<16xi32>
      %select_n3A_140 = arith.select %and3A_136, %sub3A_129, %add3A_139 : vector<16xi1>, vector<16xi32>
      %swap3A_141 = arith.constant 64 : index
      %swap3A_142 = tpu.vector_load %arg9[%swap3A_141] {strides = array<i32>} : memref<80xi32, #tpu.memory_space<vmem>>, vector<16xi32>,
      %swap3A_143 = vector.shape_cast %swap3A_142 : vector<16xi32> to vector<16xi32>
      %swap3A_144 = vector.shape_cast %select_n3A_140 : vector<16xi32> to vector<16xi32>
      tpu.vector_store %arg9[%swap3A_141], %swap3A_144 {strides = array<i32>} : memref<80xi32, #tpu.memory_space<vmem>>, vector<16xi32>,
      "tpu.region"() ({
        %run_scoped3A = tpu.sem_alloc : memref<!tpu.dma_semaphore, #tpu.memory_space<semaphore_mem>>
        %dma_start3A_264 = arith.constant 0 : i32
        %dma_start3A_265 = arith.constant 0 : i32
        %dma_start3A_266 = tpu.memref_slice %arg6[%dma_start3A_264, %dma_start3A_265] : memref<5128x128xf32, #tpu.memory_space<vmem_shared>> -> memref<5128x128xf32, #tpu.memory_space<vmem_shared>>
        tpu.enqueue_indirect_dma source(%arg10 : memref<80x128xf32, #tpu.memory_space<vmem>>) target(%dma_start3A_266 : memref<5128x128xf32, #tpu.memory_space<vmem_shared>>) offsets(%arg9 : memref<80xi32, #tpu.memory_space<vmem>>) semaphore(%run_scoped3A : memref<!tpu.dma_semaphore, #tpu.memory_space<semaphore_mem>>) {add = true}
        %dma_wait3A_267 = arith.constant 0 : i32
        %dma_wait3A_268 = arith.constant 0 : i32
        %dma_wait3A_269 = tpu.memref_slice %arg6[%dma_wait3A_267, %dma_wait3A_268] : memref<5128x128xf32, #tpu.memory_space<vmem_shared>> -> memref<5128x128xf32, #tpu.memory_space<vmem_shared>>
        tpu.wait_indirect_dma semaphore(%run_scoped3A : memref<!tpu.dma_semaphore, #tpu.memory_space<semaphore_mem>>) src(%arg10 : memref<80x128xf32, #tpu.memory_space<vmem>>) dst(%dma_wait3A_269 : memref<5128x128xf32, #tpu.memory_space<vmem_shared>>)
        tpu.yield
      }) : () -> ()
      "tpu.region"() ({
        %run_scoped3A = tpu.sem_alloc : memref<!tpu.dma_semaphore, #tpu.memory_space<semaphore_mem>>
        %dma_start3A_264 = arith.constant 0 : i32
        %dma_start3A_265 = arith.constant 0 : i32
        %dma_start3A_266 = tpu.memref_slice %arg6[%dma_start3A_264, %dma_start3A_265] : memref<5128x128xf32, #tpu.memory_space<vmem_shared>> -> memref<5128x128xf32, #tpu.memory_space<vmem_shared>>
        tpu.enqueue_indirect_dma source(%arg12 : memref<80x128xf32, #tpu.memory_space<vmem>>) target(%dma_start3A_266 : memref<5128x128xf32, #tpu.memory_space<vmem_shared>>) offsets(%arg9 : memref<80xi32, #tpu.memory_space<vmem>>) semaphore(%run_scoped3A : memref<!tpu.dma_semaphore, #tpu.memory_space<semaphore_mem>>) {add = true}
        %dma_wait3A_267 = arith.constant 0 : i32
        %dma_wait3A_268 = arith.constant 0 : i32
        %dma_wait3A_269 = tpu.memref_slice %arg6[%dma_wait3A_267, %dma_wait3A_268] : memref<5128x128xf32, #tpu.memory_space<vmem_shared>> -> memref<5128x128xf32, #tpu.memory_space<vmem_shared>>
        tpu.wait_indirect_dma semaphore(%run_scoped3A : memref<!tpu.dma_semaphore, #tpu.memory_space<semaphore_mem>>) src(%arg12 : memref<80x128xf32, #tpu.memory_space<vmem>>) dst(%dma_wait3A_269 : memref<5128x128xf32, #tpu.memory_space<vmem_shared>>)
        tpu.yield
      }) : () -> ()
      %add3A_145 = arith.constant 1 : i32
      %add3A_146 = arith.addi %add3A_34, %add3A_145 : i32
      %add3A_147 = arith.constant 1 : i32
      %add3A_148 = arith.addi %add3A_146, %add3A_147 : i32
      %lt3A_149 = arith.constant 250 : i32
      %lt3A_150 = arith.cmpi slt, %add3A_148, %lt3A_149 : i32
      %convert_element_type3A_151 = arith.extui %lt3A_150 : i1 to i32
      %cond3A_152 = arith.constant 0 : i32
      %cond3A_153 = arith.cmpi ne, %convert_element_type3A_151, %cond3A_152 : i32
      scf.if %cond3A_153 {
        %add3A_264 = arith.constant 1 : i32
        %add3A_265 = arith.addi %add3A_146, %add3A_264 : i32
        %add3A_266 = arith.addi %mul3A_4, %add3A_265 : i32
        %mul3A_267 = arith.constant 240 : i32
        %mul3A_268 = arith.muli %add3A_266, %mul3A_267 : i32
        %multiple_of3A_269 = tpu.assume_multiple %mul3A_268, 8 : i32
        "tpu.region"() ({
          %run_scoped3A = tpu.sem_alloc : memref<!tpu.dma_semaphore, #tpu.memory_space<semaphore_mem>>
          %dma_start3A_280 = tpu.memref_slice %arg2[%multiple_of3A_269] : memref<960000xi32, #tpu.memory_space<hbm>> -> memref<240xi32, #tpu.memory_space<hbm>>
          %dma_start3A_281 = tpu.memref_slice %arg2[%multiple_of3A_269] : memref<960000xi32, #tpu.memory_space<hbm>> -> memref<240xi32, #tpu.memory_space<hbm>>
          tpu.enqueue_dma source(%dma_start3A_281 : memref<240xi32, #tpu.memory_space<hbm>>) target(%arg7 : memref<240xi32, #tpu.memory_space<vmem>>) target_semaphore(%run_scoped3A : memref<!tpu.dma_semaphore, #tpu.memory_space<semaphore_mem>>)
          %dma_wait3A_282 = tpu.memref_slice %arg2[%multiple_of3A_269] : memref<960000xi32, #tpu.memory_space<hbm>> -> memref<240xi32, #tpu.memory_space<hbm>>
          %dma_wait3A_283 = tpu.memref_slice %arg2[%multiple_of3A_269] : memref<960000xi32, #tpu.memory_space<hbm>> -> memref<240xi32, #tpu.memory_space<hbm>>
          tpu.wait_dma2 semaphore(%run_scoped3A : memref<!tpu.dma_semaphore, #tpu.memory_space<semaphore_mem>>) src(%dma_wait3A_283 : memref<240xi32, #tpu.memory_space<hbm>>) dst(%arg7 : memref<240xi32, #tpu.memory_space<vmem>>)
          tpu.yield
        }) : () -> ()
        %dma_start3A_270 = arith.constant 0 : i32
        %dma_start3A_271 = tpu.memref_slice %arg7[%dma_start3A_270] : memref<240xi32, #tpu.memory_space<vmem>> -> memref<80xi32, #tpu.memory_space<vmem>>
        %dma_start3A_272 = arith.constant 0 : i32
        %dma_start3A_273 = arith.constant 0 : i32
        %dma_start3A_274 = tpu.memref_slice %arg3[%dma_start3A_272, %dma_start3A_273] : memref<10000x128xf32, #tpu.memory_space<hbm>> -> memref<10000x128xf32, #tpu.memory_space<hbm>>
        tpu.enqueue_indirect_dma source(%dma_start3A_274 : memref<10000x128xf32, #tpu.memory_space<hbm>>) target(%arg10 : memref<80x128xf32, #tpu.memory_space<vmem>>) offsets(%dma_start3A_271 : memref<80xi32, #tpu.memory_space<vmem>>) semaphore(%arg15 : memref<!tpu.dma_semaphore, #tpu.memory_space<semaphore_mem>>)
        %dma_start3A_275 = arith.constant 80 : i32
        %dma_start3A_276 = tpu.memref_slice %arg7[%dma_start3A_275] : memref<240xi32, #tpu.memory_space<vmem>> -> memref<80xi32, #tpu.memory_space<vmem>>
        %dma_start3A_277 = arith.constant 0 : i32
        %dma_start3A_278 = arith.constant 0 : i32
        %dma_start3A_279 = tpu.memref_slice %arg4[%dma_start3A_277, %dma_start3A_278] : memref<200x128xf32, #tpu.memory_space<hbm>> -> memref<200x128xf32, #tpu.memory_space<hbm>>
        tpu.enqueue_indirect_dma source(%dma_start3A_279 : memref<200x128xf32, #tpu.memory_space<hbm>>) target(%arg12 : memref<80x128xf32, #tpu.memory_space<vmem>>) offsets(%dma_start3A_276 : memref<80xi32, #tpu.memory_space<vmem>>) semaphore(%arg17 : memref<!tpu.dma_semaphore, #tpu.memory_space<semaphore_mem>>)
      } else {
      }
      %dma_wait3A_154 = arith.constant 0 : i32
      %dma_wait3A_155 = tpu.memref_slice %arg8[%dma_wait3A_154] : memref<240xi32, #tpu.memory_space<vmem>> -> memref<80xi32, #tpu.memory_space<vmem>>
      %dma_wait3A_156 = arith.constant 0 : i32
      %dma_wait3A_157 = arith.constant 0 : i32
      %dma_wait3A_158 = tpu.memref_slice %arg3[%dma_wait3A_156, %dma_wait3A_157] : memref<10000x128xf32, #tpu.memory_space<hbm>> -> memref<10000x128xf32, #tpu.memory_space<hbm>>
      tpu.wait_indirect_dma semaphore(%arg16 : memref<!tpu.dma_semaphore, #tpu.memory_space<semaphore_mem>>) src(%dma_wait3A_158 : memref<10000x128xf32, #tpu.memory_space<hbm>>) dst(%arg11 : memref<80x128xf32, #tpu.memory_space<vmem>>)
      %dma_wait3A_159 = arith.constant 80 : i32
      %dma_wait3A_160 = tpu.memref_slice %arg8[%dma_wait3A_159] : memref<240xi32, #tpu.memory_space<vmem>> -> memref<80xi32, #tpu.memory_space<vmem>>
      %dma_wait3A_161 = arith.constant 0 : i32
      %dma_wait3A_162 = arith.constant 0 : i32
      %dma_wait3A_163 = tpu.memref_slice %arg4[%dma_wait3A_161, %dma_wait3A_162] : memref<200x128xf32, #tpu.memory_space<hbm>> -> memref<200x128xf32, #tpu.memory_space<hbm>>
      tpu.wait_indirect_dma semaphore(%arg18 : memref<!tpu.dma_semaphore, #tpu.memory_space<semaphore_mem>>) src(%dma_wait3A_163 : memref<200x128xf32, #tpu.memory_space<hbm>>) dst(%arg13 : memref<80x128xf32, #tpu.memory_space<vmem>>)
      %get3A_164 = arith.constant 160 : index
      %get3A_165 = tpu.vector_load %arg8[%get3A_164] {strides = array<i32>} : memref<240xi32, #tpu.memory_space<vmem>>, vector<16xi32>,
      %get3A_166 = vector.shape_cast %get3A_165 : vector<16xi32> to vector<16xi32>
      %sub3A_167 = vector.broadcast %mul3A_2 : i32 to vector<16xi32>
      %sub3A_168 = arith.subi %get3A_166, %sub3A_167 : vector<16xi32>
      %ge3A_169 = arith.constant 0 : i32
      %ge3A_170 = vector.broadcast %ge3A_169 : i32 to vector<16xi32>
      %ge3A_171 = arith.cmpi sge, %sub3A_168, %ge3A_170 : vector<16xi32>
      %lt3A_172 = arith.constant 5120 : i32
      %lt3A_173 = vector.broadcast %lt3A_172 : i32 to vector<16xi32>
      %lt3A_174 = arith.cmpi slt, %sub3A_168, %lt3A_173 : vector<16xi32>
      %and3A_175 = arith.andi %ge3A_171, %lt3A_174 : vector<16xi1>
      %add3A_176 = arith.constant 5120 : i32
      %add3A_177 = vector.broadcast %add3A_176 : i32 to vector<16xi32>
      %add3A_178 = arith.addi %add3A_177, %and3A_7 : vector<16xi32>
      %select_n3A_179 = arith.select %and3A_175, %sub3A_168, %add3A_178 : vector<16xi1>, vector<16xi32>
      %swap3A_180 = arith.constant 0 : index
      %swap3A_181 = tpu.vector_load %arg9[%swap3A_180] {strides = array<i32>} : memref<80xi32, #tpu.memory_space<vmem>>, vector<16xi32>,
      %swap3A_182 = vector.shape_cast %swap3A_181 : vector<16xi32> to vector<16xi32>
      %swap3A_183 = vector.shape_cast %select_n3A_179 : vector<16xi32> to vector<16xi32>
      tpu.vector_store %arg9[%swap3A_180], %swap3A_183 {strides = array<i32>} : memref<80xi32, #tpu.memory_space<vmem>>, vector<16xi32>,
      %get3A_184 = arith.constant 176 : index
      %get3A_185 = tpu.vector_load %arg8[%get3A_184] {strides = array<i32>} : memref<240xi32, #tpu.memory_space<vmem>>, vector<16xi32>,
      %get3A_186 = vector.shape_cast %get3A_185 : vector<16xi32> to vector<16xi32>
      %sub3A_187 = vector.broadcast %mul3A_2 : i32 to vector<16xi32>
      %sub3A_188 = arith.subi %get3A_186, %sub3A_187 : vector<16xi32>
      %ge3A_189 = arith.constant 0 : i32
      %ge3A_190 = vector.broadcast %ge3A_189 : i32 to vector<16xi32>
      %ge3A_191 = arith.cmpi sge, %sub3A_188, %ge3A_190 : vector<16xi32>
      %lt3A_192 = arith.constant 5120 : i32
      %lt3A_193 = vector.broadcast %lt3A_192 : i32 to vector<16xi32>
      %lt3A_194 = arith.cmpi slt, %sub3A_188, %lt3A_193 : vector<16xi32>
      %and3A_195 = arith.andi %ge3A_191, %lt3A_194 : vector<16xi1>
      %add3A_196 = arith.constant 5120 : i32
      %add3A_197 = vector.broadcast %add3A_196 : i32 to vector<16xi32>
      %add3A_198 = arith.addi %add3A_197, %and3A_7 : vector<16xi32>
      %select_n3A_199 = arith.select %and3A_195, %sub3A_188, %add3A_198 : vector<16xi1>, vector<16xi32>
      %swap3A_200 = arith.constant 16 : index
      %swap3A_201 = tpu.vector_load %arg9[%swap3A_200] {strides = array<i32>} : memref<80xi32, #tpu.memory_space<vmem>>, vector<16xi32>,
      %swap3A_202 = vector.shape_cast %swap3A_201 : vector<16xi32> to vector<16xi32>
      %swap3A_203 = vector.shape_cast %select_n3A_199 : vector<16xi32> to vector<16xi32>
      tpu.vector_store %arg9[%swap3A_200], %swap3A_203 {strides = array<i32>} : memref<80xi32, #tpu.memory_space<vmem>>, vector<16xi32>,
      %get3A_204 = arith.constant 192 : index
      %get3A_205 = tpu.vector_load %arg8[%get3A_204] {strides = array<i32>} : memref<240xi32, #tpu.memory_space<vmem>>, vector<16xi32>,
      %get3A_206 = vector.shape_cast %get3A_205 : vector<16xi32> to vector<16xi32>
      %sub3A_207 = vector.broadcast %mul3A_2 : i32 to vector<16xi32>
      %sub3A_208 = arith.subi %get3A_206, %sub3A_207 : vector<16xi32>
      %ge3A_209 = arith.constant 0 : i32
      %ge3A_210 = vector.broadcast %ge3A_209 : i32 to vector<16xi32>
      %ge3A_211 = arith.cmpi sge, %sub3A_208, %ge3A_210 : vector<16xi32>
      %lt3A_212 = arith.constant 5120 : i32
      %lt3A_213 = vector.broadcast %lt3A_212 : i32 to vector<16xi32>
      %lt3A_214 = arith.cmpi slt, %sub3A_208, %lt3A_213 : vector<16xi32>
      %and3A_215 = arith.andi %ge3A_211, %lt3A_214 : vector<16xi1>
      %add3A_216 = arith.constant 5120 : i32
      %add3A_217 = vector.broadcast %add3A_216 : i32 to vector<16xi32>
      %add3A_218 = arith.addi %add3A_217, %and3A_7 : vector<16xi32>
      %select_n3A_219 = arith.select %and3A_215, %sub3A_208, %add3A_218 : vector<16xi1>, vector<16xi32>
      %swap3A_220 = arith.constant 32 : index
      %swap3A_221 = tpu.vector_load %arg9[%swap3A_220] {strides = array<i32>} : memref<80xi32, #tpu.memory_space<vmem>>, vector<16xi32>,
      %swap3A_222 = vector.shape_cast %swap3A_221 : vector<16xi32> to vector<16xi32>
      %swap3A_223 = vector.shape_cast %select_n3A_219 : vector<16xi32> to vector<16xi32>
      tpu.vector_store %arg9[%swap3A_220], %swap3A_223 {strides = array<i32>} : memref<80xi32, #tpu.memory_space<vmem>>, vector<16xi32>,
      %get3A_224 = arith.constant 208 : index
      %get3A_225 = tpu.vector_load %arg8[%get3A_224] {strides = array<i32>} : memref<240xi32, #tpu.memory_space<vmem>>, vector<16xi32>,
      %get3A_226 = vector.shape_cast %get3A_225 : vector<16xi32> to vector<16xi32>
      %sub3A_227 = vector.broadcast %mul3A_2 : i32 to vector<16xi32>
      %sub3A_228 = arith.subi %get3A_226, %sub3A_227 : vector<16xi32>
      %ge3A_229 = arith.constant 0 : i32
      %ge3A_230 = vector.broadcast %ge3A_229 : i32 to vector<16xi32>
      %ge3A_231 = arith.cmpi sge, %sub3A_228, %ge3A_230 : vector<16xi32>
      %lt3A_232 = arith.constant 5120 : i32
      %lt3A_233 = vector.broadcast %lt3A_232 : i32 to vector<16xi32>
      %lt3A_234 = arith.cmpi slt, %sub3A_228, %lt3A_233 : vector<16xi32>
      %and3A_235 = arith.andi %ge3A_231, %lt3A_234 : vector<16xi1>
      %add3A_236 = arith.constant 5120 : i32
      %add3A_237 = vector.broadcast %add3A_236 : i32 to vector<16xi32>
      %add3A_238 = arith.addi %add3A_237, %and3A_7 : vector<16xi32>
      %select_n3A_239 = arith.select %and3A_235, %sub3A_228, %add3A_238 : vector<16xi1>, vector<16xi32>
      %swap3A_240 = arith.constant 48 : index
      %swap3A_241 = tpu.vector_load %arg9[%swap3A_240] {strides = array<i32>} : memref<80xi32, #tpu.memory_space<vmem>>, vector<16xi32>,
      %swap3A_242 = vector.shape_cast %swap3A_241 : vector<16xi32> to vector<16xi32>
      %swap3A_243 = vector.shape_cast %select_n3A_239 : vector<16xi32> to vector<16xi32>
      tpu.vector_store %arg9[%swap3A_240], %swap3A_243 {strides = array<i32>} : memref<80xi32, #tpu.memory_space<vmem>>, vector<16xi32>,
      %get3A_244 = arith.constant 224 : index
      %get3A_245 = tpu.vector_load %arg8[%get3A_244] {strides = array<i32>} : memref<240xi32, #tpu.memory_space<vmem>>, vector<16xi32>,
      %get3A_246 = vector.shape_cast %get3A_245 : vector<16xi32> to vector<16xi32>
      %sub3A_247 = vector.broadcast %mul3A_2 : i32 to vector<16xi32>
      %sub3A_248 = arith.subi %get3A_246, %sub3A_247 : vector<16xi32>
      %ge3A_249 = arith.constant 0 : i32
      %ge3A_250 = vector.broadcast %ge3A_249 : i32 to vector<16xi32>
      %ge3A_251 = arith.cmpi sge, %sub3A_248, %ge3A_250 : vector<16xi32>
      %lt3A_252 = arith.constant 5120 : i32
      %lt3A_253 = vector.broadcast %lt3A_252 : i32 to vector<16xi32>
      %lt3A_254 = arith.cmpi slt, %sub3A_248, %lt3A_253 : vector<16xi32>
      %and3A_255 = arith.andi %ge3A_251, %lt3A_254 : vector<16xi1>
      %add3A_256 = arith.constant 5120 : i32
      %add3A_257 = vector.broadcast %add3A_256 : i32 to vector<16xi32>
      %add3A_258 = arith.addi %add3A_257, %and3A_7 : vector<16xi32>
      %select_n3A_259 = arith.select %and3A_255, %sub3A_248, %add3A_258 : vector<16xi1>, vector<16xi32>
      %swap3A_260 = arith.constant 64 : index
      %swap3A_261 = tpu.vector_load %arg9[%swap3A_260] {strides = array<i32>} : memref<80xi32, #tpu.memory_space<vmem>>, vector<16xi32>,
      %swap3A_262 = vector.shape_cast %swap3A_261 : vector<16xi32> to vector<16xi32>
      %swap3A_263 = vector.shape_cast %select_n3A_259 : vector<16xi32> to vector<16xi32>
      tpu.vector_store %arg9[%swap3A_260], %swap3A_263 {strides = array<i32>} : memref<80xi32, #tpu.memory_space<vmem>>, vector<16xi32>,
      "tpu.region"() ({
        %run_scoped3A = tpu.sem_alloc : memref<!tpu.dma_semaphore, #tpu.memory_space<semaphore_mem>>
        %dma_start3A_264 = arith.constant 0 : i32
        %dma_start3A_265 = arith.constant 0 : i32
        %dma_start3A_266 = tpu.memref_slice %arg6[%dma_start3A_264, %dma_start3A_265] : memref<5128x128xf32, #tpu.memory_space<vmem_shared>> -> memref<5128x128xf32, #tpu.memory_space<vmem_shared>>
        tpu.enqueue_indirect_dma source(%arg11 : memref<80x128xf32, #tpu.memory_space<vmem>>) target(%dma_start3A_266 : memref<5128x128xf32, #tpu.memory_space<vmem_shared>>) offsets(%arg9 : memref<80xi32, #tpu.memory_space<vmem>>) semaphore(%run_scoped3A : memref<!tpu.dma_semaphore, #tpu.memory_space<semaphore_mem>>) {add = true}
        %dma_wait3A_267 = arith.constant 0 : i32
        %dma_wait3A_268 = arith.constant 0 : i32
        %dma_wait3A_269 = tpu.memref_slice %arg6[%dma_wait3A_267, %dma_wait3A_268] : memref<5128x128xf32, #tpu.memory_space<vmem_shared>> -> memref<5128x128xf32, #tpu.memory_space<vmem_shared>>
        tpu.wait_indirect_dma semaphore(%run_scoped3A : memref<!tpu.dma_semaphore, #tpu.memory_space<semaphore_mem>>) src(%arg11 : memref<80x128xf32, #tpu.memory_space<vmem>>) dst(%dma_wait3A_269 : memref<5128x128xf32, #tpu.memory_space<vmem_shared>>)
        tpu.yield
      }) : () -> ()
      "tpu.region"() ({
        %run_scoped3A = tpu.sem_alloc : memref<!tpu.dma_semaphore, #tpu.memory_space<semaphore_mem>>
        %dma_start3A_264 = arith.constant 0 : i32
        %dma_start3A_265 = arith.constant 0 : i32
        %dma_start3A_266 = tpu.memref_slice %arg6[%dma_start3A_264, %dma_start3A_265] : memref<5128x128xf32, #tpu.memory_space<vmem_shared>> -> memref<5128x128xf32, #tpu.memory_space<vmem_shared>>
        tpu.enqueue_indirect_dma source(%arg13 : memref<80x128xf32, #tpu.memory_space<vmem>>) target(%dma_start3A_266 : memref<5128x128xf32, #tpu.memory_space<vmem_shared>>) offsets(%arg9 : memref<80xi32, #tpu.memory_space<vmem>>) semaphore(%run_scoped3A : memref<!tpu.dma_semaphore, #tpu.memory_space<semaphore_mem>>) {add = true}
        %dma_wait3A_267 = arith.constant 0 : i32
        %dma_wait3A_268 = arith.constant 0 : i32
        %dma_wait3A_269 = tpu.memref_slice %arg6[%dma_wait3A_267, %dma_wait3A_268] : memref<5128x128xf32, #tpu.memory_space<vmem_shared>> -> memref<5128x128xf32, #tpu.memory_space<vmem_shared>>
        tpu.wait_indirect_dma semaphore(%run_scoped3A : memref<!tpu.dma_semaphore, #tpu.memory_space<semaphore_mem>>) src(%arg13 : memref<80x128xf32, #tpu.memory_space<vmem>>) dst(%dma_wait3A_269 : memref<5128x128xf32, #tpu.memory_space<vmem_shared>>)
        tpu.yield
      }) : () -> ()
    }
    %scan3A_28 = arith.constant 125 : i32
    %barrier3A_29 = arith.constant 0 : index
    tpu.barrier barrier_id(%barrier3A_29)
    "tpu.region"() ({
      %run_scoped3A = tpu.sem_alloc : memref<!tpu.dma_semaphore, #tpu.memory_space<semaphore_mem>>
      %dma_start3A_30 = arith.constant 0 : i32
      %dma_start3A_31 = arith.constant 0 : i32
      %dma_start3A_32 = tpu.memref_slice %arg5[%arg0, %dma_start3A_30, %dma_start3A_31] : memref<2x5120x128xf32, #tpu.memory_space<hbm>> -> memref<1x5120x128xf32, #tpu.memory_space<hbm>>
      %dma_start3A_33 = tpu.memref_squeeze %dma_start3A_32 : memref<1x5120x128xf32, #tpu.memory_space<hbm>> -> memref<5120x128xf32, #tpu.memory_space<hbm>>
      %dma_start3A_34 = arith.constant 0 : i32
      %dma_start3A_35 = tpu.memref_slice %dma_start3A_33[%mul3A_0, %dma_start3A_34] : memref<5120x128xf32, #tpu.memory_space<hbm>> -> memref<320x128xf32, #tpu.memory_space<hbm>>
      %dma_start3A_36 = arith.constant 0 : i32
      %dma_start3A_37 = tpu.memref_slice %arg6[%mul3A_0, %dma_start3A_36] : memref<5128x128xf32, #tpu.memory_space<vmem_shared>> -> memref<320x128xf32, #tpu.memory_space<vmem_shared>>
      tpu.enqueue_dma source(%dma_start3A_37 : memref<320x128xf32, #tpu.memory_space<vmem_shared>>) target(%dma_start3A_35 : memref<320x128xf32, #tpu.memory_space<hbm>>) target_semaphore(%run_scoped3A : memref<!tpu.dma_semaphore, #tpu.memory_space<semaphore_mem>>)
      %dma_wait3A = arith.constant 0 : i32
      %dma_wait3A_38 = arith.constant 0 : i32
      %dma_wait3A_39 = tpu.memref_slice %arg5[%arg0, %dma_wait3A, %dma_wait3A_38] : memref<2x5120x128xf32, #tpu.memory_space<hbm>> -> memref<1x5120x128xf32, #tpu.memory_space<hbm>>
      %dma_wait3A_40 = tpu.memref_squeeze %dma_wait3A_39 : memref<1x5120x128xf32, #tpu.memory_space<hbm>> -> memref<5120x128xf32, #tpu.memory_space<hbm>>
      %dma_wait3A_41 = arith.constant 0 : i32
      %dma_wait3A_42 = tpu.memref_slice %dma_wait3A_40[%mul3A_0, %dma_wait3A_41] : memref<5120x128xf32, #tpu.memory_space<hbm>> -> memref<320x128xf32, #tpu.memory_space<hbm>>
      %dma_wait3A_43 = arith.constant 0 : i32
      %dma_wait3A_44 = tpu.memref_slice %arg6[%mul3A_0, %dma_wait3A_43] : memref<5128x128xf32, #tpu.memory_space<vmem_shared>> -> memref<320x128xf32, #tpu.memory_space<vmem_shared>>
      tpu.wait_dma2 semaphore(%run_scoped3A : memref<!tpu.dma_semaphore, #tpu.memory_space<semaphore_mem>>) src(%dma_wait3A_44 : memref<320x128xf32, #tpu.memory_space<vmem_shared>>) dst(%dma_wait3A_42 : memref<320x128xf32, #tpu.memory_space<hbm>>)
      tpu.yield
    }) : () -> ()
    return
  }
}

#map = affine_map<(d0, d1) -> (0)>
#map1 = affine_map<(d0, d1) -> (0, 0, 0)>
module attributes {stable_mosaic.version = 14 : i64} {
  func.func @_sc_deg_body(%arg0: i32, %arg1: i32, %arg2: memref<320000xi32, #tpu.memory_space<hbm>>, %arg3: memref<2x5120x128xf32, #tpu.memory_space<hbm>>, %arg4: memref<5128x128xf32, #tpu.memory_space<vmem_shared>>, %arg5: memref<80xi32, #tpu.memory_space<vmem>>, %arg6: memref<80xi32, #tpu.memory_space<vmem>>, %arg7: memref<80x128xf32, #tpu.memory_space<vmem>>, %arg8: memref<320x128xf32, #tpu.memory_space<vmem>>) attributes {dimension_semantics = [#tpu.dimension_semantics<core_parallel>, #tpu.dimension_semantics<subcore_parallel>], iteration_bounds = array<i64: 2, 16>, scalar_prefetch = 0 : i64, scratch_operands = 5 : i64, tpu.core_type = #tpu.core_type<sc_vector_subcore>, window_params = [{transform_indices = #map}, {transform_indices = #map1}]} {
    %mul3A = arith.constant 320 : i32
    %mul3A_0 = arith.muli %arg1, %mul3A : i32
    %mul3A_1 = arith.constant 5120 : i32
    %mul3A_2 = arith.muli %arg0, %mul3A_1 : i32
    %broadcast_in_dim3A = arith.constant 0.000000e+00 : f32
    %broadcast_in_dim3A_3 = vector.broadcast %broadcast_in_dim3A : f32 to vector<16xf32>
    %broadcast_in_dim3A_4 = arith.constant 1.000000e+00 : f32
    %broadcast_in_dim3A_5 = vector.broadcast %broadcast_in_dim3A_4 : f32 to vector<16xf32>
    %scan3A = arith.constant 0 : i32
    %scan3A_6 = arith.constant 320 : i32
    %scan3A_7 = arith.addi %scan3A, %scan3A_6 : i32
    %scan3A_8 = arith.constant 1 : i32
    scf.for %scan3A_21 = %scan3A to %scan3A_7 step %scan3A_8  : i32 {
      %mul3A_22 = arith.constant 1 : i32
      %mul3A_23 = arith.muli %scan3A_21, %mul3A_22 : i32
      %add3A = arith.constant 0 : i32
      %add3A_24 = arith.addi %add3A, %mul3A_23 : i32
      %swap3A = arith.index_cast %add3A_24 : i32 to index
      %swap3A_25 = arith.constant 0 : index
      %swap3A_26 = tpu.vector_load %arg8[%swap3A, %swap3A_25] {strides = array<i32>} : memref<320x128xf32, #tpu.memory_space<vmem>>, vector<1x16xf32>,
      %swap3A_27 = vector.shape_cast %swap3A_26 : vector<1x16xf32> to vector<16xf32>
      %swap3A_28 = vector.shape_cast %broadcast_in_dim3A_3 : vector<16xf32> to vector<1x16xf32>
      tpu.vector_store %arg8[%swap3A, %swap3A_25], %swap3A_28 {strides = array<i32>} : memref<320x128xf32, #tpu.memory_space<vmem>>, vector<1x16xf32>,
      %swap3A_29 = arith.index_cast %add3A_24 : i32 to index
      %swap3A_30 = arith.constant 16 : index
      %swap3A_31 = tpu.vector_load %arg8[%swap3A_29, %swap3A_30] {strides = array<i32>} : memref<320x128xf32, #tpu.memory_space<vmem>>, vector<1x16xf32>,
      %swap3A_32 = vector.shape_cast %swap3A_31 : vector<1x16xf32> to vector<16xf32>
      %swap3A_33 = vector.shape_cast %broadcast_in_dim3A_3 : vector<16xf32> to vector<1x16xf32>
      tpu.vector_store %arg8[%swap3A_29, %swap3A_30], %swap3A_33 {strides = array<i32>} : memref<320x128xf32, #tpu.memory_space<vmem>>, vector<1x16xf32>,
      %swap3A_34 = arith.index_cast %add3A_24 : i32 to index
      %swap3A_35 = arith.constant 32 : index
      %swap3A_36 = tpu.vector_load %arg8[%swap3A_34, %swap3A_35] {strides = array<i32>} : memref<320x128xf32, #tpu.memory_space<vmem>>, vector<1x16xf32>,
      %swap3A_37 = vector.shape_cast %swap3A_36 : vector<1x16xf32> to vector<16xf32>
      %swap3A_38 = vector.shape_cast %broadcast_in_dim3A_3 : vector<16xf32> to vector<1x16xf32>
      tpu.vector_store %arg8[%swap3A_34, %swap3A_35], %swap3A_38 {strides = array<i32>} : memref<320x128xf32, #tpu.memory_space<vmem>>, vector<1x16xf32>,
      %swap3A_39 = arith.index_cast %add3A_24 : i32 to index
      %swap3A_40 = arith.constant 48 : index
      %swap3A_41 = tpu.vector_load %arg8[%swap3A_39, %swap3A_40] {strides = array<i32>} : memref<320x128xf32, #tpu.memory_space<vmem>>, vector<1x16xf32>,
      %swap3A_42 = vector.shape_cast %swap3A_41 : vector<1x16xf32> to vector<16xf32>
      %swap3A_43 = vector.shape_cast %broadcast_in_dim3A_3 : vector<16xf32> to vector<1x16xf32>
      tpu.vector_store %arg8[%swap3A_39, %swap3A_40], %swap3A_43 {strides = array<i32>} : memref<320x128xf32, #tpu.memory_space<vmem>>, vector<1x16xf32>,
      %swap3A_44 = arith.index_cast %add3A_24 : i32 to index
      %swap3A_45 = arith.constant 64 : index
      %swap3A_46 = tpu.vector_load %arg8[%swap3A_44, %swap3A_45] {strides = array<i32>} : memref<320x128xf32, #tpu.memory_space<vmem>>, vector<1x16xf32>,
      %swap3A_47 = vector.shape_cast %swap3A_46 : vector<1x16xf32> to vector<16xf32>
      %swap3A_48 = vector.shape_cast %broadcast_in_dim3A_3 : vector<16xf32> to vector<1x16xf32>
      tpu.vector_store %arg8[%swap3A_44, %swap3A_45], %swap3A_48 {strides = array<i32>} : memref<320x128xf32, #tpu.memory_space<vmem>>, vector<1x16xf32>,
      %swap3A_49 = arith.index_cast %add3A_24 : i32 to index
      %swap3A_50 = arith.constant 80 : index
      %swap3A_51 = tpu.vector_load %arg8[%swap3A_49, %swap3A_50] {strides = array<i32>} : memref<320x128xf32, #tpu.memory_space<vmem>>, vector<1x16xf32>,
      %swap3A_52 = vector.shape_cast %swap3A_51 : vector<1x16xf32> to vector<16xf32>
      %swap3A_53 = vector.shape_cast %broadcast_in_dim3A_3 : vector<16xf32> to vector<1x16xf32>
      tpu.vector_store %arg8[%swap3A_49, %swap3A_50], %swap3A_53 {strides = array<i32>} : memref<320x128xf32, #tpu.memory_space<vmem>>, vector<1x16xf32>,
      %swap3A_54 = arith.index_cast %add3A_24 : i32 to index
      %swap3A_55 = arith.constant 96 : index
      %swap3A_56 = tpu.vector_load %arg8[%swap3A_54, %swap3A_55] {strides = array<i32>} : memref<320x128xf32, #tpu.memory_space<vmem>>, vector<1x16xf32>,
      %swap3A_57 = vector.shape_cast %swap3A_56 : vector<1x16xf32> to vector<16xf32>
      %swap3A_58 = vector.shape_cast %broadcast_in_dim3A_3 : vector<16xf32> to vector<1x16xf32>
      tpu.vector_store %arg8[%swap3A_54, %swap3A_55], %swap3A_58 {strides = array<i32>} : memref<320x128xf32, #tpu.memory_space<vmem>>, vector<1x16xf32>,
      %swap3A_59 = arith.index_cast %add3A_24 : i32 to index
      %swap3A_60 = arith.constant 112 : index
      %swap3A_61 = tpu.vector_load %arg8[%swap3A_59, %swap3A_60] {strides = array<i32>} : memref<320x128xf32, #tpu.memory_space<vmem>>, vector<1x16xf32>,
      %swap3A_62 = vector.shape_cast %swap3A_61 : vector<1x16xf32> to vector<16xf32>
      %swap3A_63 = vector.shape_cast %broadcast_in_dim3A_3 : vector<16xf32> to vector<1x16xf32>
      tpu.vector_store %arg8[%swap3A_59, %swap3A_60], %swap3A_63 {strides = array<i32>} : memref<320x128xf32, #tpu.memory_space<vmem>>, vector<1x16xf32>,
    }
    %scan3A_9 = arith.constant 320 : i32
    %scan3A_10 = arith.constant 0 : i32
    %scan3A_11 = arith.constant 80 : i32
    %scan3A_12 = arith.addi %scan3A_10, %scan3A_11 : i32
    %scan3A_13 = arith.constant 1 : i32
    scf.for %scan3A_21 = %scan3A_10 to %scan3A_12 step %scan3A_13  : i32 {
      %mul3A_22 = arith.constant 1 : i32
      %mul3A_23 = arith.muli %scan3A_21, %mul3A_22 : i32
      %add3A = arith.constant 0 : i32
      %add3A_24 = arith.addi %add3A, %mul3A_23 : i32
      %swap3A = arith.index_cast %add3A_24 : i32 to index
      %swap3A_25 = arith.constant 0 : index
      %swap3A_26 = tpu.vector_load %arg7[%swap3A, %swap3A_25] {strides = array<i32>} : memref<80x128xf32, #tpu.memory_space<vmem>>, vector<1x16xf32>,
      %swap3A_27 = vector.shape_cast %swap3A_26 : vector<1x16xf32> to vector<16xf32>
      %swap3A_28 = vector.shape_cast %broadcast_in_dim3A_5 : vector<16xf32> to vector<1x16xf32>
      tpu.vector_store %arg7[%swap3A, %swap3A_25], %swap3A_28 {strides = array<i32>} : memref<80x128xf32, #tpu.memory_space<vmem>>, vector<1x16xf32>,
      %swap3A_29 = arith.index_cast %add3A_24 : i32 to index
      %swap3A_30 = arith.constant 16 : index
      %swap3A_31 = tpu.vector_load %arg7[%swap3A_29, %swap3A_30] {strides = array<i32>} : memref<80x128xf32, #tpu.memory_space<vmem>>, vector<1x16xf32>,
      %swap3A_32 = vector.shape_cast %swap3A_31 : vector<1x16xf32> to vector<16xf32>
      %swap3A_33 = vector.shape_cast %broadcast_in_dim3A_5 : vector<16xf32> to vector<1x16xf32>
      tpu.vector_store %arg7[%swap3A_29, %swap3A_30], %swap3A_33 {strides = array<i32>} : memref<80x128xf32, #tpu.memory_space<vmem>>, vector<1x16xf32>,
      %swap3A_34 = arith.index_cast %add3A_24 : i32 to index
      %swap3A_35 = arith.constant 32 : index
      %swap3A_36 = tpu.vector_load %arg7[%swap3A_34, %swap3A_35] {strides = array<i32>} : memref<80x128xf32, #tpu.memory_space<vmem>>, vector<1x16xf32>,
      %swap3A_37 = vector.shape_cast %swap3A_36 : vector<1x16xf32> to vector<16xf32>
      %swap3A_38 = vector.shape_cast %broadcast_in_dim3A_5 : vector<16xf32> to vector<1x16xf32>
      tpu.vector_store %arg7[%swap3A_34, %swap3A_35], %swap3A_38 {strides = array<i32>} : memref<80x128xf32, #tpu.memory_space<vmem>>, vector<1x16xf32>,
      %swap3A_39 = arith.index_cast %add3A_24 : i32 to index
      %swap3A_40 = arith.constant 48 : index
      %swap3A_41 = tpu.vector_load %arg7[%swap3A_39, %swap3A_40] {strides = array<i32>} : memref<80x128xf32, #tpu.memory_space<vmem>>, vector<1x16xf32>,
      %swap3A_42 = vector.shape_cast %swap3A_41 : vector<1x16xf32> to vector<16xf32>
      %swap3A_43 = vector.shape_cast %broadcast_in_dim3A_5 : vector<16xf32> to vector<1x16xf32>
      tpu.vector_store %arg7[%swap3A_39, %swap3A_40], %swap3A_43 {strides = array<i32>} : memref<80x128xf32, #tpu.memory_space<vmem>>, vector<1x16xf32>,
      %swap3A_44 = arith.index_cast %add3A_24 : i32 to index
      %swap3A_45 = arith.constant 64 : index
      %swap3A_46 = tpu.vector_load %arg7[%swap3A_44, %swap3A_45] {strides = array<i32>} : memref<80x128xf32, #tpu.memory_space<vmem>>, vector<1x16xf32>,
      %swap3A_47 = vector.shape_cast %swap3A_46 : vector<1x16xf32> to vector<16xf32>
      %swap3A_48 = vector.shape_cast %broadcast_in_dim3A_5 : vector<16xf32> to vector<1x16xf32>
      tpu.vector_store %arg7[%swap3A_44, %swap3A_45], %swap3A_48 {strides = array<i32>} : memref<80x128xf32, #tpu.memory_space<vmem>>, vector<1x16xf32>,
      %swap3A_49 = arith.index_cast %add3A_24 : i32 to index
      %swap3A_50 = arith.constant 80 : index
      %swap3A_51 = tpu.vector_load %arg7[%swap3A_49, %swap3A_50] {strides = array<i32>} : memref<80x128xf32, #tpu.memory_space<vmem>>, vector<1x16xf32>,
      %swap3A_52 = vector.shape_cast %swap3A_51 : vector<1x16xf32> to vector<16xf32>
      %swap3A_53 = vector.shape_cast %broadcast_in_dim3A_5 : vector<16xf32> to vector<1x16xf32>
      tpu.vector_store %arg7[%swap3A_49, %swap3A_50], %swap3A_53 {strides = array<i32>} : memref<80x128xf32, #tpu.memory_space<vmem>>, vector<1x16xf32>,
      %swap3A_54 = arith.index_cast %add3A_24 : i32 to index
      %swap3A_55 = arith.constant 96 : index
      %swap3A_56 = tpu.vector_load %arg7[%swap3A_54, %swap3A_55] {strides = array<i32>} : memref<80x128xf32, #tpu.memory_space<vmem>>, vector<1x16xf32>,
      %swap3A_57 = vector.shape_cast %swap3A_56 : vector<1x16xf32> to vector<16xf32>
      %swap3A_58 = vector.shape_cast %broadcast_in_dim3A_5 : vector<16xf32> to vector<1x16xf32>
      tpu.vector_store %arg7[%swap3A_54, %swap3A_55], %swap3A_58 {strides = array<i32>} : memref<80x128xf32, #tpu.memory_space<vmem>>, vector<1x16xf32>,
      %swap3A_59 = arith.index_cast %add3A_24 : i32 to index
      %swap3A_60 = arith.constant 112 : index
      %swap3A_61 = tpu.vector_load %arg7[%swap3A_59, %swap3A_60] {strides = array<i32>} : memref<80x128xf32, #tpu.memory_space<vmem>>, vector<1x16xf32>,
      %swap3A_62 = vector.shape_cast %swap3A_61 : vector<1x16xf32> to vector<16xf32>
      %swap3A_63 = vector.shape_cast %broadcast_in_dim3A_5 : vector<16xf32> to vector<1x16xf32>
      tpu.vector_store %arg7[%swap3A_59, %swap3A_60], %swap3A_63 {strides = array<i32>} : memref<80x128xf32, #tpu.memory_space<vmem>>, vector<1x16xf32>,
    }
    %scan3A_14 = arith.constant 80 : i32
    "tpu.region"() ({
      %run_scoped3A = tpu.sem_alloc : memref<!tpu.dma_semaphore, #tpu.memory_space<semaphore_mem>>
      %dma_start3A = arith.constant 0 : i32
      %dma_start3A_21 = tpu.memref_slice %arg4[%mul3A_0, %dma_start3A] : memref<5128x128xf32, #tpu.memory_space<vmem_shared>> -> memref<320x128xf32, #tpu.memory_space<vmem_shared>>
      %dma_start3A_22 = arith.constant 0 : i32
      %dma_start3A_23 = tpu.memref_slice %arg4[%mul3A_0, %dma_start3A_22] : memref<5128x128xf32, #tpu.memory_space<vmem_shared>> -> memref<320x128xf32, #tpu.memory_space<vmem_shared>>
      tpu.enqueue_dma source(%arg8 : memref<320x128xf32, #tpu.memory_space<vmem>>) target(%dma_start3A_23 : memref<320x128xf32, #tpu.memory_space<vmem_shared>>) target_semaphore(%run_scoped3A : memref<!tpu.dma_semaphore, #tpu.memory_space<semaphore_mem>>)
      %dma_wait3A = arith.constant 0 : i32
      %dma_wait3A_24 = tpu.memref_slice %arg4[%mul3A_0, %dma_wait3A] : memref<5128x128xf32, #tpu.memory_space<vmem_shared>> -> memref<320x128xf32, #tpu.memory_space<vmem_shared>>
      %dma_wait3A_25 = arith.constant 0 : i32
      %dma_wait3A_26 = tpu.memref_slice %arg4[%mul3A_0, %dma_wait3A_25] : memref<5128x128xf32, #tpu.memory_space<vmem_shared>> -> memref<320x128xf32, #tpu.memory_space<vmem_shared>>
      tpu.wait_dma2 semaphore(%run_scoped3A : memref<!tpu.dma_semaphore, #tpu.memory_space<semaphore_mem>>) src(%arg8 : memref<320x128xf32, #tpu.memory_space<vmem>>) dst(%dma_wait3A_26 : memref<320x128xf32, #tpu.memory_space<vmem_shared>>)
      tpu.yield
    }) : () -> ()
    %barrier3A = arith.constant 0 : index
    tpu.barrier barrier_id(%barrier3A)
    %scan3A_15 = arith.constant 0 : i32
    %scan3A_16 = arith.constant 250 : i32
    %scan3A_17 = arith.addi %scan3A_15, %scan3A_16 : i32
    %scan3A_18 = arith.constant 1 : i32
    scf.for %scan3A_21 = %scan3A_15 to %scan3A_17 step %scan3A_18  : i32 {
      %mul3A_22 = arith.constant 1 : i32
      %mul3A_23 = arith.muli %scan3A_21, %mul3A_22 : i32
      %add3A = arith.constant 0 : i32
      %add3A_24 = arith.addi %add3A, %mul3A_23 : i32
      %mul3A_25 = arith.constant 20000 : i32
      %mul3A_26 = arith.muli %arg1, %mul3A_25 : i32
      %mul3A_27 = arith.constant 80 : i32
      %mul3A_28 = arith.muli %add3A_24, %mul3A_27 : i32
      %add3A_29 = arith.addi %mul3A_26, %mul3A_28 : i32
      %multiple_of3A = tpu.assume_multiple %add3A_29, 8 : i32
      "tpu.region"() ({
        %run_scoped3A = tpu.sem_alloc : memref<!tpu.dma_semaphore, #tpu.memory_space<semaphore_mem>>
        %dma_start3A = tpu.memref_slice %arg2[%multiple_of3A] : memref<320000xi32, #tpu.memory_space<hbm>> -> memref<80xi32, #tpu.memory_space<hbm>>
        %dma_start3A_117 = tpu.memref_slice %arg2[%multiple_of3A] : memref<320000xi32, #tpu.memory_space<hbm>> -> memref<80xi32, #tpu.memory_space<hbm>>
        tpu.enqueue_dma source(%dma_start3A_117 : memref<80xi32, #tpu.memory_space<hbm>>) target(%arg5 : memref<80xi32, #tpu.memory_space<vmem>>) target_semaphore(%run_scoped3A : memref<!tpu.dma_semaphore, #tpu.memory_space<semaphore_mem>>)
        %dma_wait3A = tpu.memref_slice %arg2[%multiple_of3A] : memref<320000xi32, #tpu.memory_space<hbm>> -> memref<80xi32, #tpu.memory_space<hbm>>
        %dma_wait3A_118 = tpu.memref_slice %arg2[%multiple_of3A] : memref<320000xi32, #tpu.memory_space<hbm>> -> memref<80xi32, #tpu.memory_space<hbm>>
        tpu.wait_dma2 semaphore(%run_scoped3A : memref<!tpu.dma_semaphore, #tpu.memory_space<semaphore_mem>>) src(%dma_wait3A_118 : memref<80xi32, #tpu.memory_space<hbm>>) dst(%arg5 : memref<80xi32, #tpu.memory_space<vmem>>)
        tpu.yield
      }) : () -> ()
      %get3A = arith.constant 0 : index
      %get3A_30 = tpu.vector_load %arg5[%get3A] {strides = array<i32>} : memref<80xi32, #tpu.memory_space<vmem>>, vector<16xi32>,
      %get3A_31 = vector.shape_cast %get3A_30 : vector<16xi32> to vector<16xi32>
      %sub3A = vector.broadcast %mul3A_2 : i32 to vector<16xi32>
      %sub3A_32 = arith.subi %get3A_31, %sub3A : vector<16xi32>
      %ge3A = arith.constant 0 : i32
      %ge3A_33 = vector.broadcast %ge3A : i32 to vector<16xi32>
      %ge3A_34 = arith.cmpi sge, %sub3A_32, %ge3A_33 : vector<16xi32>
      %lt3A = arith.constant 5120 : i32
      %lt3A_35 = vector.broadcast %lt3A : i32 to vector<16xi32>
      %lt3A_36 = arith.cmpi slt, %sub3A_32, %lt3A_35 : vector<16xi32>
      %and3A = arith.andi %ge3A_34, %lt3A_36 : vector<16xi1>
      %jit3A = arith.constant 5120 : i32
      %broadcast_in_dim3A_37 = vector.broadcast %jit3A : i32 to vector<16xi32>
      %select_n3A = arith.select %and3A, %sub3A_32, %broadcast_in_dim3A_37 : vector<16xi1>, vector<16xi32>
      %swap3A = arith.constant 0 : index
      %swap3A_38 = tpu.vector_load %arg6[%swap3A] {strides = array<i32>} : memref<80xi32, #tpu.memory_space<vmem>>, vector<16xi32>,
      %swap3A_39 = vector.shape_cast %swap3A_38 : vector<16xi32> to vector<16xi32>
      %swap3A_40 = vector.shape_cast %select_n3A : vector<16xi32> to vector<16xi32>
      tpu.vector_store %arg6[%swap3A], %swap3A_40 {strides = array<i32>} : memref<80xi32, #tpu.memory_space<vmem>>, vector<16xi32>,
      %get3A_41 = arith.constant 16 : index
      %get3A_42 = tpu.vector_load %arg5[%get3A_41] {strides = array<i32>} : memref<80xi32, #tpu.memory_space<vmem>>, vector<16xi32>,
      %get3A_43 = vector.shape_cast %get3A_42 : vector<16xi32> to vector<16xi32>
      %sub3A_44 = vector.broadcast %mul3A_2 : i32 to vector<16xi32>
      %sub3A_45 = arith.subi %get3A_43, %sub3A_44 : vector<16xi32>
      %ge3A_46 = arith.constant 0 : i32
      %ge3A_47 = vector.broadcast %ge3A_46 : i32 to vector<16xi32>
      %ge3A_48 = arith.cmpi sge, %sub3A_45, %ge3A_47 : vector<16xi32>
      %lt3A_49 = arith.constant 5120 : i32
      %lt3A_50 = vector.broadcast %lt3A_49 : i32 to vector<16xi32>
      %lt3A_51 = arith.cmpi slt, %sub3A_45, %lt3A_50 : vector<16xi32>
      %and3A_52 = arith.andi %ge3A_48, %lt3A_51 : vector<16xi1>
      %jit3A_53 = arith.constant 5120 : i32
      %broadcast_in_dim3A_54 = vector.broadcast %jit3A_53 : i32 to vector<16xi32>
      %select_n3A_55 = arith.select %and3A_52, %sub3A_45, %broadcast_in_dim3A_54 : vector<16xi1>, vector<16xi32>
      %swap3A_56 = arith.constant 16 : index
      %swap3A_57 = tpu.vector_load %arg6[%swap3A_56] {strides = array<i32>} : memref<80xi32, #tpu.memory_space<vmem>>, vector<16xi32>,
      %swap3A_58 = vector.shape_cast %swap3A_57 : vector<16xi32> to vector<16xi32>
      %swap3A_59 = vector.shape_cast %select_n3A_55 : vector<16xi32> to vector<16xi32>
      tpu.vector_store %arg6[%swap3A_56], %swap3A_59 {strides = array<i32>} : memref<80xi32, #tpu.memory_space<vmem>>, vector<16xi32>,
      %get3A_60 = arith.constant 32 : index
      %get3A_61 = tpu.vector_load %arg5[%get3A_60] {strides = array<i32>} : memref<80xi32, #tpu.memory_space<vmem>>, vector<16xi32>,
      %get3A_62 = vector.shape_cast %get3A_61 : vector<16xi32> to vector<16xi32>
      %sub3A_63 = vector.broadcast %mul3A_2 : i32 to vector<16xi32>
      %sub3A_64 = arith.subi %get3A_62, %sub3A_63 : vector<16xi32>
      %ge3A_65 = arith.constant 0 : i32
      %ge3A_66 = vector.broadcast %ge3A_65 : i32 to vector<16xi32>
      %ge3A_67 = arith.cmpi sge, %sub3A_64, %ge3A_66 : vector<16xi32>
      %lt3A_68 = arith.constant 5120 : i32
      %lt3A_69 = vector.broadcast %lt3A_68 : i32 to vector<16xi32>
      %lt3A_70 = arith.cmpi slt, %sub3A_64, %lt3A_69 : vector<16xi32>
      %and3A_71 = arith.andi %ge3A_67, %lt3A_70 : vector<16xi1>
      %jit3A_72 = arith.constant 5120 : i32
      %broadcast_in_dim3A_73 = vector.broadcast %jit3A_72 : i32 to vector<16xi32>
      %select_n3A_74 = arith.select %and3A_71, %sub3A_64, %broadcast_in_dim3A_73 : vector<16xi1>, vector<16xi32>
      %swap3A_75 = arith.constant 32 : index
      %swap3A_76 = tpu.vector_load %arg6[%swap3A_75] {strides = array<i32>} : memref<80xi32, #tpu.memory_space<vmem>>, vector<16xi32>,
      %swap3A_77 = vector.shape_cast %swap3A_76 : vector<16xi32> to vector<16xi32>
      %swap3A_78 = vector.shape_cast %select_n3A_74 : vector<16xi32> to vector<16xi32>
      tpu.vector_store %arg6[%swap3A_75], %swap3A_78 {strides = array<i32>} : memref<80xi32, #tpu.memory_space<vmem>>, vector<16xi32>,
      %get3A_79 = arith.constant 48 : index
      %get3A_80 = tpu.vector_load %arg5[%get3A_79] {strides = array<i32>} : memref<80xi32, #tpu.memory_space<vmem>>, vector<16xi32>,
      %get3A_81 = vector.shape_cast %get3A_80 : vector<16xi32> to vector<16xi32>
      %sub3A_82 = vector.broadcast %mul3A_2 : i32 to vector<16xi32>
      %sub3A_83 = arith.subi %get3A_81, %sub3A_82 : vector<16xi32>
      %ge3A_84 = arith.constant 0 : i32
      %ge3A_85 = vector.broadcast %ge3A_84 : i32 to vector<16xi32>
      %ge3A_86 = arith.cmpi sge, %sub3A_83, %ge3A_85 : vector<16xi32>
      %lt3A_87 = arith.constant 5120 : i32
      %lt3A_88 = vector.broadcast %lt3A_87 : i32 to vector<16xi32>
      %lt3A_89 = arith.cmpi slt, %sub3A_83, %lt3A_88 : vector<16xi32>
      %and3A_90 = arith.andi %ge3A_86, %lt3A_89 : vector<16xi1>
      %jit3A_91 = arith.constant 5120 : i32
      %broadcast_in_dim3A_92 = vector.broadcast %jit3A_91 : i32 to vector<16xi32>
      %select_n3A_93 = arith.select %and3A_90, %sub3A_83, %broadcast_in_dim3A_92 : vector<16xi1>, vector<16xi32>
      %swap3A_94 = arith.constant 48 : index
      %swap3A_95 = tpu.vector_load %arg6[%swap3A_94] {strides = array<i32>} : memref<80xi32, #tpu.memory_space<vmem>>, vector<16xi32>,
      %swap3A_96 = vector.shape_cast %swap3A_95 : vector<16xi32> to vector<16xi32>
      %swap3A_97 = vector.shape_cast %select_n3A_93 : vector<16xi32> to vector<16xi32>
      tpu.vector_store %arg6[%swap3A_94], %swap3A_97 {strides = array<i32>} : memref<80xi32, #tpu.memory_space<vmem>>, vector<16xi32>,
      %get3A_98 = arith.constant 64 : index
      %get3A_99 = tpu.vector_load %arg5[%get3A_98] {strides = array<i32>} : memref<80xi32, #tpu.memory_space<vmem>>, vector<16xi32>,
      %get3A_100 = vector.shape_cast %get3A_99 : vector<16xi32> to vector<16xi32>
      %sub3A_101 = vector.broadcast %mul3A_2 : i32 to vector<16xi32>
      %sub3A_102 = arith.subi %get3A_100, %sub3A_101 : vector<16xi32>
      %ge3A_103 = arith.constant 0 : i32
      %ge3A_104 = vector.broadcast %ge3A_103 : i32 to vector<16xi32>
      %ge3A_105 = arith.cmpi sge, %sub3A_102, %ge3A_104 : vector<16xi32>
      %lt3A_106 = arith.constant 5120 : i32
      %lt3A_107 = vector.broadcast %lt3A_106 : i32 to vector<16xi32>
      %lt3A_108 = arith.cmpi slt, %sub3A_102, %lt3A_107 : vector<16xi32>
      %and3A_109 = arith.andi %ge3A_105, %lt3A_108 : vector<16xi1>
      %jit3A_110 = arith.constant 5120 : i32
      %broadcast_in_dim3A_111 = vector.broadcast %jit3A_110 : i32 to vector<16xi32>
      %select_n3A_112 = arith.select %and3A_109, %sub3A_102, %broadcast_in_dim3A_111 : vector<16xi1>, vector<16xi32>
      %swap3A_113 = arith.constant 64 : index
      %swap3A_114 = tpu.vector_load %arg6[%swap3A_113] {strides = array<i32>} : memref<80xi32, #tpu.memory_space<vmem>>, vector<16xi32>,
      %swap3A_115 = vector.shape_cast %swap3A_114 : vector<16xi32> to vector<16xi32>
      %swap3A_116 = vector.shape_cast %select_n3A_112 : vector<16xi32> to vector<16xi32>
      tpu.vector_store %arg6[%swap3A_113], %swap3A_116 {strides = array<i32>} : memref<80xi32, #tpu.memory_space<vmem>>, vector<16xi32>,
      "tpu.region"() ({
        %run_scoped3A = tpu.sem_alloc : memref<!tpu.dma_semaphore, #tpu.memory_space<semaphore_mem>>
        %dma_start3A = arith.constant 0 : i32
        %dma_start3A_117 = arith.constant 0 : i32
        %dma_start3A_118 = tpu.memref_slice %arg4[%dma_start3A, %dma_start3A_117] : memref<5128x128xf32, #tpu.memory_space<vmem_shared>> -> memref<5128x128xf32, #tpu.memory_space<vmem_shared>>
        tpu.enqueue_indirect_dma source(%arg7 : memref<80x128xf32, #tpu.memory_space<vmem>>) target(%dma_start3A_118 : memref<5128x128xf32, #tpu.memory_space<vmem_shared>>) offsets(%arg6 : memref<80xi32, #tpu.memory_space<vmem>>) semaphore(%run_scoped3A : memref<!tpu.dma_semaphore, #tpu.memory_space<semaphore_mem>>) {add = true}
        %dma_wait3A = arith.constant 0 : i32
        %dma_wait3A_119 = arith.constant 0 : i32
        %dma_wait3A_120 = tpu.memref_slice %arg4[%dma_wait3A, %dma_wait3A_119] : memref<5128x128xf32, #tpu.memory_space<vmem_shared>> -> memref<5128x128xf32, #tpu.memory_space<vmem_shared>>
        tpu.wait_indirect_dma semaphore(%run_scoped3A : memref<!tpu.dma_semaphore, #tpu.memory_space<semaphore_mem>>) src(%arg7 : memref<80x128xf32, #tpu.memory_space<vmem>>) dst(%dma_wait3A_120 : memref<5128x128xf32, #tpu.memory_space<vmem_shared>>)
        tpu.yield
      }) : () -> ()
    }
    %scan3A_19 = arith.constant 250 : i32
    %barrier3A_20 = arith.constant 0 : index
    tpu.barrier barrier_id(%barrier3A_20)
    "tpu.region"() ({
      %run_scoped3A = tpu.sem_alloc : memref<!tpu.dma_semaphore, #tpu.memory_space<semaphore_mem>>
      %dma_start3A = arith.constant 0 : i32
      %dma_start3A_21 = arith.constant 0 : i32
      %dma_start3A_22 = tpu.memref_slice %arg3[%arg0, %dma_start3A, %dma_start3A_21] : memref<2x5120x128xf32, #tpu.memory_space<hbm>> -> memref<1x5120x128xf32, #tpu.memory_space<hbm>>
      %dma_start3A_23 = tpu.memref_squeeze %dma_start3A_22 : memref<1x5120x128xf32, #tpu.memory_space<hbm>> -> memref<5120x128xf32, #tpu.memory_space<hbm>>
      %dma_start3A_24 = arith.constant 0 : i32
      %dma_start3A_25 = tpu.memref_slice %dma_start3A_23[%mul3A_0, %dma_start3A_24] : memref<5120x128xf32, #tpu.memory_space<hbm>> -> memref<320x128xf32, #tpu.memory_space<hbm>>
      %dma_start3A_26 = arith.constant 0 : i32
      %dma_start3A_27 = tpu.memref_slice %arg4[%mul3A_0, %dma_start3A_26] : memref<5128x128xf32, #tpu.memory_space<vmem_shared>> -> memref<320x128xf32, #tpu.memory_space<vmem_shared>>
      tpu.enqueue_dma source(%dma_start3A_27 : memref<320x128xf32, #tpu.memory_space<vmem_shared>>) target(%dma_start3A_25 : memref<320x128xf32, #tpu.memory_space<hbm>>) target_semaphore(%run_scoped3A : memref<!tpu.dma_semaphore, #tpu.memory_space<semaphore_mem>>)
      %dma_wait3A = arith.constant 0 : i32
      %dma_wait3A_28 = arith.constant 0 : i32
      %dma_wait3A_29 = tpu.memref_slice %arg3[%arg0, %dma_wait3A, %dma_wait3A_28] : memref<2x5120x128xf32, #tpu.memory_space<hbm>> -> memref<1x5120x128xf32, #tpu.memory_space<hbm>>
      %dma_wait3A_30 = tpu.memref_squeeze %dma_wait3A_29 : memref<1x5120x128xf32, #tpu.memory_space<hbm>> -> memref<5120x128xf32, #tpu.memory_space<hbm>>
      %dma_wait3A_31 = arith.constant 0 : i32
      %dma_wait3A_32 = tpu.memref_slice %dma_wait3A_30[%mul3A_0, %dma_wait3A_31] : memref<5120x128xf32, #tpu.memory_space<hbm>> -> memref<320x128xf32, #tpu.memory_space<hbm>>
      %dma_wait3A_33 = arith.constant 0 : i32
      %dma_wait3A_34 = tpu.memref_slice %arg4[%mul3A_0, %dma_wait3A_33] : memref<5128x128xf32, #tpu.memory_space<vmem_shared>> -> memref<320x128xf32, #tpu.memory_space<vmem_shared>>
      tpu.wait_dma2 semaphore(%run_scoped3A : memref<!tpu.dma_semaphore, #tpu.memory_space<semaphore_mem>>) src(%dma_wait3A_34 : memref<320x128xf32, #tpu.memory_space<vmem_shared>>) dst(%dma_wait3A_32 : memref<320x128xf32, #tpu.memory_space<hbm>>)
      tpu.yield
    }) : () -> ()
    return
  }
}

#map = affine_map<(d0, d1) -> (0)>
#map1 = affine_map<(d0, d1) -> (0, 0)>
#map2 = affine_map<(d0, d1) -> (0, 0, 0)>
module attributes {stable_mosaic.version = 14 : i64} {
  func.func @_sc_edge_body(%arg0: i32, %arg1: i32, %arg2: memref<960000xi32, #tpu.memory_space<hbm>>, %arg3: memref<10000x128xf32, #tpu.memory_space<hbm>>, %arg4: memref<200x128xf32, #tpu.memory_space<hbm>>, %arg5: memref<2x5120x128xf32, #tpu.memory_space<hbm>>, %arg6: memref<5128x128xf32, #tpu.memory_space<vmem_shared>>, %arg7: memref<240xi32, #tpu.memory_space<vmem>>, %arg8: memref<240xi32, #tpu.memory_space<vmem>>, %arg9: memref<80xi32, #tpu.memory_space<vmem>>, %arg10: memref<80x128xf32, #tpu.memory_space<vmem>>, %arg11: memref<80x128xf32, #tpu.memory_space<vmem>>, %arg12: memref<80x128xf32, #tpu.memory_space<vmem>>, %arg13: memref<80x128xf32, #tpu.memory_space<vmem>>, %arg14: memref<320x128xf32, #tpu.memory_space<vmem>>, %arg15: memref<!tpu.dma_semaphore, #tpu.memory_space<semaphore_mem>>, %arg16: memref<!tpu.dma_semaphore, #tpu.memory_space<semaphore_mem>>, %arg17: memref<!tpu.dma_semaphore, #tpu.memory_space<semaphore_mem>>, %arg18: memref<!tpu.dma_semaphore, #tpu.memory_space<semaphore_mem>>) attributes {dimension_semantics = [#tpu.dimension_semantics<core_parallel>, #tpu.dimension_semantics<subcore_parallel>], iteration_bounds = array<i64: 2, 16>, scalar_prefetch = 0 : i64, scratch_operands = 13 : i64, tpu.core_type = #tpu.core_type<sc_vector_subcore>, window_params = [{transform_indices = #map}, {transform_indices = #map1}, {transform_indices = #map1}, {transform_indices = #map2}]} {
    %mul3A = arith.constant 320 : i32
    %mul3A_0 = arith.muli %arg1, %mul3A : i32
    %mul3A_1 = arith.constant 5120 : i32
    %mul3A_2 = arith.muli %arg0, %mul3A_1 : i32
    %mul3A_3 = arith.constant 250 : i32
    %mul3A_4 = arith.muli %arg1, %mul3A_3 : i32
    %broadcast_in_dim3A = arith.constant 0.000000e+00 : f32
    %broadcast_in_dim3A_5 = vector.broadcast %broadcast_in_dim3A : f32 to vector<16xf32>
    %iota3A = tpu.iota {dimensions = array<i32: 0>} : vector<16xi32>
    %and3A = arith.constant 7 : i32
    %and3A_6 = vector.broadcast %and3A : i32 to vector<16xi32>
    %and3A_7 = arith.andi %iota3A, %and3A_6 : vector<16xi32>
    %scan3A = arith.constant 0 : i32
    %scan3A_8 = arith.constant 320 : i32
    %scan3A_9 = arith.addi %scan3A, %scan3A_8 : i32
    %scan3A_10 = arith.constant 1 : i32
    scf.for %scan3A_30 = %scan3A to %scan3A_9 step %scan3A_10  : i32 {
      %mul3A_31 = arith.constant 1 : i32
      %mul3A_32 = arith.muli %scan3A_30, %mul3A_31 : i32
      %add3A_33 = arith.constant 0 : i32
      %add3A_34 = arith.addi %add3A_33, %mul3A_32 : i32
      %swap3A = arith.index_cast %add3A_34 : i32 to index
      %swap3A_35 = arith.constant 0 : index
      %swap3A_36 = tpu.vector_load %arg14[%swap3A, %swap3A_35] {strides = array<i32>} : memref<320x128xf32, #tpu.memory_space<vmem>>, vector<1x16xf32>,
      %swap3A_37 = vector.shape_cast %swap3A_36 : vector<1x16xf32> to vector<16xf32>
      %swap3A_38 = vector.shape_cast %broadcast_in_dim3A_5 : vector<16xf32> to vector<1x16xf32>
      tpu.vector_store %arg14[%swap3A, %swap3A_35], %swap3A_38 {strides = array<i32>} : memref<320x128xf32, #tpu.memory_space<vmem>>, vector<1x16xf32>,
      %swap3A_39 = arith.index_cast %add3A_34 : i32 to index
      %swap3A_40 = arith.constant 16 : index
      %swap3A_41 = tpu.vector_load %arg14[%swap3A_39, %swap3A_40] {strides = array<i32>} : memref<320x128xf32, #tpu.memory_space<vmem>>, vector<1x16xf32>,
      %swap3A_42 = vector.shape_cast %swap3A_41 : vector<1x16xf32> to vector<16xf32>
      %swap3A_43 = vector.shape_cast %broadcast_in_dim3A_5 : vector<16xf32> to vector<1x16xf32>
      tpu.vector_store %arg14[%swap3A_39, %swap3A_40], %swap3A_43 {strides = array<i32>} : memref<320x128xf32, #tpu.memory_space<vmem>>, vector<1x16xf32>,
      %swap3A_44 = arith.index_cast %add3A_34 : i32 to index
      %swap3A_45 = arith.constant 32 : index
      %swap3A_46 = tpu.vector_load %arg14[%swap3A_44, %swap3A_45] {strides = array<i32>} : memref<320x128xf32, #tpu.memory_space<vmem>>, vector<1x16xf32>,
      %swap3A_47 = vector.shape_cast %swap3A_46 : vector<1x16xf32> to vector<16xf32>
      %swap3A_48 = vector.shape_cast %broadcast_in_dim3A_5 : vector<16xf32> to vector<1x16xf32>
      tpu.vector_store %arg14[%swap3A_44, %swap3A_45], %swap3A_48 {strides = array<i32>} : memref<320x128xf32, #tpu.memory_space<vmem>>, vector<1x16xf32>,
      %swap3A_49 = arith.index_cast %add3A_34 : i32 to index
      %swap3A_50 = arith.constant 48 : index
      %swap3A_51 = tpu.vector_load %arg14[%swap3A_49, %swap3A_50] {strides = array<i32>} : memref<320x128xf32, #tpu.memory_space<vmem>>, vector<1x16xf32>,
      %swap3A_52 = vector.shape_cast %swap3A_51 : vector<1x16xf32> to vector<16xf32>
      %swap3A_53 = vector.shape_cast %broadcast_in_dim3A_5 : vector<16xf32> to vector<1x16xf32>
      tpu.vector_store %arg14[%swap3A_49, %swap3A_50], %swap3A_53 {strides = array<i32>} : memref<320x128xf32, #tpu.memory_space<vmem>>, vector<1x16xf32>,
      %swap3A_54 = arith.index_cast %add3A_34 : i32 to index
      %swap3A_55 = arith.constant 64 : index
      %swap3A_56 = tpu.vector_load %arg14[%swap3A_54, %swap3A_55] {strides = array<i32>} : memref<320x128xf32, #tpu.memory_space<vmem>>, vector<1x16xf32>,
      %swap3A_57 = vector.shape_cast %swap3A_56 : vector<1x16xf32> to vector<16xf32>
      %swap3A_58 = vector.shape_cast %broadcast_in_dim3A_5 : vector<16xf32> to vector<1x16xf32>
      tpu.vector_store %arg14[%swap3A_54, %swap3A_55], %swap3A_58 {strides = array<i32>} : memref<320x128xf32, #tpu.memory_space<vmem>>, vector<1x16xf32>,
      %swap3A_59 = arith.index_cast %add3A_34 : i32 to index
      %swap3A_60 = arith.constant 80 : index
      %swap3A_61 = tpu.vector_load %arg14[%swap3A_59, %swap3A_60] {strides = array<i32>} : memref<320x128xf32, #tpu.memory_space<vmem>>, vector<1x16xf32>,
      %swap3A_62 = vector.shape_cast %swap3A_61 : vector<1x16xf32> to vector<16xf32>
      %swap3A_63 = vector.shape_cast %broadcast_in_dim3A_5 : vector<16xf32> to vector<1x16xf32>
      tpu.vector_store %arg14[%swap3A_59, %swap3A_60], %swap3A_63 {strides = array<i32>} : memref<320x128xf32, #tpu.memory_space<vmem>>, vector<1x16xf32>,
      %swap3A_64 = arith.index_cast %add3A_34 : i32 to index
      %swap3A_65 = arith.constant 96 : index
      %swap3A_66 = tpu.vector_load %arg14[%swap3A_64, %swap3A_65] {strides = array<i32>} : memref<320x128xf32, #tpu.memory_space<vmem>>, vector<1x16xf32>,
      %swap3A_67 = vector.shape_cast %swap3A_66 : vector<1x16xf32> to vector<16xf32>
      %swap3A_68 = vector.shape_cast %broadcast_in_dim3A_5 : vector<16xf32> to vector<1x16xf32>
      tpu.vector_store %arg14[%swap3A_64, %swap3A_65], %swap3A_68 {strides = array<i32>} : memref<320x128xf32, #tpu.memory_space<vmem>>, vector<1x16xf32>,
      %swap3A_69 = arith.index_cast %add3A_34 : i32 to index
      %swap3A_70 = arith.constant 112 : index
      %swap3A_71 = tpu.vector_load %arg14[%swap3A_69, %swap3A_70] {strides = array<i32>} : memref<320x128xf32, #tpu.memory_space<vmem>>, vector<1x16xf32>,
      %swap3A_72 = vector.shape_cast %swap3A_71 : vector<1x16xf32> to vector<16xf32>
      %swap3A_73 = vector.shape_cast %broadcast_in_dim3A_5 : vector<16xf32> to vector<1x16xf32>
      tpu.vector_store %arg14[%swap3A_69, %swap3A_70], %swap3A_73 {strides = array<i32>} : memref<320x128xf32, #tpu.memory_space<vmem>>, vector<1x16xf32>,
    }
    %scan3A_11 = arith.constant 320 : i32
    "tpu.region"() ({
      %run_scoped3A = tpu.sem_alloc : memref<!tpu.dma_semaphore, #tpu.memory_space<semaphore_mem>>
      %dma_start3A_30 = arith.constant 0 : i32
      %dma_start3A_31 = tpu.memref_slice %arg6[%mul3A_0, %dma_start3A_30] : memref<5128x128xf32, #tpu.memory_space<vmem_shared>> -> memref<320x128xf32, #tpu.memory_space<vmem_shared>>
      %dma_start3A_32 = arith.constant 0 : i32
      %dma_start3A_33 = tpu.memref_slice %arg6[%mul3A_0, %dma_start3A_32] : memref<5128x128xf32, #tpu.memory_space<vmem_shared>> -> memref<320x128xf32, #tpu.memory_space<vmem_shared>>
      tpu.enqueue_dma source(%arg14 : memref<320x128xf32, #tpu.memory_space<vmem>>) target(%dma_start3A_33 : memref<320x128xf32, #tpu.memory_space<vmem_shared>>) target_semaphore(%run_scoped3A : memref<!tpu.dma_semaphore, #tpu.memory_space<semaphore_mem>>)
      %dma_wait3A = arith.constant 0 : i32
      %dma_wait3A_34 = tpu.memref_slice %arg6[%mul3A_0, %dma_wait3A] : memref<5128x128xf32, #tpu.memory_space<vmem_shared>> -> memref<320x128xf32, #tpu.memory_space<vmem_shared>>
      %dma_wait3A_35 = arith.constant 0 : i32
      %dma_wait3A_36 = tpu.memref_slice %arg6[%mul3A_0, %dma_wait3A_35] : memref<5128x128xf32, #tpu.memory_space<vmem_shared>> -> memref<320x128xf32, #tpu.memory_space<vmem_shared>>
      tpu.wait_dma2 semaphore(%run_scoped3A : memref<!tpu.dma_semaphore, #tpu.memory_space<semaphore_mem>>) src(%arg14 : memref<320x128xf32, #tpu.memory_space<vmem>>) dst(%dma_wait3A_36 : memref<320x128xf32, #tpu.memory_space<vmem_shared>>)
      tpu.yield
    }) : () -> ()
    %barrier3A = arith.constant 0 : index
    tpu.barrier barrier_id(%barrier3A)
    %add3A = arith.constant 0 : i32
    %add3A_12 = arith.addi %mul3A_4, %add3A : i32
    %mul3A_13 = arith.constant 240 : i32
    %mul3A_14 = arith.muli %add3A_12, %mul3A_13 : i32
    %multiple_of3A = tpu.assume_multiple %mul3A_14, 8 : i32
    "tpu.region"() ({
      %run_scoped3A = tpu.sem_alloc : memref<!tpu.dma_semaphore, #tpu.memory_space<semaphore_mem>>
      %dma_start3A_30 = tpu.memref_slice %arg2[%multiple_of3A] : memref<960000xi32, #tpu.memory_space<hbm>> -> memref<240xi32, #tpu.memory_space<hbm>>
      %dma_start3A_31 = tpu.memref_slice %arg2[%multiple_of3A] : memref<960000xi32, #tpu.memory_space<hbm>> -> memref<240xi32, #tpu.memory_space<hbm>>
      tpu.enqueue_dma source(%dma_start3A_31 : memref<240xi32, #tpu.memory_space<hbm>>) target(%arg7 : memref<240xi32, #tpu.memory_space<vmem>>) target_semaphore(%run_scoped3A : memref<!tpu.dma_semaphore, #tpu.memory_space<semaphore_mem>>)
      %dma_wait3A = tpu.memref_slice %arg2[%multiple_of3A] : memref<960000xi32, #tpu.memory_space<hbm>> -> memref<240xi32, #tpu.memory_space<hbm>>
      %dma_wait3A_32 = tpu.memref_slice %arg2[%multiple_of3A] : memref<960000xi32, #tpu.memory_space<hbm>> -> memref<240xi32, #tpu.memory_space<hbm>>
      tpu.wait_dma2 semaphore(%run_scoped3A : memref<!tpu.dma_semaphore, #tpu.memory_space<semaphore_mem>>) src(%dma_wait3A_32 : memref<240xi32, #tpu.memory_space<hbm>>) dst(%arg7 : memref<240xi32, #tpu.memory_space<vmem>>)
      tpu.yield
    }) : () -> ()
    %dma_start3A = arith.constant 0 : i32
    %dma_start3A_15 = tpu.memref_slice %arg7[%dma_start3A] : memref<240xi32, #tpu.memory_space<vmem>> -> memref<80xi32, #tpu.memory_space<vmem>>
    %dma_start3A_16 = arith.constant 0 : i32
    %dma_start3A_17 = arith.constant 0 : i32
    %dma_start3A_18 = tpu.memref_slice %arg3[%dma_start3A_16, %dma_start3A_17] : memref<10000x128xf32, #tpu.memory_space<hbm>> -> memref<10000x128xf32, #tpu.memory_space<hbm>>
    tpu.enqueue_indirect_dma source(%dma_start3A_18 : memref<10000x128xf32, #tpu.memory_space<hbm>>) target(%arg10 : memref<80x128xf32, #tpu.memory_space<vmem>>) offsets(%dma_start3A_15 : memref<80xi32, #tpu.memory_space<vmem>>) semaphore(%arg15 : memref<!tpu.dma_semaphore, #tpu.memory_space<semaphore_mem>>)
    %dma_start3A_19 = arith.constant 80 : i32
    %dma_start3A_20 = tpu.memref_slice %arg7[%dma_start3A_19] : memref<240xi32, #tpu.memory_space<vmem>> -> memref<80xi32, #tpu.memory_space<vmem>>
    %dma_start3A_21 = arith.constant 0 : i32
    %dma_start3A_22 = arith.constant 0 : i32
    %dma_start3A_23 = tpu.memref_slice %arg4[%dma_start3A_21, %dma_start3A_22] : memref<200x128xf32, #tpu.memory_space<hbm>> -> memref<200x128xf32, #tpu.memory_space<hbm>>
    tpu.enqueue_indirect_dma source(%dma_start3A_23 : memref<200x128xf32, #tpu.memory_space<hbm>>) target(%arg12 : memref<80x128xf32, #tpu.memory_space<vmem>>) offsets(%dma_start3A_20 : memref<80xi32, #tpu.memory_space<vmem>>) semaphore(%arg17 : memref<!tpu.dma_semaphore, #tpu.memory_space<semaphore_mem>>)
    %scan3A_24 = arith.constant 0 : i32
    %scan3A_25 = arith.constant 125 : i32
    %scan3A_26 = arith.addi %scan3A_24, %scan3A_25 : i32
    %scan3A_27 = arith.constant 1 : i32
    scf.for %scan3A_30 = %scan3A_24 to %scan3A_26 step %scan3A_27  : i32 {
      %mul3A_31 = arith.constant 2 : i32
      %mul3A_32 = arith.muli %scan3A_30, %mul3A_31 : i32
      %add3A_33 = arith.constant 0 : i32
      %add3A_34 = arith.addi %add3A_33, %mul3A_32 : i32
      %add3A_35 = arith.constant 0 : i32
      %add3A_36 = arith.addi %add3A_34, %add3A_35 : i32
      %add3A_37 = arith.constant 1 : i32
      %add3A_38 = arith.addi %add3A_36, %add3A_37 : i32
      %lt3A = arith.constant 250 : i32
      %lt3A_39 = arith.cmpi slt, %add3A_38, %lt3A : i32
      %convert_element_type3A = arith.extui %lt3A_39 : i1 to i32
      %cond3A = arith.constant 0 : i32
      %cond3A_40 = arith.cmpi ne, %convert_element_type3A, %cond3A : i32
      scf.if %cond3A_40 {
        %add3A_264 = arith.constant 1 : i32
        %add3A_265 = arith.addi %add3A_36, %add3A_264 : i32
        %add3A_266 = arith.addi %mul3A_4, %add3A_265 : i32
        %mul3A_267 = arith.constant 240 : i32
        %mul3A_268 = arith.muli %add3A_266, %mul3A_267 : i32
        %multiple_of3A_269 = tpu.assume_multiple %mul3A_268, 8 : i32
        "tpu.region"() ({
          %run_scoped3A = tpu.sem_alloc : memref<!tpu.dma_semaphore, #tpu.memory_space<semaphore_mem>>
          %dma_start3A_280 = tpu.memref_slice %arg2[%multiple_of3A_269] : memref<960000xi32, #tpu.memory_space<hbm>> -> memref<240xi32, #tpu.memory_space<hbm>>
          %dma_start3A_281 = tpu.memref_slice %arg2[%multiple_of3A_269] : memref<960000xi32, #tpu.memory_space<hbm>> -> memref<240xi32, #tpu.memory_space<hbm>>
          tpu.enqueue_dma source(%dma_start3A_281 : memref<240xi32, #tpu.memory_space<hbm>>) target(%arg8 : memref<240xi32, #tpu.memory_space<vmem>>) target_semaphore(%run_scoped3A : memref<!tpu.dma_semaphore, #tpu.memory_space<semaphore_mem>>)
          %dma_wait3A_282 = tpu.memref_slice %arg2[%multiple_of3A_269] : memref<960000xi32, #tpu.memory_space<hbm>> -> memref<240xi32, #tpu.memory_space<hbm>>
          %dma_wait3A_283 = tpu.memref_slice %arg2[%multiple_of3A_269] : memref<960000xi32, #tpu.memory_space<hbm>> -> memref<240xi32, #tpu.memory_space<hbm>>
          tpu.wait_dma2 semaphore(%run_scoped3A : memref<!tpu.dma_semaphore, #tpu.memory_space<semaphore_mem>>) src(%dma_wait3A_283 : memref<240xi32, #tpu.memory_space<hbm>>) dst(%arg8 : memref<240xi32, #tpu.memory_space<vmem>>)
          tpu.yield
        }) : () -> ()
        %dma_start3A_270 = arith.constant 0 : i32
        %dma_start3A_271 = tpu.memref_slice %arg8[%dma_start3A_270] : memref<240xi32, #tpu.memory_space<vmem>> -> memref<80xi32, #tpu.memory_space<vmem>>
        %dma_start3A_272 = arith.constant 0 : i32
        %dma_start3A_273 = arith.constant 0 : i32
        %dma_start3A_274 = tpu.memref_slice %arg3[%dma_start3A_272, %dma_start3A_273] : memref<10000x128xf32, #tpu.memory_space<hbm>> -> memref<10000x128xf32, #tpu.memory_space<hbm>>
        tpu.enqueue_indirect_dma source(%dma_start3A_274 : memref<10000x128xf32, #tpu.memory_space<hbm>>) target(%arg11 : memref<80x128xf32, #tpu.memory_space<vmem>>) offsets(%dma_start3A_271 : memref<80xi32, #tpu.memory_space<vmem>>) semaphore(%arg16 : memref<!tpu.dma_semaphore, #tpu.memory_space<semaphore_mem>>)
        %dma_start3A_275 = arith.constant 80 : i32
        %dma_start3A_276 = tpu.memref_slice %arg8[%dma_start3A_275] : memref<240xi32, #tpu.memory_space<vmem>> -> memref<80xi32, #tpu.memory_space<vmem>>
        %dma_start3A_277 = arith.constant 0 : i32
        %dma_start3A_278 = arith.constant 0 : i32
        %dma_start3A_279 = tpu.memref_slice %arg4[%dma_start3A_277, %dma_start3A_278] : memref<200x128xf32, #tpu.memory_space<hbm>> -> memref<200x128xf32, #tpu.memory_space<hbm>>
        tpu.enqueue_indirect_dma source(%dma_start3A_279 : memref<200x128xf32, #tpu.memory_space<hbm>>) target(%arg13 : memref<80x128xf32, #tpu.memory_space<vmem>>) offsets(%dma_start3A_276 : memref<80xi32, #tpu.memory_space<vmem>>) semaphore(%arg18 : memref<!tpu.dma_semaphore, #tpu.memory_space<semaphore_mem>>)
      } else {
      }
      %dma_wait3A = arith.constant 0 : i32
      %dma_wait3A_41 = tpu.memref_slice %arg7[%dma_wait3A] : memref<240xi32, #tpu.memory_space<vmem>> -> memref<80xi32, #tpu.memory_space<vmem>>
      %dma_wait3A_42 = arith.constant 0 : i32
      %dma_wait3A_43 = arith.constant 0 : i32
      %dma_wait3A_44 = tpu.memref_slice %arg3[%dma_wait3A_42, %dma_wait3A_43] : memref<10000x128xf32, #tpu.memory_space<hbm>> -> memref<10000x128xf32, #tpu.memory_space<hbm>>
      tpu.wait_indirect_dma semaphore(%arg15 : memref<!tpu.dma_semaphore, #tpu.memory_space<semaphore_mem>>) src(%dma_wait3A_44 : memref<10000x128xf32, #tpu.memory_space<hbm>>) dst(%arg10 : memref<80x128xf32, #tpu.memory_space<vmem>>)
      %dma_wait3A_45 = arith.constant 80 : i32
      %dma_wait3A_46 = tpu.memref_slice %arg7[%dma_wait3A_45] : memref<240xi32, #tpu.memory_space<vmem>> -> memref<80xi32, #tpu.memory_space<vmem>>
      %dma_wait3A_47 = arith.constant 0 : i32
      %dma_wait3A_48 = arith.constant 0 : i32
      %dma_wait3A_49 = tpu.memref_slice %arg4[%dma_wait3A_47, %dma_wait3A_48] : memref<200x128xf32, #tpu.memory_space<hbm>> -> memref<200x128xf32, #tpu.memory_space<hbm>>
      tpu.wait_indirect_dma semaphore(%arg17 : memref<!tpu.dma_semaphore, #tpu.memory_space<semaphore_mem>>) src(%dma_wait3A_49 : memref<200x128xf32, #tpu.memory_space<hbm>>) dst(%arg12 : memref<80x128xf32, #tpu.memory_space<vmem>>)
      %get3A = arith.constant 160 : index
      %get3A_50 = tpu.vector_load %arg7[%get3A] {strides = array<i32>} : memref<240xi32, #tpu.memory_space<vmem>>, vector<16xi32>,
      %get3A_51 = vector.shape_cast %get3A_50 : vector<16xi32> to vector<16xi32>
      %sub3A = vector.broadcast %mul3A_2 : i32 to vector<16xi32>
      %sub3A_52 = arith.subi %get3A_51, %sub3A : vector<16xi32>
      %ge3A = arith.constant 0 : i32
      %ge3A_53 = vector.broadcast %ge3A : i32 to vector<16xi32>
      %ge3A_54 = arith.cmpi sge, %sub3A_52, %ge3A_53 : vector<16xi32>
      %lt3A_55 = arith.constant 5120 : i32
      %lt3A_56 = vector.broadcast %lt3A_55 : i32 to vector<16xi32>
      %lt3A_57 = arith.cmpi slt, %sub3A_52, %lt3A_56 : vector<16xi32>
      %and3A_58 = arith.andi %ge3A_54, %lt3A_57 : vector<16xi1>
      %add3A_59 = arith.constant 5120 : i32
      %add3A_60 = vector.broadcast %add3A_59 : i32 to vector<16xi32>
      %add3A_61 = arith.addi %add3A_60, %and3A_7 : vector<16xi32>
      %select_n3A = arith.select %and3A_58, %sub3A_52, %add3A_61 : vector<16xi1>, vector<16xi32>
      %swap3A = arith.constant 0 : index
      %swap3A_62 = tpu.vector_load %arg9[%swap3A] {strides = array<i32>} : memref<80xi32, #tpu.memory_space<vmem>>, vector<16xi32>,
      %swap3A_63 = vector.shape_cast %swap3A_62 : vector<16xi32> to vector<16xi32>
      %swap3A_64 = vector.shape_cast %select_n3A : vector<16xi32> to vector<16xi32>
      tpu.vector_store %arg9[%swap3A], %swap3A_64 {strides = array<i32>} : memref<80xi32, #tpu.memory_space<vmem>>, vector<16xi32>,
      %get3A_65 = arith.constant 176 : index
      %get3A_66 = tpu.vector_load %arg7[%get3A_65] {strides = array<i32>} : memref<240xi32, #tpu.memory_space<vmem>>, vector<16xi32>,
      %get3A_67 = vector.shape_cast %get3A_66 : vector<16xi32> to vector<16xi32>
      %sub3A_68 = vector.broadcast %mul3A_2 : i32 to vector<16xi32>
      %sub3A_69 = arith.subi %get3A_67, %sub3A_68 : vector<16xi32>
      %ge3A_70 = arith.constant 0 : i32
      %ge3A_71 = vector.broadcast %ge3A_70 : i32 to vector<16xi32>
      %ge3A_72 = arith.cmpi sge, %sub3A_69, %ge3A_71 : vector<16xi32>
      %lt3A_73 = arith.constant 5120 : i32
      %lt3A_74 = vector.broadcast %lt3A_73 : i32 to vector<16xi32>
      %lt3A_75 = arith.cmpi slt, %sub3A_69, %lt3A_74 : vector<16xi32>
      %and3A_76 = arith.andi %ge3A_72, %lt3A_75 : vector<16xi1>
      %add3A_77 = arith.constant 5120 : i32
      %add3A_78 = vector.broadcast %add3A_77 : i32 to vector<16xi32>
      %add3A_79 = arith.addi %add3A_78, %and3A_7 : vector<16xi32>
      %select_n3A_80 = arith.select %and3A_76, %sub3A_69, %add3A_79 : vector<16xi1>, vector<16xi32>
      %swap3A_81 = arith.constant 16 : index
      %swap3A_82 = tpu.vector_load %arg9[%swap3A_81] {strides = array<i32>} : memref<80xi32, #tpu.memory_space<vmem>>, vector<16xi32>,
      %swap3A_83 = vector.shape_cast %swap3A_82 : vector<16xi32> to vector<16xi32>
      %swap3A_84 = vector.shape_cast %select_n3A_80 : vector<16xi32> to vector<16xi32>
      tpu.vector_store %arg9[%swap3A_81], %swap3A_84 {strides = array<i32>} : memref<80xi32, #tpu.memory_space<vmem>>, vector<16xi32>,
      %get3A_85 = arith.constant 192 : index
      %get3A_86 = tpu.vector_load %arg7[%get3A_85] {strides = array<i32>} : memref<240xi32, #tpu.memory_space<vmem>>, vector<16xi32>,
      %get3A_87 = vector.shape_cast %get3A_86 : vector<16xi32> to vector<16xi32>
      %sub3A_88 = vector.broadcast %mul3A_2 : i32 to vector<16xi32>
      %sub3A_89 = arith.subi %get3A_87, %sub3A_88 : vector<16xi32>
      %ge3A_90 = arith.constant 0 : i32
      %ge3A_91 = vector.broadcast %ge3A_90 : i32 to vector<16xi32>
      %ge3A_92 = arith.cmpi sge, %sub3A_89, %ge3A_91 : vector<16xi32>
      %lt3A_93 = arith.constant 5120 : i32
      %lt3A_94 = vector.broadcast %lt3A_93 : i32 to vector<16xi32>
      %lt3A_95 = arith.cmpi slt, %sub3A_89, %lt3A_94 : vector<16xi32>
      %and3A_96 = arith.andi %ge3A_92, %lt3A_95 : vector<16xi1>
      %add3A_97 = arith.constant 5120 : i32
      %add3A_98 = vector.broadcast %add3A_97 : i32 to vector<16xi32>
      %add3A_99 = arith.addi %add3A_98, %and3A_7 : vector<16xi32>
      %select_n3A_100 = arith.select %and3A_96, %sub3A_89, %add3A_99 : vector<16xi1>, vector<16xi32>
      %swap3A_101 = arith.constant 32 : index
      %swap3A_102 = tpu.vector_load %arg9[%swap3A_101] {strides = array<i32>} : memref<80xi32, #tpu.memory_space<vmem>>, vector<16xi32>,
      %swap3A_103 = vector.shape_cast %swap3A_102 : vector<16xi32> to vector<16xi32>
      %swap3A_104 = vector.shape_cast %select_n3A_100 : vector<16xi32> to vector<16xi32>
      tpu.vector_store %arg9[%swap3A_101], %swap3A_104 {strides = array<i32>} : memref<80xi32, #tpu.memory_space<vmem>>, vector<16xi32>,
      %get3A_105 = arith.constant 208 : index
      %get3A_106 = tpu.vector_load %arg7[%get3A_105] {strides = array<i32>} : memref<240xi32, #tpu.memory_space<vmem>>, vector<16xi32>,
      %get3A_107 = vector.shape_cast %get3A_106 : vector<16xi32> to vector<16xi32>
      %sub3A_108 = vector.broadcast %mul3A_2 : i32 to vector<16xi32>
      %sub3A_109 = arith.subi %get3A_107, %sub3A_108 : vector<16xi32>
      %ge3A_110 = arith.constant 0 : i32
      %ge3A_111 = vector.broadcast %ge3A_110 : i32 to vector<16xi32>
      %ge3A_112 = arith.cmpi sge, %sub3A_109, %ge3A_111 : vector<16xi32>
      %lt3A_113 = arith.constant 5120 : i32
      %lt3A_114 = vector.broadcast %lt3A_113 : i32 to vector<16xi32>
      %lt3A_115 = arith.cmpi slt, %sub3A_109, %lt3A_114 : vector<16xi32>
      %and3A_116 = arith.andi %ge3A_112, %lt3A_115 : vector<16xi1>
      %add3A_117 = arith.constant 5120 : i32
      %add3A_118 = vector.broadcast %add3A_117 : i32 to vector<16xi32>
      %add3A_119 = arith.addi %add3A_118, %and3A_7 : vector<16xi32>
      %select_n3A_120 = arith.select %and3A_116, %sub3A_109, %add3A_119 : vector<16xi1>, vector<16xi32>
      %swap3A_121 = arith.constant 48 : index
      %swap3A_122 = tpu.vector_load %arg9[%swap3A_121] {strides = array<i32>} : memref<80xi32, #tpu.memory_space<vmem>>, vector<16xi32>,
      %swap3A_123 = vector.shape_cast %swap3A_122 : vector<16xi32> to vector<16xi32>
      %swap3A_124 = vector.shape_cast %select_n3A_120 : vector<16xi32> to vector<16xi32>
      tpu.vector_store %arg9[%swap3A_121], %swap3A_124 {strides = array<i32>} : memref<80xi32, #tpu.memory_space<vmem>>, vector<16xi32>,
      %get3A_125 = arith.constant 224 : index
      %get3A_126 = tpu.vector_load %arg7[%get3A_125] {strides = array<i32>} : memref<240xi32, #tpu.memory_space<vmem>>, vector<16xi32>,
      %get3A_127 = vector.shape_cast %get3A_126 : vector<16xi32> to vector<16xi32>
      %sub3A_128 = vector.broadcast %mul3A_2 : i32 to vector<16xi32>
      %sub3A_129 = arith.subi %get3A_127, %sub3A_128 : vector<16xi32>
      %ge3A_130 = arith.constant 0 : i32
      %ge3A_131 = vector.broadcast %ge3A_130 : i32 to vector<16xi32>
      %ge3A_132 = arith.cmpi sge, %sub3A_129, %ge3A_131 : vector<16xi32>
      %lt3A_133 = arith.constant 5120 : i32
      %lt3A_134 = vector.broadcast %lt3A_133 : i32 to vector<16xi32>
      %lt3A_135 = arith.cmpi slt, %sub3A_129, %lt3A_134 : vector<16xi32>
      %and3A_136 = arith.andi %ge3A_132, %lt3A_135 : vector<16xi1>
      %add3A_137 = arith.constant 5120 : i32
      %add3A_138 = vector.broadcast %add3A_137 : i32 to vector<16xi32>
      %add3A_139 = arith.addi %add3A_138, %and3A_7 : vector<16xi32>
      %select_n3A_140 = arith.select %and3A_136, %sub3A_129, %add3A_139 : vector<16xi1>, vector<16xi32>
      %swap3A_141 = arith.constant 64 : index
      %swap3A_142 = tpu.vector_load %arg9[%swap3A_141] {strides = array<i32>} : memref<80xi32, #tpu.memory_space<vmem>>, vector<16xi32>,
      %swap3A_143 = vector.shape_cast %swap3A_142 : vector<16xi32> to vector<16xi32>
      %swap3A_144 = vector.shape_cast %select_n3A_140 : vector<16xi32> to vector<16xi32>
      tpu.vector_store %arg9[%swap3A_141], %swap3A_144 {strides = array<i32>} : memref<80xi32, #tpu.memory_space<vmem>>, vector<16xi32>,
      "tpu.region"() ({
        %run_scoped3A = tpu.sem_alloc : memref<!tpu.dma_semaphore, #tpu.memory_space<semaphore_mem>>
        %dma_start3A_264 = arith.constant 0 : i32
        %dma_start3A_265 = arith.constant 0 : i32
        %dma_start3A_266 = tpu.memref_slice %arg6[%dma_start3A_264, %dma_start3A_265] : memref<5128x128xf32, #tpu.memory_space<vmem_shared>> -> memref<5128x128xf32, #tpu.memory_space<vmem_shared>>
        tpu.enqueue_indirect_dma source(%arg10 : memref<80x128xf32, #tpu.memory_space<vmem>>) target(%dma_start3A_266 : memref<5128x128xf32, #tpu.memory_space<vmem_shared>>) offsets(%arg9 : memref<80xi32, #tpu.memory_space<vmem>>) semaphore(%run_scoped3A : memref<!tpu.dma_semaphore, #tpu.memory_space<semaphore_mem>>) {add = true}
        %dma_wait3A_267 = arith.constant 0 : i32
        %dma_wait3A_268 = arith.constant 0 : i32
        %dma_wait3A_269 = tpu.memref_slice %arg6[%dma_wait3A_267, %dma_wait3A_268] : memref<5128x128xf32, #tpu.memory_space<vmem_shared>> -> memref<5128x128xf32, #tpu.memory_space<vmem_shared>>
        tpu.wait_indirect_dma semaphore(%run_scoped3A : memref<!tpu.dma_semaphore, #tpu.memory_space<semaphore_mem>>) src(%arg10 : memref<80x128xf32, #tpu.memory_space<vmem>>) dst(%dma_wait3A_269 : memref<5128x128xf32, #tpu.memory_space<vmem_shared>>)
        tpu.yield
      }) : () -> ()
      "tpu.region"() ({
        %run_scoped3A = tpu.sem_alloc : memref<!tpu.dma_semaphore, #tpu.memory_space<semaphore_mem>>
        %dma_start3A_264 = arith.constant 0 : i32
        %dma_start3A_265 = arith.constant 0 : i32
        %dma_start3A_266 = tpu.memref_slice %arg6[%dma_start3A_264, %dma_start3A_265] : memref<5128x128xf32, #tpu.memory_space<vmem_shared>> -> memref<5128x128xf32, #tpu.memory_space<vmem_shared>>
        tpu.enqueue_indirect_dma source(%arg12 : memref<80x128xf32, #tpu.memory_space<vmem>>) target(%dma_start3A_266 : memref<5128x128xf32, #tpu.memory_space<vmem_shared>>) offsets(%arg9 : memref<80xi32, #tpu.memory_space<vmem>>) semaphore(%run_scoped3A : memref<!tpu.dma_semaphore, #tpu.memory_space<semaphore_mem>>) {add = true}
        %dma_wait3A_267 = arith.constant 0 : i32
        %dma_wait3A_268 = arith.constant 0 : i32
        %dma_wait3A_269 = tpu.memref_slice %arg6[%dma_wait3A_267, %dma_wait3A_268] : memref<5128x128xf32, #tpu.memory_space<vmem_shared>> -> memref<5128x128xf32, #tpu.memory_space<vmem_shared>>
        tpu.wait_indirect_dma semaphore(%run_scoped3A : memref<!tpu.dma_semaphore, #tpu.memory_space<semaphore_mem>>) src(%arg12 : memref<80x128xf32, #tpu.memory_space<vmem>>) dst(%dma_wait3A_269 : memref<5128x128xf32, #tpu.memory_space<vmem_shared>>)
        tpu.yield
      }) : () -> ()
      %add3A_145 = arith.constant 1 : i32
      %add3A_146 = arith.addi %add3A_34, %add3A_145 : i32
      %add3A_147 = arith.constant 1 : i32
      %add3A_148 = arith.addi %add3A_146, %add3A_147 : i32
      %lt3A_149 = arith.constant 250 : i32
      %lt3A_150 = arith.cmpi slt, %add3A_148, %lt3A_149 : i32
      %convert_element_type3A_151 = arith.extui %lt3A_150 : i1 to i32
      %cond3A_152 = arith.constant 0 : i32
      %cond3A_153 = arith.cmpi ne, %convert_element_type3A_151, %cond3A_152 : i32
      scf.if %cond3A_153 {
        %add3A_264 = arith.constant 1 : i32
        %add3A_265 = arith.addi %add3A_146, %add3A_264 : i32
        %add3A_266 = arith.addi %mul3A_4, %add3A_265 : i32
        %mul3A_267 = arith.constant 240 : i32
        %mul3A_268 = arith.muli %add3A_266, %mul3A_267 : i32
        %multiple_of3A_269 = tpu.assume_multiple %mul3A_268, 8 : i32
        "tpu.region"() ({
          %run_scoped3A = tpu.sem_alloc : memref<!tpu.dma_semaphore, #tpu.memory_space<semaphore_mem>>
          %dma_start3A_280 = tpu.memref_slice %arg2[%multiple_of3A_269] : memref<960000xi32, #tpu.memory_space<hbm>> -> memref<240xi32, #tpu.memory_space<hbm>>
          %dma_start3A_281 = tpu.memref_slice %arg2[%multiple_of3A_269] : memref<960000xi32, #tpu.memory_space<hbm>> -> memref<240xi32, #tpu.memory_space<hbm>>
          tpu.enqueue_dma source(%dma_start3A_281 : memref<240xi32, #tpu.memory_space<hbm>>) target(%arg7 : memref<240xi32, #tpu.memory_space<vmem>>) target_semaphore(%run_scoped3A : memref<!tpu.dma_semaphore, #tpu.memory_space<semaphore_mem>>)
          %dma_wait3A_282 = tpu.memref_slice %arg2[%multiple_of3A_269] : memref<960000xi32, #tpu.memory_space<hbm>> -> memref<240xi32, #tpu.memory_space<hbm>>
          %dma_wait3A_283 = tpu.memref_slice %arg2[%multiple_of3A_269] : memref<960000xi32, #tpu.memory_space<hbm>> -> memref<240xi32, #tpu.memory_space<hbm>>
          tpu.wait_dma2 semaphore(%run_scoped3A : memref<!tpu.dma_semaphore, #tpu.memory_space<semaphore_mem>>) src(%dma_wait3A_283 : memref<240xi32, #tpu.memory_space<hbm>>) dst(%arg7 : memref<240xi32, #tpu.memory_space<vmem>>)
          tpu.yield
        }) : () -> ()
        %dma_start3A_270 = arith.constant 0 : i32
        %dma_start3A_271 = tpu.memref_slice %arg7[%dma_start3A_270] : memref<240xi32, #tpu.memory_space<vmem>> -> memref<80xi32, #tpu.memory_space<vmem>>
        %dma_start3A_272 = arith.constant 0 : i32
        %dma_start3A_273 = arith.constant 0 : i32
        %dma_start3A_274 = tpu.memref_slice %arg3[%dma_start3A_272, %dma_start3A_273] : memref<10000x128xf32, #tpu.memory_space<hbm>> -> memref<10000x128xf32, #tpu.memory_space<hbm>>
        tpu.enqueue_indirect_dma source(%dma_start3A_274 : memref<10000x128xf32, #tpu.memory_space<hbm>>) target(%arg10 : memref<80x128xf32, #tpu.memory_space<vmem>>) offsets(%dma_start3A_271 : memref<80xi32, #tpu.memory_space<vmem>>) semaphore(%arg15 : memref<!tpu.dma_semaphore, #tpu.memory_space<semaphore_mem>>)
        %dma_start3A_275 = arith.constant 80 : i32
        %dma_start3A_276 = tpu.memref_slice %arg7[%dma_start3A_275] : memref<240xi32, #tpu.memory_space<vmem>> -> memref<80xi32, #tpu.memory_space<vmem>>
        %dma_start3A_277 = arith.constant 0 : i32
        %dma_start3A_278 = arith.constant 0 : i32
        %dma_start3A_279 = tpu.memref_slice %arg4[%dma_start3A_277, %dma_start3A_278] : memref<200x128xf32, #tpu.memory_space<hbm>> -> memref<200x128xf32, #tpu.memory_space<hbm>>
        tpu.enqueue_indirect_dma source(%dma_start3A_279 : memref<200x128xf32, #tpu.memory_space<hbm>>) target(%arg12 : memref<80x128xf32, #tpu.memory_space<vmem>>) offsets(%dma_start3A_276 : memref<80xi32, #tpu.memory_space<vmem>>) semaphore(%arg17 : memref<!tpu.dma_semaphore, #tpu.memory_space<semaphore_mem>>)
      } else {
      }
      %dma_wait3A_154 = arith.constant 0 : i32
      %dma_wait3A_155 = tpu.memref_slice %arg8[%dma_wait3A_154] : memref<240xi32, #tpu.memory_space<vmem>> -> memref<80xi32, #tpu.memory_space<vmem>>
      %dma_wait3A_156 = arith.constant 0 : i32
      %dma_wait3A_157 = arith.constant 0 : i32
      %dma_wait3A_158 = tpu.memref_slice %arg3[%dma_wait3A_156, %dma_wait3A_157] : memref<10000x128xf32, #tpu.memory_space<hbm>> -> memref<10000x128xf32, #tpu.memory_space<hbm>>
      tpu.wait_indirect_dma semaphore(%arg16 : memref<!tpu.dma_semaphore, #tpu.memory_space<semaphore_mem>>) src(%dma_wait3A_158 : memref<10000x128xf32, #tpu.memory_space<hbm>>) dst(%arg11 : memref<80x128xf32, #tpu.memory_space<vmem>>)
      %dma_wait3A_159 = arith.constant 80 : i32
      %dma_wait3A_160 = tpu.memref_slice %arg8[%dma_wait3A_159] : memref<240xi32, #tpu.memory_space<vmem>> -> memref<80xi32, #tpu.memory_space<vmem>>
      %dma_wait3A_161 = arith.constant 0 : i32
      %dma_wait3A_162 = arith.constant 0 : i32
      %dma_wait3A_163 = tpu.memref_slice %arg4[%dma_wait3A_161, %dma_wait3A_162] : memref<200x128xf32, #tpu.memory_space<hbm>> -> memref<200x128xf32, #tpu.memory_space<hbm>>
      tpu.wait_indirect_dma semaphore(%arg18 : memref<!tpu.dma_semaphore, #tpu.memory_space<semaphore_mem>>) src(%dma_wait3A_163 : memref<200x128xf32, #tpu.memory_space<hbm>>) dst(%arg13 : memref<80x128xf32, #tpu.memory_space<vmem>>)
      %get3A_164 = arith.constant 160 : index
      %get3A_165 = tpu.vector_load %arg8[%get3A_164] {strides = array<i32>} : memref<240xi32, #tpu.memory_space<vmem>>, vector<16xi32>,
      %get3A_166 = vector.shape_cast %get3A_165 : vector<16xi32> to vector<16xi32>
      %sub3A_167 = vector.broadcast %mul3A_2 : i32 to vector<16xi32>
      %sub3A_168 = arith.subi %get3A_166, %sub3A_167 : vector<16xi32>
      %ge3A_169 = arith.constant 0 : i32
      %ge3A_170 = vector.broadcast %ge3A_169 : i32 to vector<16xi32>
      %ge3A_171 = arith.cmpi sge, %sub3A_168, %ge3A_170 : vector<16xi32>
      %lt3A_172 = arith.constant 5120 : i32
      %lt3A_173 = vector.broadcast %lt3A_172 : i32 to vector<16xi32>
      %lt3A_174 = arith.cmpi slt, %sub3A_168, %lt3A_173 : vector<16xi32>
      %and3A_175 = arith.andi %ge3A_171, %lt3A_174 : vector<16xi1>
      %add3A_176 = arith.constant 5120 : i32
      %add3A_177 = vector.broadcast %add3A_176 : i32 to vector<16xi32>
      %add3A_178 = arith.addi %add3A_177, %and3A_7 : vector<16xi32>
      %select_n3A_179 = arith.select %and3A_175, %sub3A_168, %add3A_178 : vector<16xi1>, vector<16xi32>
      %swap3A_180 = arith.constant 0 : index
      %swap3A_181 = tpu.vector_load %arg9[%swap3A_180] {strides = array<i32>} : memref<80xi32, #tpu.memory_space<vmem>>, vector<16xi32>,
      %swap3A_182 = vector.shape_cast %swap3A_181 : vector<16xi32> to vector<16xi32>
      %swap3A_183 = vector.shape_cast %select_n3A_179 : vector<16xi32> to vector<16xi32>
      tpu.vector_store %arg9[%swap3A_180], %swap3A_183 {strides = array<i32>} : memref<80xi32, #tpu.memory_space<vmem>>, vector<16xi32>,
      %get3A_184 = arith.constant 176 : index
      %get3A_185 = tpu.vector_load %arg8[%get3A_184] {strides = array<i32>} : memref<240xi32, #tpu.memory_space<vmem>>, vector<16xi32>,
      %get3A_186 = vector.shape_cast %get3A_185 : vector<16xi32> to vector<16xi32>
      %sub3A_187 = vector.broadcast %mul3A_2 : i32 to vector<16xi32>
      %sub3A_188 = arith.subi %get3A_186, %sub3A_187 : vector<16xi32>
      %ge3A_189 = arith.constant 0 : i32
      %ge3A_190 = vector.broadcast %ge3A_189 : i32 to vector<16xi32>
      %ge3A_191 = arith.cmpi sge, %sub3A_188, %ge3A_190 : vector<16xi32>
      %lt3A_192 = arith.constant 5120 : i32
      %lt3A_193 = vector.broadcast %lt3A_192 : i32 to vector<16xi32>
      %lt3A_194 = arith.cmpi slt, %sub3A_188, %lt3A_193 : vector<16xi32>
      %and3A_195 = arith.andi %ge3A_191, %lt3A_194 : vector<16xi1>
      %add3A_196 = arith.constant 5120 : i32
      %add3A_197 = vector.broadcast %add3A_196 : i32 to vector<16xi32>
      %add3A_198 = arith.addi %add3A_197, %and3A_7 : vector<16xi32>
      %select_n3A_199 = arith.select %and3A_195, %sub3A_188, %add3A_198 : vector<16xi1>, vector<16xi32>
      %swap3A_200 = arith.constant 16 : index
      %swap3A_201 = tpu.vector_load %arg9[%swap3A_200] {strides = array<i32>} : memref<80xi32, #tpu.memory_space<vmem>>, vector<16xi32>,
      %swap3A_202 = vector.shape_cast %swap3A_201 : vector<16xi32> to vector<16xi32>
      %swap3A_203 = vector.shape_cast %select_n3A_199 : vector<16xi32> to vector<16xi32>
      tpu.vector_store %arg9[%swap3A_200], %swap3A_203 {strides = array<i32>} : memref<80xi32, #tpu.memory_space<vmem>>, vector<16xi32>,
      %get3A_204 = arith.constant 192 : index
      %get3A_205 = tpu.vector_load %arg8[%get3A_204] {strides = array<i32>} : memref<240xi32, #tpu.memory_space<vmem>>, vector<16xi32>,
      %get3A_206 = vector.shape_cast %get3A_205 : vector<16xi32> to vector<16xi32>
      %sub3A_207 = vector.broadcast %mul3A_2 : i32 to vector<16xi32>
      %sub3A_208 = arith.subi %get3A_206, %sub3A_207 : vector<16xi32>
      %ge3A_209 = arith.constant 0 : i32
      %ge3A_210 = vector.broadcast %ge3A_209 : i32 to vector<16xi32>
      %ge3A_211 = arith.cmpi sge, %sub3A_208, %ge3A_210 : vector<16xi32>
      %lt3A_212 = arith.constant 5120 : i32
      %lt3A_213 = vector.broadcast %lt3A_212 : i32 to vector<16xi32>
      %lt3A_214 = arith.cmpi slt, %sub3A_208, %lt3A_213 : vector<16xi32>
      %and3A_215 = arith.andi %ge3A_211, %lt3A_214 : vector<16xi1>
      %add3A_216 = arith.constant 5120 : i32
      %add3A_217 = vector.broadcast %add3A_216 : i32 to vector<16xi32>
      %add3A_218 = arith.addi %add3A_217, %and3A_7 : vector<16xi32>
      %select_n3A_219 = arith.select %and3A_215, %sub3A_208, %add3A_218 : vector<16xi1>, vector<16xi32>
      %swap3A_220 = arith.constant 32 : index
      %swap3A_221 = tpu.vector_load %arg9[%swap3A_220] {strides = array<i32>} : memref<80xi32, #tpu.memory_space<vmem>>, vector<16xi32>,
      %swap3A_222 = vector.shape_cast %swap3A_221 : vector<16xi32> to vector<16xi32>
      %swap3A_223 = vector.shape_cast %select_n3A_219 : vector<16xi32> to vector<16xi32>
      tpu.vector_store %arg9[%swap3A_220], %swap3A_223 {strides = array<i32>} : memref<80xi32, #tpu.memory_space<vmem>>, vector<16xi32>,
      %get3A_224 = arith.constant 208 : index
      %get3A_225 = tpu.vector_load %arg8[%get3A_224] {strides = array<i32>} : memref<240xi32, #tpu.memory_space<vmem>>, vector<16xi32>,
      %get3A_226 = vector.shape_cast %get3A_225 : vector<16xi32> to vector<16xi32>
      %sub3A_227 = vector.broadcast %mul3A_2 : i32 to vector<16xi32>
      %sub3A_228 = arith.subi %get3A_226, %sub3A_227 : vector<16xi32>
      %ge3A_229 = arith.constant 0 : i32
      %ge3A_230 = vector.broadcast %ge3A_229 : i32 to vector<16xi32>
      %ge3A_231 = arith.cmpi sge, %sub3A_228, %ge3A_230 : vector<16xi32>
      %lt3A_232 = arith.constant 5120 : i32
      %lt3A_233 = vector.broadcast %lt3A_232 : i32 to vector<16xi32>
      %lt3A_234 = arith.cmpi slt, %sub3A_228, %lt3A_233 : vector<16xi32>
      %and3A_235 = arith.andi %ge3A_231, %lt3A_234 : vector<16xi1>
      %add3A_236 = arith.constant 5120 : i32
      %add3A_237 = vector.broadcast %add3A_236 : i32 to vector<16xi32>
      %add3A_238 = arith.addi %add3A_237, %and3A_7 : vector<16xi32>
      %select_n3A_239 = arith.select %and3A_235, %sub3A_228, %add3A_238 : vector<16xi1>, vector<16xi32>
      %swap3A_240 = arith.constant 48 : index
      %swap3A_241 = tpu.vector_load %arg9[%swap3A_240] {strides = array<i32>} : memref<80xi32, #tpu.memory_space<vmem>>, vector<16xi32>,
      %swap3A_242 = vector.shape_cast %swap3A_241 : vector<16xi32> to vector<16xi32>
      %swap3A_243 = vector.shape_cast %select_n3A_239 : vector<16xi32> to vector<16xi32>
      tpu.vector_store %arg9[%swap3A_240], %swap3A_243 {strides = array<i32>} : memref<80xi32, #tpu.memory_space<vmem>>, vector<16xi32>,
      %get3A_244 = arith.constant 224 : index
      %get3A_245 = tpu.vector_load %arg8[%get3A_244] {strides = array<i32>} : memref<240xi32, #tpu.memory_space<vmem>>, vector<16xi32>,
      %get3A_246 = vector.shape_cast %get3A_245 : vector<16xi32> to vector<16xi32>
      %sub3A_247 = vector.broadcast %mul3A_2 : i32 to vector<16xi32>
      %sub3A_248 = arith.subi %get3A_246, %sub3A_247 : vector<16xi32>
      %ge3A_249 = arith.constant 0 : i32
      %ge3A_250 = vector.broadcast %ge3A_249 : i32 to vector<16xi32>
      %ge3A_251 = arith.cmpi sge, %sub3A_248, %ge3A_250 : vector<16xi32>
      %lt3A_252 = arith.constant 5120 : i32
      %lt3A_253 = vector.broadcast %lt3A_252 : i32 to vector<16xi32>
      %lt3A_254 = arith.cmpi slt, %sub3A_248, %lt3A_253 : vector<16xi32>
      %and3A_255 = arith.andi %ge3A_251, %lt3A_254 : vector<16xi1>
      %add3A_256 = arith.constant 5120 : i32
      %add3A_257 = vector.broadcast %add3A_256 : i32 to vector<16xi32>
      %add3A_258 = arith.addi %add3A_257, %and3A_7 : vector<16xi32>
      %select_n3A_259 = arith.select %and3A_255, %sub3A_248, %add3A_258 : vector<16xi1>, vector<16xi32>
      %swap3A_260 = arith.constant 64 : index
      %swap3A_261 = tpu.vector_load %arg9[%swap3A_260] {strides = array<i32>} : memref<80xi32, #tpu.memory_space<vmem>>, vector<16xi32>,
      %swap3A_262 = vector.shape_cast %swap3A_261 : vector<16xi32> to vector<16xi32>
      %swap3A_263 = vector.shape_cast %select_n3A_259 : vector<16xi32> to vector<16xi32>
      tpu.vector_store %arg9[%swap3A_260], %swap3A_263 {strides = array<i32>} : memref<80xi32, #tpu.memory_space<vmem>>, vector<16xi32>,
      "tpu.region"() ({
        %run_scoped3A = tpu.sem_alloc : memref<!tpu.dma_semaphore, #tpu.memory_space<semaphore_mem>>
        %dma_start3A_264 = arith.constant 0 : i32
        %dma_start3A_265 = arith.constant 0 : i32
        %dma_start3A_266 = tpu.memref_slice %arg6[%dma_start3A_264, %dma_start3A_265] : memref<5128x128xf32, #tpu.memory_space<vmem_shared>> -> memref<5128x128xf32, #tpu.memory_space<vmem_shared>>
        tpu.enqueue_indirect_dma source(%arg11 : memref<80x128xf32, #tpu.memory_space<vmem>>) target(%dma_start3A_266 : memref<5128x128xf32, #tpu.memory_space<vmem_shared>>) offsets(%arg9 : memref<80xi32, #tpu.memory_space<vmem>>) semaphore(%run_scoped3A : memref<!tpu.dma_semaphore, #tpu.memory_space<semaphore_mem>>) {add = true}
        %dma_wait3A_267 = arith.constant 0 : i32
        %dma_wait3A_268 = arith.constant 0 : i32
        %dma_wait3A_269 = tpu.memref_slice %arg6[%dma_wait3A_267, %dma_wait3A_268] : memref<5128x128xf32, #tpu.memory_space<vmem_shared>> -> memref<5128x128xf32, #tpu.memory_space<vmem_shared>>
        tpu.wait_indirect_dma semaphore(%run_scoped3A : memref<!tpu.dma_semaphore, #tpu.memory_space<semaphore_mem>>) src(%arg11 : memref<80x128xf32, #tpu.memory_space<vmem>>) dst(%dma_wait3A_269 : memref<5128x128xf32, #tpu.memory_space<vmem_shared>>)
        tpu.yield
      }) : () -> ()
      "tpu.region"() ({
        %run_scoped3A = tpu.sem_alloc : memref<!tpu.dma_semaphore, #tpu.memory_space<semaphore_mem>>
        %dma_start3A_264 = arith.constant 0 : i32
        %dma_start3A_265 = arith.constant 0 : i32
        %dma_start3A_266 = tpu.memref_slice %arg6[%dma_start3A_264, %dma_start3A_265] : memref<5128x128xf32, #tpu.memory_space<vmem_shared>> -> memref<5128x128xf32, #tpu.memory_space<vmem_shared>>
        tpu.enqueue_indirect_dma source(%arg13 : memref<80x128xf32, #tpu.memory_space<vmem>>) target(%dma_start3A_266 : memref<5128x128xf32, #tpu.memory_space<vmem_shared>>) offsets(%arg9 : memref<80xi32, #tpu.memory_space<vmem>>) semaphore(%run_scoped3A : memref<!tpu.dma_semaphore, #tpu.memory_space<semaphore_mem>>) {add = true}
        %dma_wait3A_267 = arith.constant 0 : i32
        %dma_wait3A_268 = arith.constant 0 : i32
        %dma_wait3A_269 = tpu.memref_slice %arg6[%dma_wait3A_267, %dma_wait3A_268] : memref<5128x128xf32, #tpu.memory_space<vmem_shared>> -> memref<5128x128xf32, #tpu.memory_space<vmem_shared>>
        tpu.wait_indirect_dma semaphore(%run_scoped3A : memref<!tpu.dma_semaphore, #tpu.memory_space<semaphore_mem>>) src(%arg13 : memref<80x128xf32, #tpu.memory_space<vmem>>) dst(%dma_wait3A_269 : memref<5128x128xf32, #tpu.memory_space<vmem_shared>>)
        tpu.yield
      }) : () -> ()
    }
    %scan3A_28 = arith.constant 125 : i32
    %barrier3A_29 = arith.constant 0 : index
    tpu.barrier barrier_id(%barrier3A_29)
    "tpu.region"() ({
      %run_scoped3A = tpu.sem_alloc : memref<!tpu.dma_semaphore, #tpu.memory_space<semaphore_mem>>
      %dma_start3A_30 = arith.constant 0 : i32
      %dma_start3A_31 = arith.constant 0 : i32
      %dma_start3A_32 = tpu.memref_slice %arg5[%arg0, %dma_start3A_30, %dma_start3A_31] : memref<2x5120x128xf32, #tpu.memory_space<hbm>> -> memref<1x5120x128xf32, #tpu.memory_space<hbm>>
      %dma_start3A_33 = tpu.memref_squeeze %dma_start3A_32 : memref<1x5120x128xf32, #tpu.memory_space<hbm>> -> memref<5120x128xf32, #tpu.memory_space<hbm>>
      %dma_start3A_34 = arith.constant 0 : i32
      %dma_start3A_35 = tpu.memref_slice %dma_start3A_33[%mul3A_0, %dma_start3A_34] : memref<5120x128xf32, #tpu.memory_space<hbm>> -> memref<320x128xf32, #tpu.memory_space<hbm>>
      %dma_start3A_36 = arith.constant 0 : i32
      %dma_start3A_37 = tpu.memref_slice %arg6[%mul3A_0, %dma_start3A_36] : memref<5128x128xf32, #tpu.memory_space<vmem_shared>> -> memref<320x128xf32, #tpu.memory_space<vmem_shared>>
      tpu.enqueue_dma source(%dma_start3A_37 : memref<320x128xf32, #tpu.memory_space<vmem_shared>>) target(%dma_start3A_35 : memref<320x128xf32, #tpu.memory_space<hbm>>) target_semaphore(%run_scoped3A : memref<!tpu.dma_semaphore, #tpu.memory_space<semaphore_mem>>)
      %dma_wait3A = arith.constant 0 : i32
      %dma_wait3A_38 = arith.constant 0 : i32
      %dma_wait3A_39 = tpu.memref_slice %arg5[%arg0, %dma_wait3A, %dma_wait3A_38] : memref<2x5120x128xf32, #tpu.memory_space<hbm>> -> memref<1x5120x128xf32, #tpu.memory_space<hbm>>
      %dma_wait3A_40 = tpu.memref_squeeze %dma_wait3A_39 : memref<1x5120x128xf32, #tpu.memory_space<hbm>> -> memref<5120x128xf32, #tpu.memory_space<hbm>>
      %dma_wait3A_41 = arith.constant 0 : i32
      %dma_wait3A_42 = tpu.memref_slice %dma_wait3A_40[%mul3A_0, %dma_wait3A_41] : memref<5120x128xf32, #tpu.memory_space<hbm>> -> memref<320x128xf32, #tpu.memory_space<hbm>>
      %dma_wait3A_43 = arith.constant 0 : i32
      %dma_wait3A_44 = tpu.memref_slice %arg6[%mul3A_0, %dma_wait3A_43] : memref<5128x128xf32, #tpu.memory_space<vmem_shared>> -> memref<320x128xf32, #tpu.memory_space<vmem_shared>>
      tpu.wait_dma2 semaphore(%run_scoped3A : memref<!tpu.dma_semaphore, #tpu.memory_space<semaphore_mem>>) src(%dma_wait3A_44 : memref<320x128xf32, #tpu.memory_space<vmem_shared>>) dst(%dma_wait3A_42 : memref<320x128xf32, #tpu.memory_space<hbm>>)
      tpu.yield
    }) : () -> ()
    return
  }
}

module attributes {stable_mosaic.version = 14 : i64} {
  func.func @_prep_body(%arg0: i32, %arg1: memref<1000x128xf32, #tpu.memory_space<vmem>>, %arg2: memref<128x128xf32, #tpu.memory_space<vmem>>, %arg3: memref<200x128xf32, #tpu.memory_space<vmem>>, %arg4: memref<1000x128xf32, #tpu.memory_space<vmem>>, %arg5: memref<1000x128xf32, #tpu.memory_space<vmem>>, %arg6: memref<200x128xf32, #tpu.memory_space<vmem>>) attributes {dimension_semantics = [#tpu.dimension_semantics<arbitrary>], iteration_bounds = array<i64: 10>, scalar_prefetch = 0 : i64, scratch_operands = 0 : i64, tpu.core_type = #tpu.core_type<tc>, window_params = [{transform_indices = @transform_0, window_bounds = array<i64: 1000, 128>}, {pipeline_mode = #tpu.pipeline_mode<synchronous>, transform_indices = @transform_1, window_bounds = array<i64: 128, 128>}, {pipeline_mode = #tpu.pipeline_mode<synchronous>, transform_indices = @transform_2, window_bounds = array<i64: 200, 128>}, {transform_indices = @transform_3, window_bounds = array<i64: 1000, 128>}, {transform_indices = @transform_4, window_bounds = array<i64: 1000, 128>}, {pipeline_mode = #tpu.pipeline_mode<synchronous>, transform_indices = @transform_5, window_bounds = array<i64: 200, 128>}]} {
    %get3A = arith.constant 0 : index
    %get3A_0 = arith.constant 0 : index
    %get3A_1 = vector.load %arg1[%get3A, %get3A_0] : memref<1000x128xf32, #tpu.memory_space<vmem>>, vector<1000x128xf32>
    %mul3A = arith.mulf %get3A_1, %get3A_1 : vector<1000x128xf32>
    %reduce_sum3A = arith.constant dense<0.000000e+00> : vector<1000xf32>
    %reduce_sum3A_2 = vector.multi_reduction <add>, %mul3A, %reduce_sum3A [1] : vector<1000x128xf32> to vector<1000xf32>
    %broadcast_in_dim3A = vector.shape_cast %reduce_sum3A_2 : vector<1000xf32> to vector<1000x1xf32>
    %sqrt3A = math.sqrt %broadcast_in_dim3A : vector<1000x1xf32>
    %jit3A = arith.constant 1.000000e-10 : f32
    %max3A = vector.broadcast %jit3A : f32 to vector<1000x1xf32>
    %max3A_3 = arith.maximumf %max3A, %sqrt3A : vector<1000x1xf32>
    %mul3A_4 = arith.constant 1.000000e-01 : f32
    %mul3A_5 = vector.broadcast %mul3A_4 : f32 to vector<1000x1xf32>
    %mul3A_6 = arith.mulf %mul3A_5, %max3A_3 : vector<1000x1xf32>
    %tanh3A = math.tanh %mul3A_6 : vector<1000x1xf32>
    %mul3A_7 = vector.broadcast %tanh3A : vector<1000x1xf32> to vector<1000x128xf32>
    %mul3A_8 = arith.mulf %mul3A_7, %get3A_1 : vector<1000x128xf32>
    %mul3A_9 = arith.constant 1.000000e-01 : f32
    %mul3A_10 = vector.broadcast %mul3A_9 : f32 to vector<1000x1xf32>
    %mul3A_11 = arith.mulf %mul3A_10, %max3A_3 : vector<1000x1xf32>
    %div3A = vector.broadcast %mul3A_11 : vector<1000x1xf32> to vector<1000x128xf32>
    %div3A_12 = arith.divf %mul3A_8, %div3A : vector<1000x128xf32>
    %mul3A_13 = arith.mulf %div3A_12, %div3A_12 : vector<1000x128xf32>
    %reduce_sum3A_14 = arith.constant dense<0.000000e+00> : vector<1000xf32>
    %reduce_sum3A_15 = vector.multi_reduction <add>, %mul3A_13, %reduce_sum3A_14 [1] : vector<1000x128xf32> to vector<1000xf32>
    %broadcast_in_dim3A_16 = vector.shape_cast %reduce_sum3A_15 : vector<1000xf32> to vector<1000x1xf32>
    %sqrt3A_17 = math.sqrt %broadcast_in_dim3A_16 : vector<1000x1xf32>
    %jit3A_18 = arith.constant 1.000000e-10 : f32
    %max3A_19 = vector.broadcast %jit3A_18 : f32 to vector<1000x1xf32>
    %max3A_20 = arith.maximumf %max3A_19, %sqrt3A_17 : vector<1000x1xf32>
    %mul3A_21 = arith.constant 1.000000e-01 : f32
    %mul3A_22 = vector.broadcast %mul3A_21 : f32 to vector<1000x1xf32>
    %mul3A_23 = arith.mulf %mul3A_22, %max3A_20 : vector<1000x1xf32>
    %jit3A_24 = arith.constant 0.000000e+00 : f32
    %jit3A_25 = arith.constant 0.999989986 : f32
    %max3A_26 = vector.broadcast %jit3A_24 : f32 to vector<1000x1xf32>
    %max3A_27 = arith.maximumf %max3A_26, %mul3A_23 : vector<1000x1xf32>
    %min3A = vector.broadcast %jit3A_25 : f32 to vector<1000x1xf32>
    %min3A_28 = arith.minimumf %min3A, %max3A_27 : vector<1000x1xf32>
    %add3A = arith.constant 1.000000e+00 : f32
    %add3A_29 = vector.broadcast %add3A : f32 to vector<1000x1xf32>
    %add3A_30 = arith.addf %add3A_29, %min3A_28 : vector<1000x1xf32>
    %sub3A = arith.constant 1.000000e+00 : f32
    %sub3A_31 = vector.broadcast %sub3A : f32 to vector<1000x1xf32>
    %sub3A_32 = arith.subf %sub3A_31, %min3A_28 : vector<1000x1xf32>
    %div3A_33 = arith.divf %add3A_30, %sub3A_32 : vector<1000x1xf32>
    %log3A = math.log %div3A_33 : vector<1000x1xf32>
    %mul3A_34 = arith.constant 5.000000e-01 : f32
    %mul3A_35 = vector.broadcast %mul3A_34 : f32 to vector<1000x1xf32>
    %mul3A_36 = arith.mulf %mul3A_35, %log3A : vector<1000x1xf32>
    %mul3A_37 = vector.broadcast %mul3A_36 : vector<1000x1xf32> to vector<1000x128xf32>
    %mul3A_38 = arith.mulf %mul3A_37, %div3A_12 : vector<1000x128xf32>
    %mul3A_39 = arith.constant 1.000000e-01 : f32
    %mul3A_40 = vector.broadcast %mul3A_39 : f32 to vector<1000x1xf32>
    %mul3A_41 = arith.mulf %mul3A_40, %max3A_20 : vector<1000x1xf32>
    %div3A_42 = vector.broadcast %mul3A_41 : vector<1000x1xf32> to vector<1000x128xf32>
    %div3A_43 = arith.divf %mul3A_38, %div3A_42 : vector<1000x128xf32>
    %swap3A = arith.constant 0 : index
    %swap3A_44 = arith.constant 0 : index
    %swap3A_45 = vector.load %arg5[%swap3A, %swap3A_44] : memref<1000x128xf32, #tpu.memory_space<vmem>>, vector<1000x128xf32>
    tpu.vector_store %arg5[%swap3A, %swap3A_44], %div3A_43 {strides = array<i32>} : memref<1000x128xf32, #tpu.memory_space<vmem>>, vector<1000x128xf32>,
    %get3A_46 = arith.constant 0 : index
    %get3A_47 = arith.constant 0 : index
    %get3A_48 = vector.load %arg2[%get3A_46, %get3A_47] : memref<128x128xf32, #tpu.memory_space<vmem>>, vector<128x128xf32>
    %dot_general3A = arith.constant dense<0.000000e+00> : vector<1000x128xf32>
    %dot_general3A_49 = tpu.matmul %div3A_43, %get3A_48, %dot_general3A {dimension_numbers = #tpu.dot_dimension_numbers<[1], [0], [0], [1], [0, 0, 1, 1], [], []>, transpose_lhs_hint = false} : vector<1000x128xf32>, vector<128x128xf32>, vector<1000x128xf32> -> vector<1000x128xf32>
    %swap3A_50 = arith.constant 0 : index
    %swap3A_51 = arith.constant 0 : index
    %swap3A_52 = vector.load %arg4[%swap3A_50, %swap3A_51] : memref<1000x128xf32, #tpu.memory_space<vmem>>, vector<1000x128xf32>
    tpu.vector_store %arg4[%swap3A_50, %swap3A_51], %dot_general3A_49 {strides = array<i32>} : memref<1000x128xf32, #tpu.memory_space<vmem>>, vector<1000x128xf32>,
    %eq3A = arith.constant 0 : i32
    %eq3A_53 = arith.cmpi eq, %arg0, %eq3A : i32
    %convert_element_type3A = arith.extui %eq3A_53 : i1 to i32
    %cond3A = arith.constant 0 : i32
    %cond3A_54 = arith.cmpi ne, %convert_element_type3A, %cond3A : i32
    scf.if %cond3A_54 {
      %get3A_55 = arith.constant 0 : index
      %get3A_56 = arith.constant 0 : index
      %get3A_57 = vector.load %arg3[%get3A_55, %get3A_56] : memref<200x128xf32, #tpu.memory_space<vmem>>, vector<200x128xf32>
      %get3A_58 = arith.constant 0 : index
      %get3A_59 = arith.constant 0 : index
      %get3A_60 = vector.load %arg2[%get3A_58, %get3A_59] : memref<128x128xf32, #tpu.memory_space<vmem>>, vector<128x128xf32>
      %dot_general3A_61 = arith.constant dense<0.000000e+00> : vector<200x128xf32>
      %dot_general3A_62 = tpu.matmul %get3A_57, %get3A_60, %dot_general3A_61 {dimension_numbers = #tpu.dot_dimension_numbers<[1], [0], [0], [1], [0, 0, 1, 1], [], []>, transpose_lhs_hint = false} : vector<200x128xf32>, vector<128x128xf32>, vector<200x128xf32> -> vector<200x128xf32>
      %swap3A_63 = arith.constant 0 : index
      %swap3A_64 = arith.constant 0 : index
      %swap3A_65 = vector.load %arg6[%swap3A_63, %swap3A_64] : memref<200x128xf32, #tpu.memory_space<vmem>>, vector<200x128xf32>
      tpu.vector_store %arg6[%swap3A_63, %swap3A_64], %dot_general3A_62 {strides = array<i32>} : memref<200x128xf32, #tpu.memory_space<vmem>>, vector<200x128xf32>,
    } else {
    }
    return
  }
  func.func @transform_0(%arg0: i32) -> (i32, i32) {
    %c0_i32 = arith.constant 0 : i32
    %c0_i32_0 = arith.constant 0 : i32
    return %arg0, %c0_i32 : i32, i32
  }
  func.func @transform_1(%arg0: i32) -> (i32, i32) {
    %c0_i32 = arith.constant 0 : i32
    %c0_i32_0 = arith.constant 0 : i32
    %c0_i32_1 = arith.constant 0 : i32
    return %c0_i32, %c0_i32_0 : i32, i32
  }
  func.func @transform_2(%arg0: i32) -> (i32, i32) {
    %c0_i32 = arith.constant 0 : i32
    %c0_i32_0 = arith.constant 0 : i32
    %c0_i32_1 = arith.constant 0 : i32
    return %c0_i32, %c0_i32_0 : i32, i32
  }
  func.func @transform_3(%arg0: i32) -> (i32, i32) {
    %c0_i32 = arith.constant 0 : i32
    %c0_i32_0 = arith.constant 0 : i32
    return %arg0, %c0_i32 : i32, i32
  }
  func.func @transform_4(%arg0: i32) -> (i32, i32) {
    %c0_i32 = arith.constant 0 : i32
    %c0_i32_0 = arith.constant 0 : i32
    return %arg0, %c0_i32 : i32, i32
  }
  func.func @transform_5(%arg0: i32) -> (i32, i32) {
    %c0_i32 = arith.constant 0 : i32
    %c0_i32_0 = arith.constant 0 : i32
    %c0_i32_1 = arith.constant 0 : i32
    return %c0_i32, %c0_i32_0 : i32, i32
  }
}

module attributes {stable_mosaic.version = 14 : i64} {
  func.func @_combine_body(%arg0: i32, %arg1: memref<1000x128xf32, #tpu.memory_space<vmem>>, %arg2: memref<1000x128xf32, #tpu.memory_space<vmem>>, %arg3: memref<1000x128xf32, #tpu.memory_space<vmem>>, %arg4: memref<128x128xf32, #tpu.memory_space<vmem>>, %arg5: memref<200x128xf32, #tpu.memory_space<vmem>>, %arg6: memref<1000x128xf32, #tpu.memory_space<vmem>>, %arg7: memref<1000x128xf32, #tpu.memory_space<vmem>>, %arg8: memref<200x128xf32, #tpu.memory_space<vmem>>) attributes {dimension_semantics = [#tpu.dimension_semantics<arbitrary>], iteration_bounds = array<i64: 10>, scalar_prefetch = 0 : i64, scratch_operands = 0 : i64, tpu.core_type = #tpu.core_type<tc>, window_params = [{transform_indices = @transform_0, window_bounds = array<i64: 1000, 128>}, {transform_indices = @transform_1, window_bounds = array<i64: 1000, 128>}, {transform_indices = @transform_2, window_bounds = array<i64: 1000, 128>}, {pipeline_mode = #tpu.pipeline_mode<synchronous>, transform_indices = @transform_3, window_bounds = array<i64: 128, 128>}, {pipeline_mode = #tpu.pipeline_mode<synchronous>, transform_indices = @transform_4, window_bounds = array<i64: 200, 128>}, {transform_indices = @transform_5, window_bounds = array<i64: 1000, 128>}, {transform_indices = @transform_6, window_bounds = array<i64: 1000, 128>}, {pipeline_mode = #tpu.pipeline_mode<synchronous>, transform_indices = @transform_7, window_bounds = array<i64: 200, 128>}]} {
    %get3A = arith.constant 0 : index
    %get3A_0 = arith.constant 0 : index
    %get3A_1 = vector.load %arg2[%get3A, %get3A_0] : memref<1000x128xf32, #tpu.memory_space<vmem>>, vector<1000x1xf32>
    %get3A_2 = arith.constant 0 : index
    %get3A_3 = arith.constant 0 : index
    %get3A_4 = vector.load %arg1[%get3A_2, %get3A_3] : memref<1000x128xf32, #tpu.memory_space<vmem>>, vector<1000x128xf32>
    %jit3A = arith.constant 1.000000e+00 : f32
    %max3A = vector.broadcast %jit3A : f32 to vector<1000x1xf32>
    %max3A_5 = arith.maximumf %max3A, %get3A_1 : vector<1000x1xf32>
    %div3A = vector.broadcast %max3A_5 : vector<1000x1xf32> to vector<1000x128xf32>
    %div3A_6 = arith.divf %get3A_4, %div3A : vector<1000x128xf32>
    %get3A_7 = arith.constant 0 : index
    %get3A_8 = arith.constant 0 : index
    %get3A_9 = vector.load %arg3[%get3A_7, %get3A_8] : memref<1000x128xf32, #tpu.memory_space<vmem>>, vector<1000x128xf32>
    %add3A = arith.addf %div3A_6, %get3A_9 : vector<1000x128xf32>
    %ge3A = arith.constant 0.000000e+00 : f32
    %ge3A_10 = vector.broadcast %ge3A : f32 to vector<1000x128xf32>
    %ge3A_11 = arith.cmpf oge, %add3A, %ge3A_10 : vector<1000x128xf32>
    %mul3A = arith.constant 0.229166672 : f32
    %mul3A_12 = vector.broadcast %mul3A : f32 to vector<1000x128xf32>
    %mul3A_13 = arith.mulf %add3A, %mul3A_12 : vector<1000x128xf32>
    %select_n3A = arith.select %ge3A_11, %add3A, %mul3A_13 : vector<1000x128xi1>, vector<1000x128xf32>
    %mul3A_14 = arith.mulf %select_n3A, %select_n3A : vector<1000x128xf32>
    %reduce_sum3A = arith.constant dense<0.000000e+00> : vector<1000xf32>
    %reduce_sum3A_15 = vector.multi_reduction <add>, %mul3A_14, %reduce_sum3A [1] : vector<1000x128xf32> to vector<1000xf32>
    %broadcast_in_dim3A = vector.shape_cast %reduce_sum3A_15 : vector<1000xf32> to vector<1000x1xf32>
    %sqrt3A = math.sqrt %broadcast_in_dim3A : vector<1000x1xf32>
    %jit3A_16 = arith.constant 1.000000e-10 : f32
    %max3A_17 = vector.broadcast %jit3A_16 : f32 to vector<1000x1xf32>
    %max3A_18 = arith.maximumf %max3A_17, %sqrt3A : vector<1000x1xf32>
    %mul3A_19 = arith.constant 1.000000e-01 : f32
    %mul3A_20 = vector.broadcast %mul3A_19 : f32 to vector<1000x1xf32>
    %mul3A_21 = arith.mulf %mul3A_20, %max3A_18 : vector<1000x1xf32>
    %tanh3A = math.tanh %mul3A_21 : vector<1000x1xf32>
    %mul3A_22 = vector.broadcast %tanh3A : vector<1000x1xf32> to vector<1000x128xf32>
    %mul3A_23 = arith.mulf %mul3A_22, %select_n3A : vector<1000x128xf32>
    %mul3A_24 = arith.constant 1.000000e-01 : f32
    %mul3A_25 = vector.broadcast %mul3A_24 : f32 to vector<1000x1xf32>
    %mul3A_26 = arith.mulf %mul3A_25, %max3A_18 : vector<1000x1xf32>
    %div3A_27 = vector.broadcast %mul3A_26 : vector<1000x1xf32> to vector<1000x128xf32>
    %div3A_28 = arith.divf %mul3A_23, %div3A_27 : vector<1000x128xf32>
    %mul3A_29 = arith.mulf %div3A_28, %div3A_28 : vector<1000x128xf32>
    %reduce_sum3A_30 = arith.constant dense<0.000000e+00> : vector<1000xf32>
    %reduce_sum3A_31 = vector.multi_reduction <add>, %mul3A_29, %reduce_sum3A_30 [1] : vector<1000x128xf32> to vector<1000xf32>
    %broadcast_in_dim3A_32 = vector.shape_cast %reduce_sum3A_31 : vector<1000xf32> to vector<1000x1xf32>
    %sqrt3A_33 = math.sqrt %broadcast_in_dim3A_32 : vector<1000x1xf32>
    %jit3A_34 = arith.constant 1.000000e-10 : f32
    %max3A_35 = vector.broadcast %jit3A_34 : f32 to vector<1000x1xf32>
    %max3A_36 = arith.maximumf %max3A_35, %sqrt3A_33 : vector<1000x1xf32>
    %mul3A_37 = arith.constant 1.000000e-01 : f32
    %mul3A_38 = vector.broadcast %mul3A_37 : f32 to vector<1000x1xf32>
    %mul3A_39 = arith.mulf %mul3A_38, %max3A_36 : vector<1000x1xf32>
    %jit3A_40 = arith.constant 0.000000e+00 : f32
    %jit3A_41 = arith.constant 0.999989986 : f32
    %max3A_42 = vector.broadcast %jit3A_40 : f32 to vector<1000x1xf32>
    %max3A_43 = arith.maximumf %max3A_42, %mul3A_39 : vector<1000x1xf32>
    %min3A = vector.broadcast %jit3A_41 : f32 to vector<1000x1xf32>
    %min3A_44 = arith.minimumf %min3A, %max3A_43 : vector<1000x1xf32>
    %add3A_45 = arith.constant 1.000000e+00 : f32
    %add3A_46 = vector.broadcast %add3A_45 : f32 to vector<1000x1xf32>
    %add3A_47 = arith.addf %add3A_46, %min3A_44 : vector<1000x1xf32>
    %sub3A = arith.constant 1.000000e+00 : f32
    %sub3A_48 = vector.broadcast %sub3A : f32 to vector<1000x1xf32>
    %sub3A_49 = arith.subf %sub3A_48, %min3A_44 : vector<1000x1xf32>
    %div3A_50 = arith.divf %add3A_47, %sub3A_49 : vector<1000x1xf32>
    %log3A = math.log %div3A_50 : vector<1000x1xf32>
    %mul3A_51 = arith.constant 5.000000e-01 : f32
    %mul3A_52 = vector.broadcast %mul3A_51 : f32 to vector<1000x1xf32>
    %mul3A_53 = arith.mulf %mul3A_52, %log3A : vector<1000x1xf32>
    %mul3A_54 = vector.broadcast %mul3A_53 : vector<1000x1xf32> to vector<1000x128xf32>
    %mul3A_55 = arith.mulf %mul3A_54, %div3A_28 : vector<1000x128xf32>
    %mul3A_56 = arith.constant 1.000000e-01 : f32
    %mul3A_57 = vector.broadcast %mul3A_56 : f32 to vector<1000x1xf32>
    %mul3A_58 = arith.mulf %mul3A_57, %max3A_36 : vector<1000x1xf32>
    %div3A_59 = vector.broadcast %mul3A_58 : vector<1000x1xf32> to vector<1000x128xf32>
    %div3A_60 = arith.divf %mul3A_55, %div3A_59 : vector<1000x128xf32>
    %swap3A = arith.constant 0 : index
    %swap3A_61 = arith.constant 0 : index
    %swap3A_62 = vector.load %arg7[%swap3A, %swap3A_61] : memref<1000x128xf32, #tpu.memory_space<vmem>>, vector<1000x128xf32>
    tpu.vector_store %arg7[%swap3A, %swap3A_61], %div3A_60 {strides = array<i32>} : memref<1000x128xf32, #tpu.memory_space<vmem>>, vector<1000x128xf32>,
    %get3A_63 = arith.constant 0 : index
    %get3A_64 = arith.constant 0 : index
    %get3A_65 = vector.load %arg4[%get3A_63, %get3A_64] : memref<128x128xf32, #tpu.memory_space<vmem>>, vector<128x128xf32>
    %dot_general3A = arith.constant dense<0.000000e+00> : vector<1000x128xf32>
    %dot_general3A_66 = tpu.matmul %div3A_60, %get3A_65, %dot_general3A {dimension_numbers = #tpu.dot_dimension_numbers<[1], [0], [0], [1], [0, 0, 1, 1], [], []>, transpose_lhs_hint = false} : vector<1000x128xf32>, vector<128x128xf32>, vector<1000x128xf32> -> vector<1000x128xf32>
    %swap3A_67 = arith.constant 0 : index
    %swap3A_68 = arith.constant 0 : index
    %swap3A_69 = vector.load %arg6[%swap3A_67, %swap3A_68] : memref<1000x128xf32, #tpu.memory_space<vmem>>, vector<1000x128xf32>
    tpu.vector_store %arg6[%swap3A_67, %swap3A_68], %dot_general3A_66 {strides = array<i32>} : memref<1000x128xf32, #tpu.memory_space<vmem>>, vector<1000x128xf32>,
    %eq3A = arith.constant 0 : i32
    %eq3A_70 = arith.cmpi eq, %arg0, %eq3A : i32
    %convert_element_type3A = arith.extui %eq3A_70 : i1 to i32
    %cond3A = arith.constant 0 : i32
    %cond3A_71 = arith.cmpi ne, %convert_element_type3A, %cond3A : i32
    scf.if %cond3A_71 {
      %get3A_72 = arith.constant 0 : index
      %get3A_73 = arith.constant 0 : index
      %get3A_74 = vector.load %arg5[%get3A_72, %get3A_73] : memref<200x128xf32, #tpu.memory_space<vmem>>, vector<200x128xf32>
      %get3A_75 = arith.constant 0 : index
      %get3A_76 = arith.constant 0 : index
      %get3A_77 = vector.load %arg4[%get3A_75, %get3A_76] : memref<128x128xf32, #tpu.memory_space<vmem>>, vector<128x128xf32>
      %dot_general3A_78 = arith.constant dense<0.000000e+00> : vector<200x128xf32>
      %dot_general3A_79 = tpu.matmul %get3A_74, %get3A_77, %dot_general3A_78 {dimension_numbers = #tpu.dot_dimension_numbers<[1], [0], [0], [1], [0, 0, 1, 1], [], []>, transpose_lhs_hint = false} : vector<200x128xf32>, vector<128x128xf32>, vector<200x128xf32> -> vector<200x128xf32>
      %swap3A_80 = arith.constant 0 : index
      %swap3A_81 = arith.constant 0 : index
      %swap3A_82 = vector.load %arg8[%swap3A_80, %swap3A_81] : memref<200x128xf32, #tpu.memory_space<vmem>>, vector<200x128xf32>
      tpu.vector_store %arg8[%swap3A_80, %swap3A_81], %dot_general3A_79 {strides = array<i32>} : memref<200x128xf32, #tpu.memory_space<vmem>>, vector<200x128xf32>,
    } else {
    }
    return
  }
  func.func @transform_0(%arg0: i32) -> (i32, i32) {
    %c0_i32 = arith.constant 0 : i32
    %c0_i32_0 = arith.constant 0 : i32
    return %arg0, %c0_i32 : i32, i32
  }
  func.func @transform_1(%arg0: i32) -> (i32, i32) {
    %c0_i32 = arith.constant 0 : i32
    %c0_i32_0 = arith.constant 0 : i32
    return %arg0, %c0_i32 : i32, i32
  }
  func.func @transform_2(%arg0: i32) -> (i32, i32) {
    %c0_i32 = arith.constant 0 : i32
    %c0_i32_0 = arith.constant 0 : i32
    return %arg0, %c0_i32 : i32, i32
  }
  func.func @transform_3(%arg0: i32) -> (i32, i32) {
    %c0_i32 = arith.constant 0 : i32
    %c0_i32_0 = arith.constant 0 : i32
    %c0_i32_1 = arith.constant 0 : i32
    return %c0_i32, %c0_i32_0 : i32, i32
  }
  func.func @transform_4(%arg0: i32) -> (i32, i32) {
    %c0_i32 = arith.constant 0 : i32
    %c0_i32_0 = arith.constant 0 : i32
    %c0_i32_1 = arith.constant 0 : i32
    return %c0_i32, %c0_i32_0 : i32, i32
  }
  func.func @transform_5(%arg0: i32) -> (i32, i32) {
    %c0_i32 = arith.constant 0 : i32
    %c0_i32_0 = arith.constant 0 : i32
    return %arg0, %c0_i32 : i32, i32
  }
  func.func @transform_6(%arg0: i32) -> (i32, i32) {
    %c0_i32 = arith.constant 0 : i32
    %c0_i32_0 = arith.constant 0 : i32
    return %arg0, %c0_i32 : i32, i32
  }
  func.func @transform_7(%arg0: i32) -> (i32, i32) {
    %c0_i32 = arith.constant 0 : i32
    %c0_i32_0 = arith.constant 0 : i32
    %c0_i32_1 = arith.constant 0 : i32
    return %c0_i32, %c0_i32_0 : i32, i32
  }
}

module attributes {stable_mosaic.version = 14 : i64} {
  func.func @_final_body(%arg0: i32, %arg1: memref<1000x128xf32, #tpu.memory_space<vmem>>, %arg2: memref<1000x128xf32, #tpu.memory_space<vmem>>, %arg3: memref<1000x128xf32, #tpu.memory_space<vmem>>, %arg4: memref<1000x128xf32, #tpu.memory_space<vmem>>, %arg5: memref<128x128xf32, #tpu.memory_space<vmem>>, %arg6: memref<128x128xf32, #tpu.memory_space<vmem>>, %arg7: memref<1000x128xf32, #tpu.memory_space<vmem>>) attributes {dimension_semantics = [#tpu.dimension_semantics<arbitrary>], iteration_bounds = array<i64: 10>, scalar_prefetch = 0 : i64, scratch_operands = 0 : i64, tpu.core_type = #tpu.core_type<tc>, window_params = [{transform_indices = @transform_0, window_bounds = array<i64: 1000, 128>}, {transform_indices = @transform_1, window_bounds = array<i64: 1000, 128>}, {transform_indices = @transform_2, window_bounds = array<i64: 1000, 128>}, {transform_indices = @transform_3, window_bounds = array<i64: 1000, 128>}, {pipeline_mode = #tpu.pipeline_mode<synchronous>, transform_indices = @transform_4, window_bounds = array<i64: 128, 128>}, {pipeline_mode = #tpu.pipeline_mode<synchronous>, transform_indices = @transform_5, window_bounds = array<i64: 128, 128>}, {transform_indices = @transform_6, window_bounds = array<i64: 1000, 128>}]} {
    %get3A = arith.constant 0 : index
    %get3A_0 = arith.constant 0 : index
    %get3A_1 = vector.load %arg2[%get3A, %get3A_0] : memref<1000x128xf32, #tpu.memory_space<vmem>>, vector<1000x1xf32>
    %get3A_2 = arith.constant 0 : index
    %get3A_3 = arith.constant 0 : index
    %get3A_4 = vector.load %arg1[%get3A_2, %get3A_3] : memref<1000x128xf32, #tpu.memory_space<vmem>>, vector<1000x128xf32>
    %jit3A = arith.constant 1.000000e+00 : f32
    %max3A = vector.broadcast %jit3A : f32 to vector<1000x1xf32>
    %max3A_5 = arith.maximumf %max3A, %get3A_1 : vector<1000x1xf32>
    %div3A = vector.broadcast %max3A_5 : vector<1000x1xf32> to vector<1000x128xf32>
    %div3A_6 = arith.divf %get3A_4, %div3A : vector<1000x128xf32>
    %get3A_7 = arith.constant 0 : index
    %get3A_8 = arith.constant 0 : index
    %get3A_9 = vector.load %arg3[%get3A_7, %get3A_8] : memref<1000x128xf32, #tpu.memory_space<vmem>>, vector<1000x128xf32>
    %add3A = arith.addf %div3A_6, %get3A_9 : vector<1000x128xf32>
    %ge3A = arith.constant 0.000000e+00 : f32
    %ge3A_10 = vector.broadcast %ge3A : f32 to vector<1000x128xf32>
    %ge3A_11 = arith.cmpf oge, %add3A, %ge3A_10 : vector<1000x128xf32>
    %mul3A = arith.constant 0.229166672 : f32
    %mul3A_12 = vector.broadcast %mul3A : f32 to vector<1000x128xf32>
    %mul3A_13 = arith.mulf %add3A, %mul3A_12 : vector<1000x128xf32>
    %select_n3A = arith.select %ge3A_11, %add3A, %mul3A_13 : vector<1000x128xi1>, vector<1000x128xf32>
    %mul3A_14 = arith.mulf %select_n3A, %select_n3A : vector<1000x128xf32>
    %reduce_sum3A = arith.constant dense<0.000000e+00> : vector<1000xf32>
    %reduce_sum3A_15 = vector.multi_reduction <add>, %mul3A_14, %reduce_sum3A [1] : vector<1000x128xf32> to vector<1000xf32>
    %broadcast_in_dim3A = vector.shape_cast %reduce_sum3A_15 : vector<1000xf32> to vector<1000x1xf32>
    %sqrt3A = math.sqrt %broadcast_in_dim3A : vector<1000x1xf32>
    %jit3A_16 = arith.constant 1.000000e-10 : f32
    %max3A_17 = vector.broadcast %jit3A_16 : f32 to vector<1000x1xf32>
    %max3A_18 = arith.maximumf %max3A_17, %sqrt3A : vector<1000x1xf32>
    %mul3A_19 = arith.constant 1.000000e-01 : f32
    %mul3A_20 = vector.broadcast %mul3A_19 : f32 to vector<1000x1xf32>
    %mul3A_21 = arith.mulf %mul3A_20, %max3A_18 : vector<1000x1xf32>
    %tanh3A = math.tanh %mul3A_21 : vector<1000x1xf32>
    %mul3A_22 = vector.broadcast %tanh3A : vector<1000x1xf32> to vector<1000x128xf32>
    %mul3A_23 = arith.mulf %mul3A_22, %select_n3A : vector<1000x128xf32>
    %mul3A_24 = arith.constant 1.000000e-01 : f32
    %mul3A_25 = vector.broadcast %mul3A_24 : f32 to vector<1000x1xf32>
    %mul3A_26 = arith.mulf %mul3A_25, %max3A_18 : vector<1000x1xf32>
    %div3A_27 = vector.broadcast %mul3A_26 : vector<1000x1xf32> to vector<1000x128xf32>
    %div3A_28 = arith.divf %mul3A_23, %div3A_27 : vector<1000x128xf32>
    %mul3A_29 = arith.mulf %div3A_28, %div3A_28 : vector<1000x128xf32>
    %reduce_sum3A_30 = arith.constant dense<0.000000e+00> : vector<1000xf32>
    %reduce_sum3A_31 = vector.multi_reduction <add>, %mul3A_29, %reduce_sum3A_30 [1] : vector<1000x128xf32> to vector<1000xf32>
    %broadcast_in_dim3A_32 = vector.shape_cast %reduce_sum3A_31 : vector<1000xf32> to vector<1000x1xf32>
    %sqrt3A_33 = math.sqrt %broadcast_in_dim3A_32 : vector<1000x1xf32>
    %jit3A_34 = arith.constant 1.000000e-10 : f32
    %max3A_35 = vector.broadcast %jit3A_34 : f32 to vector<1000x1xf32>
    %max3A_36 = arith.maximumf %max3A_35, %sqrt3A_33 : vector<1000x1xf32>
    %mul3A_37 = arith.constant 1.000000e-01 : f32
    %mul3A_38 = vector.broadcast %mul3A_37 : f32 to vector<1000x1xf32>
    %mul3A_39 = arith.mulf %mul3A_38, %max3A_36 : vector<1000x1xf32>
    %jit3A_40 = arith.constant 0.000000e+00 : f32
    %jit3A_41 = arith.constant 0.999989986 : f32
    %max3A_42 = vector.broadcast %jit3A_40 : f32 to vector<1000x1xf32>
    %max3A_43 = arith.maximumf %max3A_42, %mul3A_39 : vector<1000x1xf32>
    %min3A = vector.broadcast %jit3A_41 : f32 to vector<1000x1xf32>
    %min3A_44 = arith.minimumf %min3A, %max3A_43 : vector<1000x1xf32>
    %add3A_45 = arith.constant 1.000000e+00 : f32
    %add3A_46 = vector.broadcast %add3A_45 : f32 to vector<1000x1xf32>
    %add3A_47 = arith.addf %add3A_46, %min3A_44 : vector<1000x1xf32>
    %sub3A = arith.constant 1.000000e+00 : f32
    %sub3A_48 = vector.broadcast %sub3A : f32 to vector<1000x1xf32>
    %sub3A_49 = arith.subf %sub3A_48, %min3A_44 : vector<1000x1xf32>
    %div3A_50 = arith.divf %add3A_47, %sub3A_49 : vector<1000x1xf32>
    %log3A = math.log %div3A_50 : vector<1000x1xf32>
    %mul3A_51 = arith.constant 5.000000e-01 : f32
    %mul3A_52 = vector.broadcast %mul3A_51 : f32 to vector<1000x1xf32>
    %mul3A_53 = arith.mulf %mul3A_52, %log3A : vector<1000x1xf32>
    %mul3A_54 = vector.broadcast %mul3A_53 : vector<1000x1xf32> to vector<1000x128xf32>
    %mul3A_55 = arith.mulf %mul3A_54, %div3A_28 : vector<1000x128xf32>
    %mul3A_56 = arith.constant 1.000000e-01 : f32
    %mul3A_57 = vector.broadcast %mul3A_56 : f32 to vector<1000x1xf32>
    %mul3A_58 = arith.mulf %mul3A_57, %max3A_36 : vector<1000x1xf32>
    %div3A_59 = vector.broadcast %mul3A_58 : vector<1000x1xf32> to vector<1000x128xf32>
    %div3A_60 = arith.divf %mul3A_55, %div3A_59 : vector<1000x128xf32>
    %get3A_61 = arith.constant 0 : index
    %get3A_62 = arith.constant 0 : index
    %get3A_63 = vector.load %arg4[%get3A_61, %get3A_62] : memref<1000x128xf32, #tpu.memory_space<vmem>>, vector<1000x128xf32>
    %mul3A_64 = arith.mulf %get3A_63, %get3A_63 : vector<1000x128xf32>
    %reduce_sum3A_65 = arith.constant dense<0.000000e+00> : vector<1000xf32>
    %reduce_sum3A_66 = vector.multi_reduction <add>, %mul3A_64, %reduce_sum3A_65 [1] : vector<1000x128xf32> to vector<1000xf32>
    %broadcast_in_dim3A_67 = vector.shape_cast %reduce_sum3A_66 : vector<1000xf32> to vector<1000x1xf32>
    %sqrt3A_68 = math.sqrt %broadcast_in_dim3A_67 : vector<1000x1xf32>
    %jit3A_69 = arith.constant 1.000000e-10 : f32
    %max3A_70 = vector.broadcast %jit3A_69 : f32 to vector<1000x1xf32>
    %max3A_71 = arith.maximumf %max3A_70, %sqrt3A_68 : vector<1000x1xf32>
    %mul3A_72 = arith.constant 1.000000e-01 : f32
    %mul3A_73 = vector.broadcast %mul3A_72 : f32 to vector<1000x1xf32>
    %mul3A_74 = arith.mulf %mul3A_73, %max3A_71 : vector<1000x1xf32>
    %tanh3A_75 = math.tanh %mul3A_74 : vector<1000x1xf32>
    %mul3A_76 = vector.broadcast %tanh3A_75 : vector<1000x1xf32> to vector<1000x128xf32>
    %mul3A_77 = arith.mulf %mul3A_76, %get3A_63 : vector<1000x128xf32>
    %mul3A_78 = arith.constant 1.000000e-01 : f32
    %mul3A_79 = vector.broadcast %mul3A_78 : f32 to vector<1000x1xf32>
    %mul3A_80 = arith.mulf %mul3A_79, %max3A_71 : vector<1000x1xf32>
    %div3A_81 = vector.broadcast %mul3A_80 : vector<1000x1xf32> to vector<1000x128xf32>
    %div3A_82 = arith.divf %mul3A_77, %div3A_81 : vector<1000x128xf32>
    %mul3A_83 = arith.mulf %div3A_82, %div3A_82 : vector<1000x128xf32>
    %reduce_sum3A_84 = arith.constant dense<0.000000e+00> : vector<1000xf32>
    %reduce_sum3A_85 = vector.multi_reduction <add>, %mul3A_83, %reduce_sum3A_84 [1] : vector<1000x128xf32> to vector<1000xf32>
    %broadcast_in_dim3A_86 = vector.shape_cast %reduce_sum3A_85 : vector<1000xf32> to vector<1000x1xf32>
    %sqrt3A_87 = math.sqrt %broadcast_in_dim3A_86 : vector<1000x1xf32>
    %jit3A_88 = arith.constant 1.000000e-10 : f32
    %max3A_89 = vector.broadcast %jit3A_88 : f32 to vector<1000x1xf32>
    %max3A_90 = arith.maximumf %max3A_89, %sqrt3A_87 : vector<1000x1xf32>
    %mul3A_91 = arith.constant 1.000000e-01 : f32
    %mul3A_92 = vector.broadcast %mul3A_91 : f32 to vector<1000x1xf32>
    %mul3A_93 = arith.mulf %mul3A_92, %max3A_90 : vector<1000x1xf32>
    %jit3A_94 = arith.constant 0.000000e+00 : f32
    %jit3A_95 = arith.constant 0.999989986 : f32
    %max3A_96 = vector.broadcast %jit3A_94 : f32 to vector<1000x1xf32>
    %max3A_97 = arith.maximumf %max3A_96, %mul3A_93 : vector<1000x1xf32>
    %min3A_98 = vector.broadcast %jit3A_95 : f32 to vector<1000x1xf32>
    %min3A_99 = arith.minimumf %min3A_98, %max3A_97 : vector<1000x1xf32>
    %add3A_100 = arith.constant 1.000000e+00 : f32
    %add3A_101 = vector.broadcast %add3A_100 : f32 to vector<1000x1xf32>
    %add3A_102 = arith.addf %add3A_101, %min3A_99 : vector<1000x1xf32>
    %sub3A_103 = arith.constant 1.000000e+00 : f32
    %sub3A_104 = vector.broadcast %sub3A_103 : f32 to vector<1000x1xf32>
    %sub3A_105 = arith.subf %sub3A_104, %min3A_99 : vector<1000x1xf32>
    %div3A_106 = arith.divf %add3A_102, %sub3A_105 : vector<1000x1xf32>
    %log3A_107 = math.log %div3A_106 : vector<1000x1xf32>
    %mul3A_108 = arith.constant 5.000000e-01 : f32
    %mul3A_109 = vector.broadcast %mul3A_108 : f32 to vector<1000x1xf32>
    %mul3A_110 = arith.mulf %mul3A_109, %log3A_107 : vector<1000x1xf32>
    %mul3A_111 = vector.broadcast %mul3A_110 : vector<1000x1xf32> to vector<1000x128xf32>
    %mul3A_112 = arith.mulf %mul3A_111, %div3A_82 : vector<1000x128xf32>
    %mul3A_113 = arith.constant 1.000000e-01 : f32
    %mul3A_114 = vector.broadcast %mul3A_113 : f32 to vector<1000x1xf32>
    %mul3A_115 = arith.mulf %mul3A_114, %max3A_90 : vector<1000x1xf32>
    %div3A_116 = vector.broadcast %mul3A_115 : vector<1000x1xf32> to vector<1000x128xf32>
    %div3A_117 = arith.divf %mul3A_112, %div3A_116 : vector<1000x128xf32>
    %get3A_118 = arith.constant 0 : index
    %get3A_119 = arith.constant 0 : index
    %get3A_120 = vector.load %arg5[%get3A_118, %get3A_119] : memref<128x128xf32, #tpu.memory_space<vmem>>, vector<128x128xf32>
    %dot_general3A = arith.constant dense<0.000000e+00> : vector<1000x128xf32>
    %dot_general3A_121 = tpu.matmul %div3A_60, %get3A_120, %dot_general3A {dimension_numbers = #tpu.dot_dimension_numbers<[1], [0], [0], [1], [0, 0, 1, 1], [], []>, transpose_lhs_hint = false} : vector<1000x128xf32>, vector<128x128xf32>, vector<1000x128xf32> -> vector<1000x128xf32>
    %get3A_122 = arith.constant 0 : index
    %get3A_123 = arith.constant 0 : index
    %get3A_124 = vector.load %arg6[%get3A_122, %get3A_123] : memref<128x128xf32, #tpu.memory_space<vmem>>, vector<128x128xf32>
    %dot_general3A_125 = arith.constant dense<0.000000e+00> : vector<1000x128xf32>
    %dot_general3A_126 = tpu.matmul %div3A_117, %get3A_124, %dot_general3A_125 {dimension_numbers = #tpu.dot_dimension_numbers<[1], [0], [0], [1], [0, 0, 1, 1], [], []>, transpose_lhs_hint = false} : vector<1000x128xf32>, vector<128x128xf32>, vector<1000x128xf32> -> vector<1000x128xf32>
    %add3A_127 = arith.addf %dot_general3A_121, %dot_general3A_126 : vector<1000x128xf32>
    %logistic3A = arith.negf %add3A_127 : vector<1000x128xf32>
    %logistic3A_128 = math.exp %logistic3A : vector<1000x128xf32>
    %logistic3A_129 = arith.constant 1.000000e+00 : f32
    %logistic3A_130 = vector.broadcast %logistic3A_129 : f32 to vector<1000x128xf32>
    %logistic3A_131 = arith.addf %logistic3A_130, %logistic3A_128 : vector<1000x128xf32>
    %logistic3A_132 = arith.divf %logistic3A_130, %logistic3A_131 : vector<1000x128xf32>
    %mul3A_133 = arith.mulf %logistic3A_132, %div3A_60 : vector<1000x128xf32>
    %sub3A_134 = arith.constant 1.000000e+00 : f32
    %sub3A_135 = vector.broadcast %sub3A_134 : f32 to vector<1000x128xf32>
    %sub3A_136 = arith.subf %sub3A_135, %logistic3A_132 : vector<1000x128xf32>
    %mul3A_137 = arith.mulf %sub3A_136, %div3A_117 : vector<1000x128xf32>
    %add3A_138 = arith.addf %mul3A_133, %mul3A_137 : vector<1000x128xf32>
    %mul3A_139 = arith.mulf %add3A_138, %add3A_138 : vector<1000x128xf32>
    %reduce_sum3A_140 = arith.constant dense<0.000000e+00> : vector<1000xf32>
    %reduce_sum3A_141 = vector.multi_reduction <add>, %mul3A_139, %reduce_sum3A_140 [1] : vector<1000x128xf32> to vector<1000xf32>
    %broadcast_in_dim3A_142 = vector.shape_cast %reduce_sum3A_141 : vector<1000xf32> to vector<1000x1xf32>
    %sqrt3A_143 = math.sqrt %broadcast_in_dim3A_142 : vector<1000x1xf32>
    %jit3A_144 = arith.constant 1.000000e-10 : f32
    %max3A_145 = vector.broadcast %jit3A_144 : f32 to vector<1000x1xf32>
    %max3A_146 = arith.maximumf %max3A_145, %sqrt3A_143 : vector<1000x1xf32>
    %mul3A_147 = arith.constant 1.000000e-01 : f32
    %mul3A_148 = vector.broadcast %mul3A_147 : f32 to vector<1000x1xf32>
    %mul3A_149 = arith.mulf %mul3A_148, %max3A_146 : vector<1000x1xf32>
    %tanh3A_150 = math.tanh %mul3A_149 : vector<1000x1xf32>
    %mul3A_151 = vector.broadcast %tanh3A_150 : vector<1000x1xf32> to vector<1000x128xf32>
    %mul3A_152 = arith.mulf %mul3A_151, %add3A_138 : vector<1000x128xf32>
    %mul3A_153 = arith.constant 1.000000e-01 : f32
    %mul3A_154 = vector.broadcast %mul3A_153 : f32 to vector<1000x1xf32>
    %mul3A_155 = arith.mulf %mul3A_154, %max3A_146 : vector<1000x1xf32>
    %div3A_156 = vector.broadcast %mul3A_155 : vector<1000x1xf32> to vector<1000x128xf32>
    %div3A_157 = arith.divf %mul3A_152, %div3A_156 : vector<1000x128xf32>
    %swap3A = arith.constant 0 : index
    %swap3A_158 = arith.constant 0 : index
    %swap3A_159 = vector.load %arg7[%swap3A, %swap3A_158] : memref<1000x128xf32, #tpu.memory_space<vmem>>, vector<1000x128xf32>
    tpu.vector_store %arg7[%swap3A, %swap3A_158], %div3A_157 {strides = array<i32>} : memref<1000x128xf32, #tpu.memory_space<vmem>>, vector<1000x128xf32>,
    return
  }
  func.func @transform_0(%arg0: i32) -> (i32, i32) {
    %c0_i32 = arith.constant 0 : i32
    %c0_i32_0 = arith.constant 0 : i32
    return %arg0, %c0_i32 : i32, i32
  }
  func.func @transform_1(%arg0: i32) -> (i32, i32) {
    %c0_i32 = arith.constant 0 : i32
    %c0_i32_0 = arith.constant 0 : i32
    return %arg0, %c0_i32 : i32, i32
  }
  func.func @transform_2(%arg0: i32) -> (i32, i32) {
    %c0_i32 = arith.constant 0 : i32
    %c0_i32_0 = arith.constant 0 : i32
    return %arg0, %c0_i32 : i32, i32
  }
  func.func @transform_3(%arg0: i32) -> (i32, i32) {
    %c0_i32 = arith.constant 0 : i32
    %c0_i32_0 = arith.constant 0 : i32
    return %arg0, %c0_i32 : i32, i32
  }
  func.func @transform_4(%arg0: i32) -> (i32, i32) {
    %c0_i32 = arith.constant 0 : i32
    %c0_i32_0 = arith.constant 0 : i32
    %c0_i32_1 = arith.constant 0 : i32
    return %c0_i32, %c0_i32_0 : i32, i32
  }
  func.func @transform_5(%arg0: i32) -> (i32, i32) {
    %c0_i32 = arith.constant 0 : i32
    %c0_i32_0 = arith.constant 0 : i32
    %c0_i32_1 = arith.constant 0 : i32
    return %c0_i32, %c0_i32_0 : i32, i32
  }
  func.func @transform_6(%arg0: i32) -> (i32, i32) {
    %c0_i32 = arith.constant 0 : i32
    %c0_i32_0 = arith.constant 0 : i32
    return %arg0, %c0_i32 : i32, i32
  }
}

</mosaic_0001>

<sc_bundles>
// kernel: kernel.11.cloned.1.call-start
scs
__scs_entry_jumppad:
0x0: {  	(pc) =	sbr.rel $0x88, $3  }
0x1: {  	(tag) =	ssettag $0x0;
	lr =	simm.s32 $0x1  }
0x2: {  	[smem:$0x3F9A] =	sst lr;
	_ =	strace $0xD0000000  }
0x3: {  	_ = 	snop  }
0x4: {  	_ = 	snop  }
0x5: {  	_ = 	snop  }
0x6: {  	_ = 	snop  }
0x7: {  	_ = 	snop  }
__scs_overlays_trampoline_lowered:
0x8: {  	[smem:$0x3FA9] =	sst s0  }
0x9: {  	[smem:$0x3FAA] =	sst s1  }
0xa: {  	[smem:$0x3FAB] =	sst s2  }
0xb: {  	[smem:$0x3FAC] =	sst s3  }
0xc: {  	[smem:$0x3FAD] =	sst s4  }
0xd: {  	[smem:$0x3FAE] =	sst s5  }
0xe: {  	[smem:$0x3FAF] =	sst s6  }
0xf: {  	[smem:$0x3FB0] =	sst s7  }
0x10: {  	[smem:$0x3FB1] =	sst s8  }
0x11: {  	[smem:$0x3FB2] =	sst s9;
	s0 =	simm.s32 @!p0 $0x0  }
0x12: {  	s1 =	sld [smem:$0x3F98];
	s0 =	simm.s32 @p0 $0x1  }
0x13: {  	[smem:$0x3FB3] =	sst s0;
	s0 =	simm.s32 @!p1 $0x0  }
0x14: {  	s2 =	sld [smem:$0x3F97];
	s0 =	simm.s32 @p1 $0x1  }
0x15: {  	[smem:$0x3FB4] =	sst s0;
	s0 =	simm.s32 @!p2 $0x0  }
0x16: {  	s3 =	sld [smem:$0x3FDB];
	s0 =	simm.s32 @p2 $0x1  }
0x17: {  	s4 =	simm.s32 $0x1BF5;
	[smem:$0x3FB6] =	sst s0  }
0x18: {  	s0 =	sld [smem:$0x3F99];
	_ =	swait.ge [sflag:s4], $0x0  }
0x19: {  	s7 =	sld [smem:$0x3F9A]  }
0x1a: {  	s8 =	sadd.s32 $0xFFFFE003, lr  }
0x1b: {  	s9 =	sadd.s32 $0xFFFFFEF7, lr;
	s5 =	simm.s32 $0xFFFFFFFF;
	p2 =	slt.u32 s8, $0xFFFFF086  }
0x1c: {  	p1 =	slt.u32 s9, $0xF7A;
	s5 =	simm.s32 @!p2 $0x0  }
0x1d: {  	s5 =	simm.s32 @p1 $0x1;
	p0 =	seq.s32 s7, s2  }
0x1e: {  	s7 =	smul.u32 @!p0 $0xF7A, s2;
	p2 =	seq.s32 @!p0 s5, $0x0  }
0x1f: {  	s9 =	smul.u32 $0xF7A, s1;
	s8 =	simm.s32 @!p0 $0x1BF5;
	p2 =	por !p2, p0  }
0x20: {  	[sflag:s8] =	ssyncset.s32 @!p0 $0xFFFFF086;
	s6 =	sadd.s32 @!p0 s3, s7;
	s7 =	simm.s32 @!p0 $0x108  }
0x21: {  	s3 =	sadd.s32 s3, s9;
	s6 =	sadd.s32 @!p0 $0x88, s6;
	s7 =	simm.s32 @p2 $0x1082  }
0x22: {  	[simem:s7], [sflag:s8] =	dma.local @!p0 [hbm:s6], $0xF7A  }
0x23: {  	s9 =	sor.u32 $0xD0000000, s2;
	s6 =	simm.s32 $0x108;
	_ =	swait.ge @!p0 [sflag:s8], $0x0  }
0x24: {  	s3 =	sadd.s32 $0x88, s3;
	s6 =	simm.s32 @!p1 $0x1082;
	[sflag:s4] =	ssyncset.s32 $0xFFFFF086  }
0x25: {  	[simem:s6], [sflag:s4] =	dma.local [hbm:s3], $0xF7A  }
0x26: {  	[smem:$0x3F9A] =	sst s1;
	(tag) =	ssettag s2;
	_ =	strace s9  }
0x27: {  	s1 =	sld [smem:$0x3FAA]  }
0x28: {  	s2 =	sld [smem:$0x3FAB]  }
0x29: {  	s4 =	sld [smem:$0x3FAD]  }
0x2a: {  	p0 =	seq.s32 s5, $0x0;
	s5 =	sld [smem:$0x3FAE]  }
0x2b: {  	s6 =	sld [smem:$0x3FAF]  }
0x2c: {  	s7 =	sld [smem:$0x3FB0]  }
0x2d: {  	s3 =	simm.s32 $0x108;
	s8 =	sld [smem:$0x3FB1]  }
0x2e: {  	s3 =	simm.s32 @!p0 $0x1082;
	s9 =	sld [smem:$0x3FB2]  }
0x2f: {  	lr =	sadd.s32 s0, s3;
	s0 =	sld [smem:$0x3FA9]  }
0x30: {  	s3 =	sld [smem:$0x3FAC]  }
0x31: {  	[smem:$0x3FB5] =	sst s10  }
0x32: {  	s10 =	sld [smem:$0x3FB3];
	_ =	sdelay $0x3  }
0x33: {  	p0 =	seq.s32 s10, $0x1;
	s10 =	sld [smem:$0x3FB5];
	_ =	sdelay $0x3  }
0x34: {  	[smem:$0x3FB5] =	sst s10  }
0x35: {  	s10 =	sld [smem:$0x3FB4];
	_ =	sdelay $0x3  }
0x36: {  	p1 =	seq.s32 s10, $0x1;
	s10 =	sld [smem:$0x3FB5];
	_ =	sdelay $0x3  }
0x37: {  	[smem:$0x3FB5] =	sst s10  }
0x38: {  	s10 =	sld [smem:$0x3FB6]  }
0x39: {  	_ = 	snop;
	(pc) =	sbr.ind lr, $3  }
0x3a: {  	_ = 	snop  }
0x3b: {  	_ = 	snop  }
0x3c: {  	p2 =	seq.s32 s10, $0x1;
	s10 =	sld [smem:$0x3FB5]  }
0x3d: {  	_ =	shalt  }
0x3e: {  	_ =	shalt  }
0x3f: {  	_ =	shalt  }
0x40: {  	_ =	shalt  }
0x41: {  	_ =	shalt  }
0x42: {  	_ =	shalt  }
0x43: {  	_ =	shalt  }
0x44: {  	_ =	shalt  }
0x45: {  	_ =	shalt  }
0x46: {  	_ =	shalt  }
0x47: {  	_ =	shalt  }
0x48: {  	_ =	shalt  }
0x49: {  	_ =	shalt  }
0x4a: {  	_ =	shalt  }
0x4b: {  	_ =	shalt  }
0x4c: {  	_ =	shalt  }
0x4d: {  	_ =	shalt  }
0x4e: {  	_ =	shalt  }
0x4f: {  	_ =	shalt  }
0x50: {  	_ =	shalt  }
0x51: {  	_ =	shalt  }
0x52: {  	_ =	shalt  }
0x53: {  	_ =	shalt  }
0x54: {  	_ =	shalt  }
0x55: {  	_ =	shalt  }
0x56: {  	_ =	shalt  }
0x57: {  	_ =	shalt  }
0x58: {  	_ =	shalt  }
0x59: {  	_ =	shalt  }
0x5a: {  	_ =	shalt  }
0x5b: {  	_ =	shalt  }
0x5c: {  	_ =	shalt  }
0x5d: {  	_ =	shalt  }
0x5e: {  	_ =	shalt  }
0x5f: {  	_ =	shalt  }
0x60: {  	_ =	shalt  }
0x61: {  	_ =	shalt  }
0x62: {  	_ =	shalt  }
0x63: {  	_ =	shalt  }
0x64: {  	_ =	shalt  }
0x65: {  	_ =	shalt  }
0x66: {  	_ =	shalt  }
0x67: {  	_ =	shalt  }
0x68: {  	_ =	shalt  }
0x69: {  	_ =	shalt  }
0x6a: {  	_ =	shalt  }
0x6b: {  	_ =	shalt  }
0x6c: {  	_ =	shalt  }
0x6d: {  	_ =	shalt  }
0x6e: {  	_ =	shalt  }
0x6f: {  	_ =	shalt  }
0x70: {  	_ =	shalt  }
0x71: {  	_ =	shalt  }
0x72: {  	_ =	shalt  }
0x73: {  	_ =	shalt  }
0x74: {  	_ =	shalt  }
0x75: {  	_ =	shalt  }
0x76: {  	_ =	shalt  }
0x77: {  	_ =	shalt  }
0x78: {  	_ =	shalt  }
0x79: {  	_ =	shalt  }
0x7a: {  	_ =	shalt  }
0x7b: {  	_ =	shalt  }
0x7c: {  	_ =	shalt  }
0x7d: {  	_ =	shalt  }
0x7e: {  	_ =	shalt  }
0x7f: {  	_ =	shalt  }
0x80: {  	_ =	shalt  }
0x81: {  	_ =	shalt  }
0x82: {  	_ =	shalt  }
0x83: {  	_ =	shalt  }
0x84: {  	_ =	shalt  }
0x85: {  	_ =	shalt  }
0x86: {  	_ =	shalt  }
0x87: {  	_ =	shalt  }
.Lfunc_end0:
.L_simem_size_0:
called_computation.1_lowered:
.L_overlay_start_0:
0x88: {  	s2 =	sld [smem:$0x3FD9]  }
0x89: {  	s3 =	sld [smem:$0x3FFE];
	_ =	sdelay $0x1  }
0x8a: {  	s1 =	srdreg.scid  }
0x8b: {  	s0 =	sand.u32 $0x1, s1  }
0x8c: {  	s17 =	sshll.u32 s0, $0xA;
	s2 =	sadd.s32 s3, s2  }
0x8d: {  	s2 =	sadd.s32 s2, s17  }
0x8e: {  	[smem:$0x3FC1] =	sst s2  }
0x8f: {  	_ = 	snop  }
0x90: {  	s18 =	sld [smem:$0x3FD0];
	(tm) =	ssettm $0x1  }
0x91: {  	s19 =	sld [smem:$0x3FFB];
	_ =	sdelay $0x3  }
0x92: {  	_ =	strace s19  }
0x93: {  	s2 =	sld [smem:$0x3FFC];
	_ =	sdelay $0x3  }
0x94: {  	_ =	strace s2  }
0x95: {  	s2 =	sld [smem:$0x3FFD];
	_ =	sdelay $0x3  }
0x96: {  	_ =	strace s2  }
0x97: {  	_ =	strace $0x8FFFFFFF  }
0x98: {  	s20 =	sld [smem:$0x3FDB];
	_ =	sdelay $0x1  }
0x99: {  	s4 =	simm.s32 $_scs_section_size  }
0x9a: {  	s5 =	simm.s32 $_size__tile_overlayer_lowered;
	s6 =	simm.s32 $_tile_overlayer_lowered  }
0x9b: {  	s7 =	simm.s32 $0x1BFF;
	s21 =	sshll.u32 s6, $0x1;
	s4 =	sadd.s32 s4, s20  }
0x9c: {  	s22 =	simm.s32 $0x0;
	s5 =	sshll.u32 s5, $0x1;
	s6 =	sadd.s32 s21, s4  }
0x9d: {  	[timem:s22], [sflag:s7] =	dma.local [hbm:s6], s5  }
0x9e: {  	_ =	swait.ge [sflag:s7], s5  }
0x9f: {  	s5 =	ssub.s32 $0x0, s5;
	[sflag:s7] =	ssyncset.done $0x0  }
0xa0: {  	[sflag:s7] =	ssyncadd.s32 s5;
	_ =	sdelay $0x1  }
0xa1: {  	s23 =	simm.s32 $0x1B8B  }
0xa2: {  	_ =	swait.ge [sflag:s23], $0x1  }
0xa3: {  	[sflag:s23] =	ssyncset.done $0x0  }
0xa4: {  	[sflag:s23] =	ssyncadd.s32 $0xFFFFFFFF  }
0xa5: {  	s5 =	sld [smem:$0x0]  }
0xa6: {  	s6 =	sand.u32 $0xFFFFFFFE, s1  }
0xa7: {  	p0 =	sne.s32 s1, s6  }
0xa8: {  	s6 =	sshll.u32 @p0 s6, $0xE  }
0xa9: {  	s6 =	sadd.s32 @p0 $0x11B8D, s6;
	s7 =	sshll.u32 @p0 s5, $0x11  }
0xaa: {  	s6 =	sor.u32 @p0 s7, s6  }
0xab: {  	[sflag:s6] =	ssyncadd.remote.s32 @p0 $0x1;
	_ =	sdelay $0x1  }
0xac: {  	s6 =	simm.s32 @p0 $0x1B8D  }
0xad: {  	_ =	swait.eq @p0 [sflag:s6], $0x1  }
0xae: {  	[sflag:s6] =	ssyncadd.s32 @p0 $0xFFFFFFFF  }
0xaf: {  	s7 =	sshll.u32 @!p0 s1, $0xE  }
0xb0: {  	s7 =	sor.u32 @!p0 $0x4000, s7;
	s6 =	simm.s32 @!p0 $0x1B8D  }
0xb1: {  	s5 =	sshll.u32 @!p0 s5, $0x11;
	s7 =	sadd.s32 @!p0 $0x11B8D, s7;
	_ =	swait.eq @!p0 [sflag:s6], $0x1  }
0xb2: {  	s5 =	sor.u32 @!p0 s5, s7;
	[sflag:s6] =	ssyncadd.s32 @!p0 $0xFFFFFFFF  }
0xb3: {  	s25 =	simm.s32 $0x1B8E;
	s24 =	sld [smem:$0x3FFE];
	[sflag:s5] =	ssyncadd.remote.s32 @!p0 $0x1  }
0xb4: {  	s26 =	simm.s32 $execute0_lowered;
	[smem:$0x3FD2] =	sst s25  }
0xb5: {  	s6 =	sshll.u32 s26, $0x1;
	_ =	strace $0x80000049;
	[dreg:$0x1] =	wrdreg $0xFFFFFFFF  }
0xb6: {  	s28 =	simm.s32 $_size_execute0_lowered;
	s4 =	sadd.s32 s4, s6;
	[dreg:$0x0] =	wrdreg $0x0  }
0xb7: {  	s6 =	sshll.u32 s28, $0x1;
	[dreg:$0x2] =	wrdreg s4  }
0xb8: {  	[dreg:$0x3] =	wrdreg s6  }
0xb9: {  	[dreg:$0x4] =	wrdreg $0xC0  }
0xba: {  	_ =	task [dreg:s22], $0x5FFFF  }
0xbb: {  	[dreg:$0x1] =	wrdreg $0xFFFFFFFF  }
0xbc: {  	[dreg:$0x0] =	wrdreg $0x60  }
0xbd: {  	[dreg:$0x2] =	wrdreg s24  }
0xbe: {  	[dreg:$0x3] =	wrdreg s18  }
0xbf: {  	[dreg:$0x4] =	wrdreg $0x0  }
0xc0: {  	[dreg:$0x5] =	wrdreg $0xA  }
0xc1: {  	_ =	task.clear_ibuf [dreg:s22], $0x6FFFF;
	_ =	strace $0x90000049  }
0xc2: {  	s29 =	simm.s32 $0xA;
	_ =	strace $0x8000004B  }
0xc3: {  	_ =	swait.ge [sflag:s29], $0x1  }
0xc4: {  	[sflag:s29] =	ssyncadd.s32 $0xFFFFFFFF  }
0xc5: {  	_ =	strace $0x9000004B  }
0xc6: {  	_ =	sfence  }
0xc7: {  	s30 =	sld [smem:$0x0];
	_ =	sdelay $0x2  }
0xc8: {  	s31 =	sshll.u32 s1, $0xD;
	s1 =	sshrl.u32 s1, $0x2  }
0xc9: {  	s4 =	sand.u32 $0x4000, s31;
	s1 =	sadd.s32 s1, s30  }
0xca: {  	s0 =	sor.u32 s4, s0;
	s1 =	sshll.u32 s1, $0x11  }
0xcb: {  	s0 =	sor.u32 s1, s0  }
0xcc: {  	s0 =	sadd.s32 $0x8F2B, s0  }
0xcd: {  	[sflag:s0] =	ssyncadd.remote.s32 $0x1  }
0xce: {  	_ =	sfence.sel $0xFFFF  }
0xcf: {  	[dreg:$0x0] =	wrdreg $0xFFFFFFFF;
	(pc) =	sbr.abs _section_cstart, $3  }
0xd0: {  	[dreg:$0x1] =	wrdreg $0xFFFFFFFF  }
0xd1: {  	_ =	task.clear_ibuf [dreg:s22], $0x2FFFF;
	_ =	strace $0x9FFFFFFF  }
0xd2: {  	(tm) =	ssettm $0x7FFFFFFF  }
0xd3: {  	_ =	shalt  }
tec
execute0_lowered:
.L_overlay_start_1:
0x0: {  	(tag) =	ssettag $0x1  }
0x1: {  	s6 =	rddreg [dreg:$0x0]  }
0x2: {  	s2 =	rddreg [dreg:$0x1]  }
0x3: {  	s3 =	rddreg [dreg:$0x2]  }
0x4: {  	s1 =	stileid.u32;
	s5 =	srdreg.scid;
	s4 =	simm.s32 $0x0  }
0x5: {  	s13 =	simm.s32 $0xA2C0;
	s14 =	simm.s32 $0xA090;
	s15 =	simm.s32 $0xF2C0  }
0x6: {  	s16 =	simm.s32 $0xA140;
	s17 =	simm.s32 $0xCAC0;
	s18 =	simm.s32 $0xA190  }
0x7: {  	s19 =	simm.s32 $0x11AC0;
	s20 =	simm.s32 $0x1;
	s7 =	smul.u32 $0x1D4C, s1  }
0x8: {  	s21 =	simm.s32 $0x3;
	s22 =	simm.s32 $0xA240;
	s11 =	smul.u32 $0x28000, s1  }
0x9: {  	s23 =	simm.s32 $0x2;
	s8 =	sand.u32 $0x1, s5;
	s26 =	smul.u32 $0x1400, s1  }
0xa: {  	[smem:$0x7FF] =	sst s4;
	s5 =	sadd.s32 $0x51C00, s6;
	s9 =	smul.u32 $0x14000, s8  }
0xb: {  	_ =	strace $0x8000004A;
	s10 =	ssub.s32 $0x2, s8;
	s24 =	smul.u32 $0x1400, s8  }
0xc: {  	s7 =	sadd.s32 s7, s6;
	s12 =	sshrl.u32 s10, $0x1;
	s31 =	sshrl.u32 s11, $0x2  }
0xd: {  	s11 =	simm.s32 $0xA040;
	s9 =	sadd.s32 s9, s6;
	s10 =	ssub.s32 s10, s12  }
0xe: {  	v0 =	vlaneseq.u32;
	s6 =	sadd.s32 s31, s3;
	s7 =	sadd.s32 $0x34600, s7;
	s12 =	simm.s32 $0x50  }
0xf: {  	v2 =	vand.u32 $0x7, v0;
	s25 =	sadd.s32 $0x79C00, s9;
	s8 =	smax.u32 s10, $0x1;
	s10 =	simm.s32 $0x5  }
0x10: {  	v1 =	vimm.f32 $0.0e+00;
	v2 =	vor.u32 $0x1400, v2;
	v0 =	vmov s24;
	s24 =	sadd.s32 s26, s25;
	s25 =	simm.s32 $0x4;
	s26 =	simm.s32 $0x0  }
.LBB2_1:
0x11: {  	s28 =	simm.s32 $0x0;
	s29 =	simm.s32 $0x200  }
.LBB2_2:
0x12: {  	p0 =	sne.s32 s29, $0x27E00;
	[tilespmem:s28+$0x14330] =	vst v1  }
0x13: {  	[tilespmem:s28+$0x142C0] =	vst v1  }
0x14: {  	[tilespmem:s28+$0x142D0] =	vst v1  }
.Ltmp0:
0x15: {  	[tilespmem:s28+$0x142E0] =	vst v1;
	(pc) =	sbr.rel @p0 .LBB2_2-.Ltmp0, $4  }
0x16: {  	[tilespmem:s28+$0x142F0] =	vst v1  }
0x17: {  	[tilespmem:s28+$0x14300] =	vst v1  }
0x18: {  	[tilespmem:s28+$0x14310] =	vst v1  }
0x19: {  	[tilespmem:s28+$0x14320] =	vst v1;
	s28 =	sshra.s32 s29, $0x2;
	s29 =	sadd.s32 $0x200, s29  }
0x1a: {  	[tilespmem:s28+$0x14330] =	vst v1  }
0x1b: {  	[tilespmem:s28+$0x142C0] =	vst v1  }
0x1c: {  	[tilespmem:s28+$0x142D0] =	vst v1  }
0x1d: {  	[tilespmem:s28+$0x142E0] =	vst v1  }
0x1e: {  	[tilespmem:s28+$0x142F0] =	vst v1  }
0x1f: {  	[tilespmem:s28+$0x14300] =	vst v1  }
0x20: {  	[tilespmem:s28+$0x14310] =	vst v1  }
0x21: {  	[tilespmem:s28+$0x14320] =	vst v1;
	s0 =	simm.s32 $0x142C0  }
0x22: {  	[spmem:s6] =	stream.linear.scatter [tilespmem:s0], [sflag:$0x5], $0xA000, $0x38;
	[tilespmem:$0x1E2C0] =	vst v63  }
0x23: {  	_ =	swait.ge [sflag:s10], $0xA000  }
0x24: {  	[sflag:s10] =	ssyncset.done $0x0  }
0x25: {  	[sflag:s10] =	ssyncadd.s32 $0xFFFF6000  }
0x26: {  	[bflag:$0x0] =	sbarrier.arrive $0xFFFF  }
0x27: {  	[tilespmem:s11], [sflag:$0x5] =	stream.linear.gather [hbm4b:s7+s4], $0xF0, $0x38;
	[tilespmem:$0x1E2C0] =	vst v63  }
0x28: {  	_ =	swait.ge [sflag:s10], $0xF0  }
0x29: {  	[sflag:s10] =	ssyncset.done $0x0  }
0x2a: {  	[sflag:s10] =	ssyncadd.s32 $0xFFFFFF10  }
0x2b: {  	[tilespmem:s13], [sflag:$0x1] =	stream.indirect.gather [hbm4b:s2+s12], $0x80, s11, s12, $0xb8;
	[tilespmem:$0x1E2C0] =	vst v63  }
0x2c: {  	s28 =	sadd.s32 $0xFFFFE2B4, s7  }
0x2d: {  	[tilespmem:s15], [sflag:$0x3] =	stream.indirect.gather [hbm4b:s5+s12], $0x80, s14, s12, $0xb8;
	[tilespmem:$0x1E2C0] =	vst v63  }
0x2e: {  	s28 =	sadd.s32 $0x1D6A, s28  }
0x2f: {  	[tilespmem:s16], [sflag:$0x5] =	stream.linear.gather [hbm4b:s28+s4], $0xF0, $0x38;
	[tilespmem:$0x1E2C0] =	vst v63  }
0x30: {  	_ =	swait.ge [sflag:s10], $0xF0  }
0x31: {  	[sflag:s10] =	ssyncset.done $0x0  }
0x32: {  	[sflag:s10] =	ssyncadd.s32 $0xFFFFFF10  }
0x33: {  	[tilespmem:s17], [sflag:$0x2] =	stream.indirect.gather [hbm4b:s2+s12], $0x80, s16, s12, $0xb8;
	[tilespmem:$0x1E2C0] =	vst v63  }
0x34: {  	_ = 	snop  }
0x35: {  	[tilespmem:s19], [sflag:$0x4] =	stream.indirect.gather [hbm4b:s5+s12], $0x80, s18, s12, $0xb8;
	[tilespmem:$0x1E2C0] =	vst v63  }
0x36: {  	_ =	swait.ge [sflag:s20], $0x2800  }
0x37: {  	[sflag:s20] =	ssyncset.done $0x0  }
0x38: {  	[sflag:s20] =	ssyncadd.s32 $0xFFFFD800  }
0x39: {  	_ =	swait.ge [sflag:s21], $0x2800  }
0x3a: {  	[sflag:s21] =	ssyncset.done $0x0  }
0x3b: {  	p1 =	por $0x0, $0x0;
	[sflag:s21] =	ssyncadd.s32 $0xFFFFD800  }
0x3c: {  	s29 =	sadd.s32 @!p1 $0xFFFFE2B4, s7;
	v3 =	vld [tilespmem:$0xA110]  }
0x3d: {  	s30 =	sadd.s32 @!p1 $0x1D88, s29;
	s28 =	simm.s32 $0xFFFFE2F0;
	v4 =	vld [tilespmem:$0xA100]  }
.LBB2_4:
0x3e: {  	v5 =	vld [tilespmem:$0xA120];
	s29 =	smov.u32 s28;
	s28 =	sadd.s32 $0x3C, s28  }
0x3f: {  	p0 =	sne.s32 s28, $0x0;
	v6 =	vld [tilespmem:$0xA0E0]  }
0x40: {  	v7 =	vld [tilespmem:$0xA0F0]  }
0x41: {  	v3 =	vsub.s32 v3, v0  }
0x42: {  	v4 =	vsub.s32 v4, v0;
	vm0 =	vlt.u32 v3, $0x1400  }
0x43: {  	vm1 =	vlt.u32 v4, $0x1400;
	v3 =	vsel vm0, v3, v2;
	v5 =	vsub.s32 v5, v0  }
0x44: {  	v6 =	vsub.s32 v6, v0;
	v4 =	vsel vm1, v4, v2;
	[tilespmem:$0xA270] =	vst v3;
	vm0 =	vlt.u32 v5, $0x1400  }
0x45: {  	vm1 =	vlt.u32 v6, $0x1400;
	v3 =	vsub.s32 v7, v0;
	[tilespmem:$0xA260] =	vst v4;
	v4 =	vsel vm0, v5, v2  }
0x46: {  	v5 =	vsel vm1, v6, v2;
	vm0 =	vlt.u32 v3, $0x1400;
	[tilespmem:$0xA280] =	vst v4  }
0x47: {  	[tilespmem:$0xA240] =	vst v5;
	v3 =	vsel vm0, v3, v2  }
0x48: {  	[tilespmem:$0xA250] =	vst v3  }
0x49: {  	[spmem:s3] =	stream.indirect.scatter.add.f32 [tilespmem:s13], [sflag:$0x5], $0x80, s22, s12, $0xb8;
	[tilespmem:$0x1E2C0] =	vst v63  }
0x4a: {  	_ =	swait.ge [sflag:s10], $0x2800  }
0x4b: {  	[sflag:s10] =	ssyncset.done $0x0  }
0x4c: {  	[sflag:s10] =	ssyncadd.s32 $0xFFFFD800  }
0x4d: {  	[spmem:s3] =	stream.indirect.scatter.add.f32 [tilespmem:s15], [sflag:$0x5], $0x80, s22, s12, $0xb8;
	[tilespmem:$0x1E2C0] =	vst v63  }
0x4e: {  	_ =	swait.ge [sflag:s10], $0x2800  }
0x4f: {  	s31 =	simm.s32 @!p1 $0x5;
	[sflag:s10] =	ssyncset.done $0x0  }
0x50: {  	s0 =	simm.s32 @!p1 $0x0;
	s9 =	simm.s32 @!p1 $0xA040;
	[sflag:s10] =	ssyncadd.s32 $0xFFFFD800  }
0x51: {  	[tilespmem:s9], [sflag:$0x5] =	stream.linear.gather @!p1 [hbm4b:s30+s0], $0xF0, $0x38;
	[tilespmem:$0x1E2C0] =	vst v63  }
0x52: {  	_ =	swait.ge @!p1 [sflag:s31], $0xF0  }
0x53: {  	[sflag:s31] =	ssyncset.done @!p1 $0x0  }
0x54: {  	s0 =	simm.s32 @!p1 $0x50;
	s30 =	simm.s32 @!p1 $0xA2C0;
	[sflag:s31] =	ssyncadd.s32 @!p1 $0xFFFFFF10  }
0x55: {  	[tilespmem:s30], [sflag:$0x1] =	stream.indirect.gather @!p1 [hbm4b:s2+s0], $0x80, s9, s0, $0xb8;
	[tilespmem:$0x1E2C0] =	vst v63  }
0x56: {  	s9 =	simm.s32 @!p1 $0xA090;
	s30 =	simm.s32 @!p1 $0xF2C0  }
0x57: {  	[tilespmem:s30], [sflag:$0x3] =	stream.indirect.gather @!p1 [hbm4b:s5+s0], $0x80, s9, s0, $0xb8;
	[tilespmem:$0x1E2C0] =	vst v63  }
0x58: {  	_ =	swait.ge [sflag:s23], $0x2800  }
0x59: {  	[sflag:s23] =	ssyncset.done $0x0  }
0x5a: {  	[sflag:s23] =	ssyncadd.s32 $0xFFFFD800  }
0x5b: {  	_ =	swait.ge [sflag:s25], $0x2800  }
0x5c: {  	[sflag:s25] =	ssyncset.done $0x0  }
0x5d: {  	[sflag:s25] =	ssyncadd.s32 $0xFFFFD800  }
0x5e: {  	v3 =	vld [tilespmem:$0xA1E0]  }
0x5f: {  	v4 =	vld [tilespmem:$0xA220]  }
0x60: {  	v5 =	vld [tilespmem:$0xA200]  }
0x61: {  	v6 =	vld [tilespmem:$0xA1F0]  }
0x62: {  	v7 =	vld [tilespmem:$0xA210]  }
0x63: {  	v3 =	vsub.s32 v3, v0  }
0x64: {  	vm0 =	vlt.u32 v3, $0x1400;
	v4 =	vsub.s32 v4, v0  }
0x65: {  	v3 =	vsel vm0, v3, v2;
	v5 =	vsub.s32 v5, v0;
	vm0 =	vlt.u32 v4, $0x1400  }
0x66: {  	[tilespmem:$0xA240] =	vst v3;
	v3 =	vsub.s32 v6, v0;
	vm1 =	vlt.u32 v5, $0x1400;
	v4 =	vsel vm0, v4, v2  }
0x67: {  	vm0 =	vlt.u32 v3, $0x1400;
	v5 =	vsel vm1, v5, v2;
	v6 =	vsub.s32 v7, v0;
	[tilespmem:$0xA280] =	vst v4  }
0x68: {  	v3 =	vsel vm0, v3, v2;
	[tilespmem:$0xA260] =	vst v5;
	vm0 =	vlt.u32 v6, $0x1400  }
0x69: {  	[tilespmem:$0xA250] =	vst v3;
	v3 =	vsel vm0, v6, v2  }
0x6a: {  	[tilespmem:$0xA270] =	vst v3  }
0x6b: {  	[spmem:s3] =	stream.indirect.scatter.add.f32 [tilespmem:s17], [sflag:$0x5], $0x80, s22, s12, $0xb8;
	[tilespmem:$0x1E2C0] =	vst v63  }
0x6c: {  	_ =	swait.ge [sflag:s10], $0x2800  }
0x6d: {  	[sflag:s10] =	ssyncset.done $0x0  }
0x6e: {  	[sflag:s10] =	ssyncadd.s32 $0xFFFFD800  }
0x6f: {  	[spmem:s3] =	stream.indirect.scatter.add.f32 [tilespmem:s19], [sflag:$0x5], $0x80, s22, s12, $0xb8;
	[tilespmem:$0x1E2C0] =	vst v63  }
0x70: {  	_ =	swait.ge [sflag:s10], $0x2800  }
0x71: {  	s0 =	sadd.s32 s29, s7;
	[sflag:s10] =	ssyncset.done $0x0  }
0x72: {  	s0 =	sadd.s32 $0x1D6A, s0;
	[sflag:s10] =	ssyncadd.s32 $0xFFFFD800  }
0x73: {  	[tilespmem:s16], [sflag:$0x5] =	stream.linear.gather [hbm4b:s0+s4], $0xF0, $0x38;
	[tilespmem:$0x1E2C0] =	vst v63  }
0x74: {  	_ =	swait.ge [sflag:s10], $0xF0  }
0x75: {  	[sflag:s10] =	ssyncset.done $0x0  }
0x76: {  	[sflag:s10] =	ssyncadd.s32 $0xFFFFFF10  }
0x77: {  	[tilespmem:s17], [sflag:$0x2] =	stream.indirect.gather [hbm4b:s2+s12], $0x80, s16, s12, $0xb8;
	[tilespmem:$0x1E2C0] =	vst v63  }
0x78: {  	_ = 	snop  }
0x79: {  	[tilespmem:s19], [sflag:$0x4] =	stream.indirect.gather [hbm4b:s5+s12], $0x80, s18, s12, $0xb8;
	[tilespmem:$0x1E2C0] =	vst v63  }
0x7a: {  	p1 =	seq.s32 s29, $0xFFFFFFC4;
	_ =	swait.ge [sflag:s20], $0x2800  }
0x7b: {  	s0 =	sadd.s32 @!p1 s29, s7;
	[sflag:s20] =	ssyncset.done $0x0  }
0x7c: {  	s30 =	sadd.s32 @!p1 $0x1D88, s0;
	[sflag:s20] =	ssyncadd.s32 $0xFFFFD800  }
.Ltmp1:
0x7d: {  	_ =	swait.ge [sflag:s21], $0x2800;
	(pc) =	sbr.rel @p0 .LBB2_4-.Ltmp1, $4  }
0x7e: {  	[sflag:s21] =	ssyncset.done $0x0  }
0x7f: {  	[sflag:s21] =	ssyncadd.s32 $0xFFFFD800  }
0x80: {  	v3 =	vld [tilespmem:$0xA110]  }
0x81: {  	v4 =	vld [tilespmem:$0xA100]  }
0x82: {  	v5 =	vld [tilespmem:$0xA120]  }
0x83: {  	v6 =	vld [tilespmem:$0xA0E0]  }
0x84: {  	v7 =	vld [tilespmem:$0xA0F0]  }
0x85: {  	v3 =	vsub.s32 v3, v0  }
0x86: {  	v4 =	vsub.s32 v4, v0;
	vm0 =	vlt.u32 v3, $0x1400  }
0x87: {  	vm1 =	vlt.u32 v4, $0x1400;
	v3 =	vsel vm0, v3, v2;
	v5 =	vsub.s32 v5, v0  }
0x88: {  	v6 =	vsub.s32 v6, v0;
	v4 =	vsel vm1, v4, v2;
	[tilespmem:$0xA270] =	vst v3;
	vm8 =	vlt.u32 v5, $0x1400  }
0x89: {  	vm9 =	vlt.u32 v6, $0x1400;
	v3 =	vsub.s32 v7, v0;
	[tilespmem:$0xA260] =	vst v4;
	v57 =	vsel vm8, v5, v2  }
0x8a: {  	v58 =	vsel vm9, v6, v2;
	vm10 =	vlt.u32 v3, $0x1400;
	[tilespmem:$0xA280] =	vst v57  }
0x8b: {  	[tilespmem:$0xA240] =	vst v58;
	v3 =	vsel vm10, v3, v2  }
0x8c: {  	[tilespmem:$0xA250] =	vst v3  }
0x8d: {  	[spmem:s3] =	stream.indirect.scatter.add.f32 [tilespmem:s13], [sflag:$0x5], $0x80, s22, s12, $0xb8;
	[tilespmem:$0x1E2C0] =	vst v63  }
0x8e: {  	_ =	swait.ge [sflag:s10], $0x2800  }
0x8f: {  	[sflag:s10] =	ssyncset.done $0x0  }
0x90: {  	[sflag:s10] =	ssyncadd.s32 $0xFFFFD800  }
0x91: {  	[spmem:s3] =	stream.indirect.scatter.add.f32 [tilespmem:s15], [sflag:$0x5], $0x80, s22, s12, $0xb8;
	[tilespmem:$0x1E2C0] =	vst v63  }
0x92: {  	_ =	swait.ge [sflag:s10], $0x2800  }
0x93: {  	s0 =	simm.s32 @!p1 $0x5;
	[sflag:s10] =	ssyncset.done $0x0  }
0x94: {  	s9 =	simm.s32 @!p1 $0x0;
	s28 =	simm.s32 @!p1 $0xA040;
	[sflag:s10] =	ssyncadd.s32 $0xFFFFD800  }
0x95: {  	[tilespmem:s28], [sflag:$0x5] =	stream.linear.gather @!p1 [hbm4b:s30+s9], $0xF0, $0x38;
	[tilespmem:$0x1E2C0] =	vst v63  }
0x96: {  	_ =	swait.ge @!p1 [sflag:s0], $0xF0  }
0x97: {  	[sflag:s0] =	ssyncset.done @!p1 $0x0  }
0x98: {  	s9 =	simm.s32 @!p1 $0xA2C0;
	[sflag:s0] =	ssyncadd.s32 @!p1 $0xFFFFFF10;
	s0 =	simm.s32 @!p1 $0x50  }
0x99: {  	[tilespmem:s9], [sflag:$0x1] =	stream.indirect.gather @!p1 [hbm4b:s2+s0], $0x80, s28, s0, $0xb8;
	[tilespmem:$0x1E2C0] =	vst v63  }
0x9a: {  	s9 =	simm.s32 @!p1 $0xA090;
	s28 =	simm.s32 @!p1 $0xF2C0  }
0x9b: {  	[tilespmem:s28], [sflag:$0x3] =	stream.indirect.gather @!p1 [hbm4b:s5+s0], $0x80, s9, s0, $0xb8;
	[tilespmem:$0x1E2C0] =	vst v63  }
0x9c: {  	_ =	swait.ge [sflag:s23], $0x2800  }
0x9d: {  	[sflag:s23] =	ssyncset.done $0x0  }
0x9e: {  	[sflag:s23] =	ssyncadd.s32 $0xFFFFD800  }
0x9f: {  	_ =	swait.ge [sflag:s25], $0x2800  }
0xa0: {  	[sflag:s25] =	ssyncset.done $0x0  }
0xa1: {  	[sflag:s25] =	ssyncadd.s32 $0xFFFFD800  }
0xa2: {  	v3 =	vld [tilespmem:$0xA1E0]  }
0xa3: {  	v59 =	vld [tilespmem:$0xA220]  }
0xa4: {  	v60 =	vld [tilespmem:$0xA200]  }
0xa5: {  	v61 =	vld [tilespmem:$0xA1F0]  }
0xa6: {  	v62 =	vld [tilespmem:$0xA210]  }
0xa7: {  	v3 =	vsub.s32 v3, v0  }
0xa8: {  	v4 =	vsub.s32 v59, v0;
	vm11 =	vlt.u32 v3, $0x1400  }
0xa9: {  	v5 =	vsub.s32 v60, v0;
	vm12 =	vlt.u32 v4, $0x1400;
	v3 =	vsel vm11, v3, v2  }
0xaa: {  	vm13 =	vlt.u32 v5, $0x1400;
	v4 =	vsel vm12, v4, v2;
	[tilespmem:$0xA240] =	vst v3;
	v3 =	vsub.s32 v61, v0  }
0xab: {  	v63 =	vsub.s32 v62, v0;
	v5 =	vsel vm13, v5, v2;
	[tilespmem:$0xA280] =	vst v4;
	vm14 =	vlt.u32 v3, $0x1400  }
0xac: {  	vm15 =	vlt.u32 v63, $0x1400;
	[tilespmem:$0xA260] =	vst v5;
	v3 =	vsel vm14, v3, v2  }
0xad: {  	[tilespmem:$0xA250] =	vst v3;
	v3 =	vsel vm15, v63, v2  }
0xae: {  	[tilespmem:$0xA270] =	vst v3  }
0xaf: {  	[spmem:s3] =	stream.indirect.scatter.add.f32 [tilespmem:s17], [sflag:$0x5], $0x80, s22, s12, $0xb8;
	[tilespmem:$0x1E2C0] =	vst v63  }
0xb0: {  	_ =	swait.ge [sflag:s10], $0x2800  }
0xb1: {  	[sflag:s10] =	ssyncset.done $0x0  }
0xb2: {  	[sflag:s10] =	ssyncadd.s32 $0xFFFFD800  }
0xb3: {  	[spmem:s3] =	stream.indirect.scatter.add.f32 [tilespmem:s19], [sflag:$0x5], $0x80, s22, s12, $0xb8;
	[tilespmem:$0x1E2C0] =	vst v63  }
0xb4: {  	_ =	swait.ge [sflag:s10], $0x2800  }
0xb5: {  	s31 =	sshrl.u32 s6, $0x3;
	s26 =	sadd.s32 $0x1, s26;
	[sflag:s10] =	ssyncset.done $0x0  }
0xb6: {  	p0 =	sne.s32 s26, s8;
	s30 =	sshll.u32 s1, $0x6;
	[sflag:s10] =	ssyncadd.s32 $0xFFFFD800  }
.Ltmp2:
0xb7: {  	s0 =	sor.u32 $0x1C05, s30;
	[bflag:$0x0] =	sbarrier.arrive $0xFFFF;
	(pc) =	sbr.rel @p0 .LBB2_1-.Ltmp2, $4  }
0xb8: {  	[hbm:s24], [sflag:s0] =	dma.local [spmem:s31], $0x1400  }
0xb9: {  	_ =	swait.ge [sflag:s10], $0x1400  }
0xba: {  	[sflag:s10] =	ssyncset.done $0x0  }
0xbb: {  	[sflag:s10] =	ssyncadd.s32 $0xFFFFEC00  }
0xbc: {  	_ =	sfence.sel $0x180000  }
0xbd: {  	[bflag:$0x0] =	sbarrier.arrive $0xFFFF  }
0xbe: {  	_ =	strace $0x9000004A  }
0xbf: {  	[bflag:$0x2] =	sbarrier.arrive $0xFFFF  }
0xc0: {  	p0 =	sne.s32 s1, $0x0;
	s0 =	rddreg [dreg:$0x3]  }
0xc1: {  	s0 =	sadd.s32 @!p0 $0x100000, s0  }
0xc2: {  	[sflag:s0] =	ssyncadd.tile.s32 @!p0 $0x1;
	_ =	shalt  }
.Lfunc_end2:
_tile_overlayer_lowered:
.L_overlay_start_2:
0xc3: {  	(tag) =	ssettag $0x2  }
0xc4: {  	s0 =	rddreg [dreg:$0x0];
	s2 =	stileid.u32  }
0xc5: {  	s1 =	rddreg [dreg:$0x1];
	p0 =	sne.s32 s2, $0x0  }
0xc6: {  	s3 =	rddreg [dreg:$0x2];
	[bflag:$0x3] =	sbarrier.arrive $0xFFFF;
	s2 =	simm.s32 @!p0 $0x1C05  }
0xc7: {  	[timem:s3], [sflag:s2] =	dma.local @!p0 [hbm:s0], s1  }
0xc8: {  	s0 =	simm.s32 @!p0 $0x5  }
0xc9: {  	_ =	swait.ge @!p0 [sflag:s0], s1  }
0xca: {  	s1 =	ssub.s32 @!p0 $0x0, s1;
	[sflag:s0] =	ssyncset.done @!p0 $0x0  }
0xcb: {  	[sflag:s0] =	ssyncadd.s32 @!p0 s1  }
0xcc: {  	[bflag:$0x3] =	sbarrier.arrive $0xFFFF  }
0xcd: {  	_ =	shalt  }

// kernel: kernel.14.cloned.1.call-start
scs
__scs_entry_jumppad:
0x0: {  	(pc) =	sbr.rel $0x88, $3  }
0x1: {  	(tag) =	ssettag $0x0;
	lr =	simm.s32 $0x1  }
0x2: {  	[smem:$0x3F9A] =	sst lr;
	_ =	strace $0xD0000000  }
0x3: {  	_ = 	snop  }
0x4: {  	_ = 	snop  }
0x5: {  	_ = 	snop  }
0x6: {  	_ = 	snop  }
0x7: {  	_ = 	snop  }
__scs_overlays_trampoline_lowered:
0x8: {  	[smem:$0x3FA9] =	sst s0  }
0x9: {  	[smem:$0x3FAA] =	sst s1  }
0xa: {  	[smem:$0x3FAB] =	sst s2  }
0xb: {  	[smem:$0x3FAC] =	sst s3  }
0xc: {  	[smem:$0x3FAD] =	sst s4  }
0xd: {  	[smem:$0x3FAE] =	sst s5  }
0xe: {  	[smem:$0x3FAF] =	sst s6  }
0xf: {  	[smem:$0x3FB0] =	sst s7  }
0x10: {  	[smem:$0x3FB1] =	sst s8  }
0x11: {  	[smem:$0x3FB2] =	sst s9;
	s0 =	simm.s32 @!p0 $0x0  }
0x12: {  	s1 =	sld [smem:$0x3F98];
	s0 =	simm.s32 @p0 $0x1  }
0x13: {  	[smem:$0x3FB3] =	sst s0;
	s0 =	simm.s32 @!p1 $0x0  }
0x14: {  	s2 =	sld [smem:$0x3F97];
	s0 =	simm.s32 @p1 $0x1  }
0x15: {  	[smem:$0x3FB4] =	sst s0;
	s0 =	simm.s32 @!p2 $0x0  }
0x16: {  	s3 =	sld [smem:$0x3FDB];
	s0 =	simm.s32 @p2 $0x1  }
0x17: {  	s4 =	simm.s32 $0x1BF5;
	[smem:$0x3FB6] =	sst s0  }
0x18: {  	s0 =	sld [smem:$0x3F99];
	_ =	swait.ge [sflag:s4], $0x0  }
0x19: {  	s7 =	sld [smem:$0x3F9A]  }
0x1a: {  	s8 =	sadd.s32 $0xFFFFE003, lr  }
0x1b: {  	s9 =	sadd.s32 $0xFFFFFEF7, lr;
	s5 =	simm.s32 $0xFFFFFFFF;
	p2 =	slt.u32 s8, $0xFFFFF086  }
0x1c: {  	p1 =	slt.u32 s9, $0xF7A;
	s5 =	simm.s32 @!p2 $0x0  }
0x1d: {  	s5 =	simm.s32 @p1 $0x1;
	p0 =	seq.s32 s7, s2  }
0x1e: {  	s7 =	smul.u32 @!p0 $0xF7A, s2;
	p2 =	seq.s32 @!p0 s5, $0x0  }
0x1f: {  	s9 =	smul.u32 $0xF7A, s1;
	s8 =	simm.s32 @!p0 $0x1BF5;
	p2 =	por !p2, p0  }
0x20: {  	[sflag:s8] =	ssyncset.s32 @!p0 $0xFFFFF086;
	s6 =	sadd.s32 @!p0 s3, s7;
	s7 =	simm.s32 @!p0 $0x108  }
0x21: {  	s3 =	sadd.s32 s3, s9;
	s6 =	sadd.s32 @!p0 $0x88, s6;
	s7 =	simm.s32 @p2 $0x1082  }
0x22: {  	[simem:s7], [sflag:s8] =	dma.local @!p0 [hbm:s6], $0xF7A  }
0x23: {  	s9 =	sor.u32 $0xD0000000, s2;
	s6 =	simm.s32 $0x108;
	_ =	swait.ge @!p0 [sflag:s8], $0x0  }
0x24: {  	s3 =	sadd.s32 $0x88, s3;
	s6 =	simm.s32 @!p1 $0x1082;
	[sflag:s4] =	ssyncset.s32 $0xFFFFF086  }
0x25: {  	[simem:s6], [sflag:s4] =	dma.local [hbm:s3], $0xF7A  }
0x26: {  	[smem:$0x3F9A] =	sst s1;
	(tag) =	ssettag s2;
	_ =	strace s9  }
0x27: {  	s1 =	sld [smem:$0x3FAA]  }
0x28: {  	s2 =	sld [smem:$0x3FAB]  }
0x29: {  	s4 =	sld [smem:$0x3FAD]  }
0x2a: {  	p0 =	seq.s32 s5, $0x0;
	s5 =	sld [smem:$0x3FAE]  }
0x2b: {  	s6 =	sld [smem:$0x3FAF]  }
0x2c: {  	s7 =	sld [smem:$0x3FB0]  }
0x2d: {  	s3 =	simm.s32 $0x108;
	s8 =	sld [smem:$0x3FB1]  }
0x2e: {  	s3 =	simm.s32 @!p0 $0x1082;
	s9 =	sld [smem:$0x3FB2]  }
0x2f: {  	lr =	sadd.s32 s0, s3;
	s0 =	sld [smem:$0x3FA9]  }
0x30: {  	s3 =	sld [smem:$0x3FAC]  }
0x31: {  	[smem:$0x3FB5] =	sst s10  }
0x32: {  	s10 =	sld [smem:$0x3FB3];
	_ =	sdelay $0x3  }
0x33: {  	p0 =	seq.s32 s10, $0x1;
	s10 =	sld [smem:$0x3FB5];
	_ =	sdelay $0x3  }
0x34: {  	[smem:$0x3FB5] =	sst s10  }
0x35: {  	s10 =	sld [smem:$0x3FB4];
	_ =	sdelay $0x3  }
0x36: {  	p1 =	seq.s32 s10, $0x1;
	s10 =	sld [smem:$0x3FB5];
	_ =	sdelay $0x3  }
0x37: {  	[smem:$0x3FB5] =	sst s10  }
0x38: {  	s10 =	sld [smem:$0x3FB6]  }
0x39: {  	_ = 	snop;
	(pc) =	sbr.ind lr, $3  }
0x3a: {  	_ = 	snop  }
0x3b: {  	_ = 	snop  }
0x3c: {  	p2 =	seq.s32 s10, $0x1;
	s10 =	sld [smem:$0x3FB5]  }
0x3d: {  	_ =	shalt  }
0x3e: {  	_ =	shalt  }
0x3f: {  	_ =	shalt  }
0x40: {  	_ =	shalt  }
0x41: {  	_ =	shalt  }
0x42: {  	_ =	shalt  }
0x43: {  	_ =	shalt  }
0x44: {  	_ =	shalt  }
0x45: {  	_ =	shalt  }
0x46: {  	_ =	shalt  }
0x47: {  	_ =	shalt  }
0x48: {  	_ =	shalt  }
0x49: {  	_ =	shalt  }
0x4a: {  	_ =	shalt  }
0x4b: {  	_ =	shalt  }
0x4c: {  	_ =	shalt  }
0x4d: {  	_ =	shalt  }
0x4e: {  	_ =	shalt  }
0x4f: {  	_ =	shalt  }
0x50: {  	_ =	shalt  }
0x51: {  	_ =	shalt  }
0x52: {  	_ =	shalt  }
0x53: {  	_ =	shalt  }
0x54: {  	_ =	shalt  }
0x55: {  	_ =	shalt  }
0x56: {  	_ =	shalt  }
0x57: {  	_ =	shalt  }
0x58: {  	_ =	shalt  }
0x59: {  	_ =	shalt  }
0x5a: {  	_ =	shalt  }
0x5b: {  	_ =	shalt  }
0x5c: {  	_ =	shalt  }
0x5d: {  	_ =	shalt  }
0x5e: {  	_ =	shalt  }
0x5f: {  	_ =	shalt  }
0x60: {  	_ =	shalt  }
0x61: {  	_ =	shalt  }
0x62: {  	_ =	shalt  }
0x63: {  	_ =	shalt  }
0x64: {  	_ =	shalt  }
0x65: {  	_ =	shalt  }
0x66: {  	_ =	shalt  }
0x67: {  	_ =	shalt  }
0x68: {  	_ =	shalt  }
0x69: {  	_ =	shalt  }
0x6a: {  	_ =	shalt  }
0x6b: {  	_ =	shalt  }
0x6c: {  	_ =	shalt  }
0x6d: {  	_ =	shalt  }
0x6e: {  	_ =	shalt  }
0x6f: {  	_ =	shalt  }
0x70: {  	_ =	shalt  }
0x71: {  	_ =	shalt  }
0x72: {  	_ =	shalt  }
0x73: {  	_ =	shalt  }
0x74: {  	_ =	shalt  }
0x75: {  	_ =	shalt  }
0x76: {  	_ =	shalt  }
0x77: {  	_ =	shalt  }
0x78: {  	_ =	shalt  }
0x79: {  	_ =	shalt  }
0x7a: {  	_ =	shalt  }
0x7b: {  	_ =	shalt  }
0x7c: {  	_ =	shalt  }
0x7d: {  	_ =	shalt  }
0x7e: {  	_ =	shalt  }
0x7f: {  	_ =	shalt  }
0x80: {  	_ =	shalt  }
0x81: {  	_ =	shalt  }
0x82: {  	_ =	shalt  }
0x83: {  	_ =	shalt  }
0x84: {  	_ =	shalt  }
0x85: {  	_ =	shalt  }
0x86: {  	_ =	shalt  }
0x87: {  	_ =	shalt  }
.Lfunc_end0:
.L_simem_size_0:
called_computation.2_lowered:
.L_overlay_start_0:
0x88: {  	s2 =	sld [smem:$0x3FD9]  }
0x89: {  	s3 =	sld [smem:$0x3FFE];
	_ =	sdelay $0x1  }
0x8a: {  	s1 =	srdreg.scid  }
0x8b: {  	s0 =	sand.u32 $0x1, s1  }
0x8c: {  	s17 =	sshll.u32 s0, $0xA;
	s2 =	sadd.s32 s3, s2  }
0x8d: {  	s2 =	sadd.s32 s2, s17  }
0x8e: {  	[smem:$0x3FC1] =	sst s2  }
0x8f: {  	_ = 	snop  }
0x90: {  	s2 =	sld [smem:$0x3FD0];
	(tm) =	ssettm $0x1  }
0x91: {  	s18 =	sld [smem:$0x3FFB];
	_ =	sdelay $0x3  }
0x92: {  	_ =	strace s18  }
0x93: {  	s3 =	sld [smem:$0x3FFC];
	_ =	sdelay $0x3  }
0x94: {  	_ =	strace s3  }
0x95: {  	s3 =	sld [smem:$0x3FFD];
	_ =	sdelay $0x3  }
0x96: {  	_ =	strace s3  }
0x97: {  	_ =	strace $0x8FFFFFFF  }
0x98: {  	s19 =	sld [smem:$0x3FDB];
	_ =	sdelay $0x1  }
0x99: {  	s4 =	simm.s32 $_scs_section_size  }
0x9a: {  	s5 =	simm.s32 $_size__tile_overlayer_lowered;
	s6 =	simm.s32 $_tile_overlayer_lowered  }
0x9b: {  	s22 =	simm.s32 $0x1BFF;
	s21 =	sshll.u32 s6, $0x1;
	s3 =	sadd.s32 s4, s19  }
0x9c: {  	s7 =	simm.s32 $0x0;
	s20 =	sshll.u32 s5, $0x1;
	s5 =	sadd.s32 s21, s3  }
0x9d: {  	[timem:s7], [sflag:s22] =	dma.local [hbm:s5], s20  }
0x9e: {  	_ =	swait.ge [sflag:s22], s20  }
0x9f: {  	s4 =	ssub.s32 $0x0, s20;
	[sflag:s22] =	ssyncset.done $0x0  }
0xa0: {  	[sflag:s22] =	ssyncadd.s32 s4;
	_ =	sdelay $0x1  }
0xa1: {  	s23 =	simm.s32 $0x1B8B  }
0xa2: {  	_ =	swait.ge [sflag:s23], $0x1  }
0xa3: {  	[sflag:s23] =	ssyncset.done $0x0  }
0xa4: {  	s25 =	simm.s32 $0x1B8E;
	s24 =	sld [smem:$0x3FFE];
	[sflag:s23] =	ssyncadd.s32 $0xFFFFFFFF  }
0xa5: {  	s26 =	simm.s32 $execute0_lowered;
	[smem:$0x3FD2] =	sst s25  }
0xa6: {  	s5 =	sshll.u32 s26, $0x1;
	_ =	strace $0x8000004C;
	[dreg:$0x1] =	wrdreg $0xFFFFFFFF  }
0xa7: {  	s28 =	simm.s32 $_size_execute0_lowered;
	s3 =	sadd.s32 s3, s5;
	[dreg:$0x0] =	wrdreg $0x0  }
0xa8: {  	s5 =	sshll.u32 s28, $0x1;
	[dreg:$0x2] =	wrdreg s3  }
0xa9: {  	[dreg:$0x3] =	wrdreg s5  }
0xaa: {  	[dreg:$0x4] =	wrdreg $0xC0  }
0xab: {  	_ =	task [dreg:s7], $0x5FFFF  }
0xac: {  	[dreg:$0x1] =	wrdreg $0xFFFFFFFF  }
0xad: {  	[dreg:$0x0] =	wrdreg $0x60  }
0xae: {  	[dreg:$0x2] =	wrdreg s24  }
0xaf: {  	[dreg:$0x3] =	wrdreg s2  }
0xb0: {  	[dreg:$0x4] =	wrdreg $0x0  }
0xb1: {  	[dreg:$0x5] =	wrdreg $0x9  }
0xb2: {  	_ =	task.clear_ibuf [dreg:s7], $0x6FFFF;
	_ =	strace $0x9000004C  }
0xb3: {  	s29 =	simm.s32 $0x9;
	_ =	strace $0x8000004E  }
0xb4: {  	_ =	swait.ge [sflag:s29], $0x1  }
0xb5: {  	[sflag:s29] =	ssyncadd.s32 $0xFFFFFFFF  }
0xb6: {  	_ =	strace $0x9000004E  }
0xb7: {  	_ =	sfence  }
0xb8: {  	s30 =	sld [smem:$0x0];
	_ =	sdelay $0x2  }
0xb9: {  	s31 =	sshll.u32 s1, $0xD;
	s1 =	sshrl.u32 s1, $0x2  }
0xba: {  	s3 =	sand.u32 $0x4000, s31;
	s1 =	sadd.s32 s1, s30  }
0xbb: {  	s0 =	sor.u32 s3, s0;
	s1 =	sshll.u32 s1, $0x11  }
0xbc: {  	s0 =	sor.u32 s1, s0  }
0xbd: {  	s0 =	sadd.s32 $0x8F2B, s0  }
0xbe: {  	[sflag:s0] =	ssyncadd.remote.s32 $0x1  }
0xbf: {  	_ =	sfence.sel $0xFFFF  }
0xc0: {  	[dreg:$0x0] =	wrdreg $0xFFFFFFFF;
	(pc) =	sbr.abs _section_cstart, $3  }
0xc1: {  	[dreg:$0x1] =	wrdreg $0xFFFFFFFF  }
0xc2: {  	_ =	task.clear_ibuf [dreg:s7], $0x2FFFF;
	_ =	strace $0x9FFFFFFF  }
0xc3: {  	(tm) =	ssettm $0x7FFFFFFF  }
tec
execute0_lowered:
.L_overlay_start_1:
0x0: {  	(tag) =	ssettag $0x1  }
0x1: {  	s6 =	rddreg [dreg:$0x0]  }
0x2: {  	s2 =	rddreg [dreg:$0x1]  }
0x3: {  	s3 =	rddreg [dreg:$0x2]  }
0x4: {  	s1 =	stileid.u32;
	s5 =	srdreg.scid;
	s4 =	simm.s32 $0x0  }
0x5: {  	s13 =	simm.s32 $0xA2C0;
	s14 =	simm.s32 $0xA090;
	s15 =	simm.s32 $0xF2C0  }
0x6: {  	s16 =	simm.s32 $0xA140;
	s17 =	simm.s32 $0xCAC0;
	s18 =	simm.s32 $0xA190  }
0x7: {  	s19 =	simm.s32 $0x11AC0;
	s20 =	simm.s32 $0x1;
	s7 =	smul.u32 $0x1D4C, s1  }
0x8: {  	s21 =	simm.s32 $0x3;
	s22 =	simm.s32 $0xA240;
	s11 =	smul.u32 $0x28000, s1  }
0x9: {  	s23 =	simm.s32 $0x2;
	s8 =	sand.u32 $0x1, s5;
	s26 =	smul.u32 $0x1400, s1  }
0xa: {  	[smem:$0x7FF] =	sst s4;
	s5 =	sadd.s32 $0x2800, s6;
	s9 =	smul.u32 $0x14000, s8  }
0xb: {  	_ =	strace $0x8000004D;
	s10 =	ssub.s32 $0x2, s8;
	s24 =	smul.u32 $0x1400, s8  }
0xc: {  	s7 =	sadd.s32 s7, s6;
	s12 =	sshrl.u32 s10, $0x1;
	s31 =	sshrl.u32 s11, $0x2  }
0xd: {  	s11 =	simm.s32 $0xA040;
	s9 =	sadd.s32 s9, s6;
	s10 =	ssub.s32 s10, s12  }
0xe: {  	v0 =	vlaneseq.u32;
	s6 =	sadd.s32 s31, s3;
	s7 =	sadd.s32 $0x34600, s7;
	s12 =	simm.s32 $0x50  }
0xf: {  	v2 =	vand.u32 $0x7, v0;
	s25 =	sadd.s32 $0x3600, s9;
	s8 =	smax.u32 s10, $0x1;
	s10 =	simm.s32 $0x5  }
0x10: {  	v1 =	vimm.f32 $0.0e+00;
	v2 =	vor.u32 $0x1400, v2;
	v0 =	vmov s24;
	s24 =	sadd.s32 s26, s25;
	s25 =	simm.s32 $0x4;
	s26 =	simm.s32 $0x0  }
.LBB2_1:
0x11: {  	s28 =	simm.s32 $0x0;
	s29 =	simm.s32 $0x200  }
.LBB2_2:
0x12: {  	p0 =	sne.s32 s29, $0x27E00;
	[tilespmem:s28+$0x14330] =	vst v1  }
0x13: {  	[tilespmem:s28+$0x142C0] =	vst v1  }
0x14: {  	[tilespmem:s28+$0x142D0] =	vst v1  }
.Ltmp0:
0x15: {  	[tilespmem:s28+$0x142E0] =	vst v1;
	(pc) =	sbr.rel @p0 .LBB2_2-.Ltmp0, $4  }
0x16: {  	[tilespmem:s28+$0x142F0] =	vst v1  }
0x17: {  	[tilespmem:s28+$0x14300] =	vst v1  }
0x18: {  	[tilespmem:s28+$0x14310] =	vst v1  }
0x19: {  	[tilespmem:s28+$0x14320] =	vst v1;
	s28 =	sshra.s32 s29, $0x2;
	s29 =	sadd.s32 $0x200, s29  }
0x1a: {  	[tilespmem:s28+$0x14330] =	vst v1  }
0x1b: {  	[tilespmem:s28+$0x142C0] =	vst v1  }
0x1c: {  	[tilespmem:s28+$0x142D0] =	vst v1  }
0x1d: {  	[tilespmem:s28+$0x142E0] =	vst v1  }
0x1e: {  	[tilespmem:s28+$0x142F0] =	vst v1  }
0x1f: {  	[tilespmem:s28+$0x14300] =	vst v1  }
0x20: {  	[tilespmem:s28+$0x14310] =	vst v1  }
0x21: {  	[tilespmem:s28+$0x14320] =	vst v1;
	s0 =	simm.s32 $0x142C0  }
0x22: {  	[spmem:s6] =	stream.linear.scatter [tilespmem:s0], [sflag:$0x5], $0xA000, $0x38;
	[tilespmem:$0x1E2C0] =	vst v63  }
0x23: {  	_ =	swait.ge [sflag:s10], $0xA000  }
0x24: {  	[sflag:s10] =	ssyncset.done $0x0  }
0x25: {  	[sflag:s10] =	ssyncadd.s32 $0xFFFF6000  }
0x26: {  	[bflag:$0x0] =	sbarrier.arrive $0xFFFF  }
0x27: {  	[tilespmem:s11], [sflag:$0x5] =	stream.linear.gather [hbm4b:s7+s4], $0xF0, $0x38;
	[tilespmem:$0x1E2C0] =	vst v63  }
0x28: {  	_ =	swait.ge [sflag:s10], $0xF0  }
0x29: {  	[sflag:s10] =	ssyncset.done $0x0  }
0x2a: {  	[sflag:s10] =	ssyncadd.s32 $0xFFFFFF10  }
0x2b: {  	[tilespmem:s13], [sflag:$0x1] =	stream.indirect.gather [hbm4b:s2+s12], $0x80, s11, s12, $0xb8;
	[tilespmem:$0x1E2C0] =	vst v63  }
0x2c: {  	s28 =	sadd.s32 $0xFFFFE2B4, s7  }
0x2d: {  	[tilespmem:s15], [sflag:$0x3] =	stream.indirect.gather [hbm4b:s5+s12], $0x80, s14, s12, $0xb8;
	[tilespmem:$0x1E2C0] =	vst v63  }
0x2e: {  	s28 =	sadd.s32 $0x1D6A, s28  }
0x2f: {  	[tilespmem:s16], [sflag:$0x5] =	stream.linear.gather [hbm4b:s28+s4], $0xF0, $0x38;
	[tilespmem:$0x1E2C0] =	vst v63  }
0x30: {  	_ =	swait.ge [sflag:s10], $0xF0  }
0x31: {  	[sflag:s10] =	ssyncset.done $0x0  }
0x32: {  	[sflag:s10] =	ssyncadd.s32 $0xFFFFFF10  }
0x33: {  	[tilespmem:s17], [sflag:$0x2] =	stream.indirect.gather [hbm4b:s2+s12], $0x80, s16, s12, $0xb8;
	[tilespmem:$0x1E2C0] =	vst v63  }
0x34: {  	_ = 	snop  }
0x35: {  	[tilespmem:s19], [sflag:$0x4] =	stream.indirect.gather [hbm4b:s5+s12], $0x80, s18, s12, $0xb8;
	[tilespmem:$0x1E2C0] =	vst v63  }
0x36: {  	_ =	swait.ge [sflag:s20], $0x2800  }
0x37: {  	[sflag:s20] =	ssyncset.done $0x0  }
0x38: {  	[sflag:s20] =	ssyncadd.s32 $0xFFFFD800  }
0x39: {  	_ =	swait.ge [sflag:s21], $0x2800  }
0x3a: {  	[sflag:s21] =	ssyncset.done $0x0  }
0x3b: {  	p1 =	por $0x0, $0x0;
	[sflag:s21] =	ssyncadd.s32 $0xFFFFD800  }
0x3c: {  	s29 =	sadd.s32 @!p1 $0xFFFFE2B4, s7;
	v3 =	vld [tilespmem:$0xA110]  }
0x3d: {  	s30 =	sadd.s32 @!p1 $0x1D88, s29;
	s28 =	simm.s32 $0xFFFFE2F0;
	v4 =	vld [tilespmem:$0xA100]  }
.LBB2_4:
0x3e: {  	v5 =	vld [tilespmem:$0xA120];
	s29 =	smov.u32 s28;
	s28 =	sadd.s32 $0x3C, s28  }
0x3f: {  	p0 =	sne.s32 s28, $0x0;
	v6 =	vld [tilespmem:$0xA0E0]  }
0x40: {  	v7 =	vld [tilespmem:$0xA0F0]  }
0x41: {  	v3 =	vsub.s32 v3, v0  }
0x42: {  	v4 =	vsub.s32 v4, v0;
	vm0 =	vlt.u32 v3, $0x1400  }
0x43: {  	vm1 =	vlt.u32 v4, $0x1400;
	v3 =	vsel vm0, v3, v2;
	v5 =	vsub.s32 v5, v0  }
0x44: {  	v6 =	vsub.s32 v6, v0;
	v4 =	vsel vm1, v4, v2;
	[tilespmem:$0xA270] =	vst v3;
	vm0 =	vlt.u32 v5, $0x1400  }
0x45: {  	vm1 =	vlt.u32 v6, $0x1400;
	v3 =	vsub.s32 v7, v0;
	[tilespmem:$0xA260] =	vst v4;
	v4 =	vsel vm0, v5, v2  }
0x46: {  	v5 =	vsel vm1, v6, v2;
	vm0 =	vlt.u32 v3, $0x1400;
	[tilespmem:$0xA280] =	vst v4  }
0x47: {  	[tilespmem:$0xA240] =	vst v5;
	v3 =	vsel vm0, v3, v2  }
0x48: {  	[tilespmem:$0xA250] =	vst v3  }
0x49: {  	[spmem:s3] =	stream.indirect.scatter.add.f32 [tilespmem:s13], [sflag:$0x5], $0x80, s22, s12, $0xb8;
	[tilespmem:$0x1E2C0] =	vst v63  }
0x4a: {  	_ =	swait.ge [sflag:s10], $0x2800  }
0x4b: {  	[sflag:s10] =	ssyncset.done $0x0  }
0x4c: {  	[sflag:s10] =	ssyncadd.s32 $0xFFFFD800  }
0x4d: {  	[spmem:s3] =	stream.indirect.scatter.add.f32 [tilespmem:s15], [sflag:$0x5], $0x80, s22, s12, $0xb8;
	[tilespmem:$0x1E2C0] =	vst v63  }
0x4e: {  	_ =	swait.ge [sflag:s10], $0x2800  }
0x4f: {  	s31 =	simm.s32 @!p1 $0x5;
	[sflag:s10] =	ssyncset.done $0x0  }
0x50: {  	s0 =	simm.s32 @!p1 $0x0;
	s9 =	simm.s32 @!p1 $0xA040;
	[sflag:s10] =	ssyncadd.s32 $0xFFFFD800  }
0x51: {  	[tilespmem:s9], [sflag:$0x5] =	stream.linear.gather @!p1 [hbm4b:s30+s0], $0xF0, $0x38;
	[tilespmem:$0x1E2C0] =	vst v63  }
0x52: {  	_ =	swait.ge @!p1 [sflag:s31], $0xF0  }
0x53: {  	[sflag:s31] =	ssyncset.done @!p1 $0x0  }
0x54: {  	s0 =	simm.s32 @!p1 $0x50;
	s30 =	simm.s32 @!p1 $0xA2C0;
	[sflag:s31] =	ssyncadd.s32 @!p1 $0xFFFFFF10  }
0x55: {  	[tilespmem:s30], [sflag:$0x1] =	stream.indirect.gather @!p1 [hbm4b:s2+s0], $0x80, s9, s0, $0xb8;
	[tilespmem:$0x1E2C0] =	vst v63  }
0x56: {  	s9 =	simm.s32 @!p1 $0xA090;
	s30 =	simm.s32 @!p1 $0xF2C0  }
0x57: {  	[tilespmem:s30], [sflag:$0x3] =	stream.indirect.gather @!p1 [hbm4b:s5+s0], $0x80, s9, s0, $0xb8;
	[tilespmem:$0x1E2C0] =	vst v63  }
0x58: {  	_ =	swait.ge [sflag:s23], $0x2800  }
0x59: {  	[sflag:s23] =	ssyncset.done $0x0  }
0x5a: {  	[sflag:s23] =	ssyncadd.s32 $0xFFFFD800  }
0x5b: {  	_ =	swait.ge [sflag:s25], $0x2800  }
0x5c: {  	[sflag:s25] =	ssyncset.done $0x0  }
0x5d: {  	[sflag:s25] =	ssyncadd.s32 $0xFFFFD800  }
0x5e: {  	v3 =	vld [tilespmem:$0xA1E0]  }
0x5f: {  	v4 =	vld [tilespmem:$0xA220]  }
0x60: {  	v5 =	vld [tilespmem:$0xA200]  }
0x61: {  	v6 =	vld [tilespmem:$0xA1F0]  }
0x62: {  	v7 =	vld [tilespmem:$0xA210]  }
0x63: {  	v3 =	vsub.s32 v3, v0  }
0x64: {  	vm0 =	vlt.u32 v3, $0x1400;
	v4 =	vsub.s32 v4, v0  }
0x65: {  	v3 =	vsel vm0, v3, v2;
	v5 =	vsub.s32 v5, v0;
	vm0 =	vlt.u32 v4, $0x1400  }
0x66: {  	[tilespmem:$0xA240] =	vst v3;
	v3 =	vsub.s32 v6, v0;
	vm1 =	vlt.u32 v5, $0x1400;
	v4 =	vsel vm0, v4, v2  }
0x67: {  	vm0 =	vlt.u32 v3, $0x1400;
	v5 =	vsel vm1, v5, v2;
	v6 =	vsub.s32 v7, v0;
	[tilespmem:$0xA280] =	vst v4  }
0x68: {  	v3 =	vsel vm0, v3, v2;
	[tilespmem:$0xA260] =	vst v5;
	vm0 =	vlt.u32 v6, $0x1400  }
0x69: {  	[tilespmem:$0xA250] =	vst v3;
	v3 =	vsel vm0, v6, v2  }
0x6a: {  	[tilespmem:$0xA270] =	vst v3  }
0x6b: {  	[spmem:s3] =	stream.indirect.scatter.add.f32 [tilespmem:s17], [sflag:$0x5], $0x80, s22, s12, $0xb8;
	[tilespmem:$0x1E2C0] =	vst v63  }
0x6c: {  	_ =	swait.ge [sflag:s10], $0x2800  }
0x6d: {  	[sflag:s10] =	ssyncset.done $0x0  }
0x6e: {  	[sflag:s10] =	ssyncadd.s32 $0xFFFFD800  }
0x6f: {  	[spmem:s3] =	stream.indirect.scatter.add.f32 [tilespmem:s19], [sflag:$0x5], $0x80, s22, s12, $0xb8;
	[tilespmem:$0x1E2C0] =	vst v63  }
0x70: {  	_ =	swait.ge [sflag:s10], $0x2800  }
0x71: {  	s0 =	sadd.s32 s29, s7;
	[sflag:s10] =	ssyncset.done $0x0  }
0x72: {  	s0 =	sadd.s32 $0x1D6A, s0;
	[sflag:s10] =	ssyncadd.s32 $0xFFFFD800  }
0x73: {  	[tilespmem:s16], [sflag:$0x5] =	stream.linear.gather [hbm4b:s0+s4], $0xF0, $0x38;
	[tilespmem:$0x1E2C0] =	vst v63  }
0x74: {  	_ =	swait.ge [sflag:s10], $0xF0  }
0x75: {  	[sflag:s10] =	ssyncset.done $0x0  }
0x76: {  	[sflag:s10] =	ssyncadd.s32 $0xFFFFFF10  }
0x77: {  	[tilespmem:s17], [sflag:$0x2] =	stream.indirect.gather [hbm4b:s2+s12], $0x80, s16, s12, $0xb8;
	[tilespmem:$0x1E2C0] =	vst v63  }
0x78: {  	_ = 	snop  }
0x79: {  	[tilespmem:s19], [sflag:$0x4] =	stream.indirect.gather [hbm4b:s5+s12], $0x80, s18, s12, $0xb8;
	[tilespmem:$0x1E2C0] =	vst v63  }
0x7a: {  	p1 =	seq.s32 s29, $0xFFFFFFC4;
	_ =	swait.ge [sflag:s20], $0x2800  }
0x7b: {  	s0 =	sadd.s32 @!p1 s29, s7;
	[sflag:s20] =	ssyncset.done $0x0  }
0x7c: {  	s30 =	sadd.s32 @!p1 $0x1D88, s0;
	[sflag:s20] =	ssyncadd.s32 $0xFFFFD800  }
.Ltmp1:
0x7d: {  	_ =	swait.ge [sflag:s21], $0x2800;
	(pc) =	sbr.rel @p0 .LBB2_4-.Ltmp1, $4  }
0x7e: {  	[sflag:s21] =	ssyncset.done $0x0  }
0x7f: {  	[sflag:s21] =	ssyncadd.s32 $0xFFFFD800  }
0x80: {  	v3 =	vld [tilespmem:$0xA110]  }
0x81: {  	v4 =	vld [tilespmem:$0xA100]  }
0x82: {  	v5 =	vld [tilespmem:$0xA120]  }
0x83: {  	v6 =	vld [tilespmem:$0xA0E0]  }
0x84: {  	v7 =	vld [tilespmem:$0xA0F0]  }
0x85: {  	v3 =	vsub.s32 v3, v0  }
0x86: {  	v4 =	vsub.s32 v4, v0;
	vm0 =	vlt.u32 v3, $0x1400  }
0x87: {  	vm1 =	vlt.u32 v4, $0x1400;
	v3 =	vsel vm0, v3, v2;
	v5 =	vsub.s32 v5, v0  }
0x88: {  	v6 =	vsub.s32 v6, v0;
	v4 =	vsel vm1, v4, v2;
	[tilespmem:$0xA270] =	vst v3;
	vm8 =	vlt.u32 v5, $0x1400  }
0x89: {  	vm9 =	vlt.u32 v6, $0x1400;
	v3 =	vsub.s32 v7, v0;
	[tilespmem:$0xA260] =	vst v4;
	v57 =	vsel vm8, v5, v2  }
0x8a: {  	v58 =	vsel vm9, v6, v2;
	vm10 =	vlt.u32 v3, $0x1400;
	[tilespmem:$0xA280] =	vst v57  }
0x8b: {  	[tilespmem:$0xA240] =	vst v58;
	v3 =	vsel vm10, v3, v2  }
0x8c: {  	[tilespmem:$0xA250] =	vst v3  }
0x8d: {  	[spmem:s3] =	stream.indirect.scatter.add.f32 [tilespmem:s13], [sflag:$0x5], $0x80, s22, s12, $0xb8;
	[tilespmem:$0x1E2C0] =	vst v63  }
0x8e: {  	_ =	swait.ge [sflag:s10], $0x2800  }
0x8f: {  	[sflag:s10] =	ssyncset.done $0x0  }
0x90: {  	[sflag:s10] =	ssyncadd.s32 $0xFFFFD800  }
0x91: {  	[spmem:s3] =	stream.indirect.scatter.add.f32 [tilespmem:s15], [sflag:$0x5], $0x80, s22, s12, $0xb8;
	[tilespmem:$0x1E2C0] =	vst v63  }
0x92: {  	_ =	swait.ge [sflag:s10], $0x2800  }
0x93: {  	s0 =	simm.s32 @!p1 $0x5;
	[sflag:s10] =	ssyncset.done $0x0  }
0x94: {  	s9 =	simm.s32 @!p1 $0x0;
	s28 =	simm.s32 @!p1 $0xA040;
	[sflag:s10] =	ssyncadd.s32 $0xFFFFD800  }
0x95: {  	[tilespmem:s28], [sflag:$0x5] =	stream.linear.gather @!p1 [hbm4b:s30+s9], $0xF0, $0x38;
	[tilespmem:$0x1E2C0] =	vst v63  }
0x96: {  	_ =	swait.ge @!p1 [sflag:s0], $0xF0  }
0x97: {  	[sflag:s0] =	ssyncset.done @!p1 $0x0  }
0x98: {  	s9 =	simm.s32 @!p1 $0xA2C0;
	[sflag:s0] =	ssyncadd.s32 @!p1 $0xFFFFFF10;
	s0 =	simm.s32 @!p1 $0x50  }
0x99: {  	[tilespmem:s9], [sflag:$0x1] =	stream.indirect.gather @!p1 [hbm4b:s2+s0], $0x80, s28, s0, $0xb8;
	[tilespmem:$0x1E2C0] =	vst v63  }
0x9a: {  	s9 =	simm.s32 @!p1 $0xA090;
	s28 =	simm.s32 @!p1 $0xF2C0  }
0x9b: {  	[tilespmem:s28], [sflag:$0x3] =	stream.indirect.gather @!p1 [hbm4b:s5+s0], $0x80, s9, s0, $0xb8;
	[tilespmem:$0x1E2C0] =	vst v63  }
0x9c: {  	_ =	swait.ge [sflag:s23], $0x2800  }
0x9d: {  	[sflag:s23] =	ssyncset.done $0x0  }
0x9e: {  	[sflag:s23] =	ssyncadd.s32 $0xFFFFD800  }
0x9f: {  	_ =	swait.ge [sflag:s25], $0x2800  }
0xa0: {  	[sflag:s25] =	ssyncset.done $0x0  }
0xa1: {  	[sflag:s25] =	ssyncadd.s32 $0xFFFFD800  }
0xa2: {  	v3 =	vld [tilespmem:$0xA1E0]  }
0xa3: {  	v59 =	vld [tilespmem:$0xA220]  }
0xa4: {  	v60 =	vld [tilespmem:$0xA200]  }
0xa5: {  	v61 =	vld [tilespmem:$0xA1F0]  }
0xa6: {  	v62 =	vld [tilespmem:$0xA210]  }
0xa7: {  	v3 =	vsub.s32 v3, v0  }
0xa8: {  	v4 =	vsub.s32 v59, v0;
	vm11 =	vlt.u32 v3, $0x1400  }
0xa9: {  	v5 =	vsub.s32 v60, v0;
	vm12 =	vlt.u32 v4, $0x1400;
	v3 =	vsel vm11, v3, v2  }
0xaa: {  	vm13 =	vlt.u32 v5, $0x1400;
	v4 =	vsel vm12, v4, v2;
	[tilespmem:$0xA240] =	vst v3;
	v3 =	vsub.s32 v61, v0  }
0xab: {  	v63 =	vsub.s32 v62, v0;
	v5 =	vsel vm13, v5, v2;
	[tilespmem:$0xA280] =	vst v4;
	vm14 =	vlt.u32 v3, $0x1400  }
0xac: {  	vm15 =	vlt.u32 v63, $0x1400;
	[tilespmem:$0xA260] =	vst v5;
	v3 =	vsel vm14, v3, v2  }
0xad: {  	[tilespmem:$0xA250] =	vst v3;
	v3 =	vsel vm15, v63, v2  }
0xae: {  	[tilespmem:$0xA270] =	vst v3  }
0xaf: {  	[spmem:s3] =	stream.indirect.scatter.add.f32 [tilespmem:s17], [sflag:$0x5], $0x80, s22, s12, $0xb8;
	[tilespmem:$0x1E2C0] =	vst v63  }
0xb0: {  	_ =	swait.ge [sflag:s10], $0x2800  }
0xb1: {  	[sflag:s10] =	ssyncset.done $0x0  }
0xb2: {  	[sflag:s10] =	ssyncadd.s32 $0xFFFFD800  }
0xb3: {  	[spmem:s3] =	stream.indirect.scatter.add.f32 [tilespmem:s19], [sflag:$0x5], $0x80, s22, s12, $0xb8;
	[tilespmem:$0x1E2C0] =	vst v63  }
0xb4: {  	_ =	swait.ge [sflag:s10], $0x2800  }
0xb5: {  	s31 =	sshrl.u32 s6, $0x3;
	s26 =	sadd.s32 $0x1, s26;
	[sflag:s10] =	ssyncset.done $0x0  }
0xb6: {  	p0 =	sne.s32 s26, s8;
	s30 =	sshll.u32 s1, $0x6;
	[sflag:s10] =	ssyncadd.s32 $0xFFFFD800  }
.Ltmp2:
0xb7: {  	s0 =	sor.u32 $0x1C05, s30;
	[bflag:$0x0] =	sbarrier.arrive $0xFFFF;
	(pc) =	sbr.rel @p0 .LBB2_1-.Ltmp2, $4  }
0xb8: {  	[hbm:s24], [sflag:s0] =	dma.local [spmem:s31], $0x1400  }
0xb9: {  	_ =	swait.ge [sflag:s10], $0x1400  }
0xba: {  	[sflag:s10] =	ssyncset.done $0x0  }
0xbb: {  	[sflag:s10] =	ssyncadd.s32 $0xFFFFEC00  }
0xbc: {  	_ =	sfence.sel $0x180000  }
0xbd: {  	[bflag:$0x0] =	sbarrier.arrive $0xFFFF  }
0xbe: {  	_ =	strace $0x9000004D  }
0xbf: {  	[bflag:$0x2] =	sbarrier.arrive $0xFFFF  }
0xc0: {  	p0 =	sne.s32 s1, $0x0;
	s0 =	rddreg [dreg:$0x3]  }
0xc1: {  	s0 =	sadd.s32 @!p0 $0x100000, s0  }
0xc2: {  	[sflag:s0] =	ssyncadd.tile.s32 @!p0 $0x1;
	_ =	shalt  }
.Lfunc_end2:
_tile_overlayer_lowered:
.L_overlay_start_2:
0xc3: {  	(tag) =	ssettag $0x2  }
0xc4: {  	s0 =	rddreg [dreg:$0x0];
	s2 =	stileid.u32  }
0xc5: {  	s1 =	rddreg [dreg:$0x1];
	p0 =	sne.s32 s2, $0x0  }
0xc6: {  	s3 =	rddreg [dreg:$0x2];
	[bflag:$0x3] =	sbarrier.arrive $0xFFFF;
	s2 =	simm.s32 @!p0 $0x1C05  }
0xc7: {  	[timem:s3], [sflag:s2] =	dma.local @!p0 [hbm:s0], s1  }
0xc8: {  	s0 =	simm.s32 @!p0 $0x5  }
0xc9: {  	_ =	swait.ge @!p0 [sflag:s0], s1  }
0xca: {  	s1 =	ssub.s32 @!p0 $0x0, s1;
	[sflag:s0] =	ssyncset.done @!p0 $0x0  }
0xcb: {  	[sflag:s0] =	ssyncadd.s32 @!p0 s1  }
0xcc: {  	[bflag:$0x3] =	sbarrier.arrive $0xFFFF  }
0xcd: {  	_ =	shalt  }

// kernel: kernel.8.cloned.1.call-start
scs
__scs_entry_jumppad:
0x0: {  	(pc) =	sbr.rel $0x88, $3  }
0x1: {  	(tag) =	ssettag $0x0;
	lr =	simm.s32 $0x1  }
0x2: {  	[smem:$0x3F9A] =	sst lr;
	_ =	strace $0xD0000000  }
0x3: {  	_ = 	snop  }
0x4: {  	_ = 	snop  }
0x5: {  	_ = 	snop  }
0x6: {  	_ = 	snop  }
0x7: {  	_ = 	snop  }
__scs_overlays_trampoline_lowered:
0x8: {  	[smem:$0x3FA9] =	sst s0  }
0x9: {  	[smem:$0x3FAA] =	sst s1  }
0xa: {  	[smem:$0x3FAB] =	sst s2  }
0xb: {  	[smem:$0x3FAC] =	sst s3  }
0xc: {  	[smem:$0x3FAD] =	sst s4  }
0xd: {  	[smem:$0x3FAE] =	sst s5  }
0xe: {  	[smem:$0x3FAF] =	sst s6  }
0xf: {  	[smem:$0x3FB0] =	sst s7  }
0x10: {  	[smem:$0x3FB1] =	sst s8  }
0x11: {  	[smem:$0x3FB2] =	sst s9;
	s0 =	simm.s32 @!p0 $0x0  }
0x12: {  	s1 =	sld [smem:$0x3F98];
	s0 =	simm.s32 @p0 $0x1  }
0x13: {  	[smem:$0x3FB3] =	sst s0;
	s0 =	simm.s32 @!p1 $0x0  }
0x14: {  	s2 =	sld [smem:$0x3F97];
	s0 =	simm.s32 @p1 $0x1  }
0x15: {  	[smem:$0x3FB4] =	sst s0;
	s0 =	simm.s32 @!p2 $0x0  }
0x16: {  	s3 =	sld [smem:$0x3FDB];
	s0 =	simm.s32 @p2 $0x1  }
0x17: {  	s4 =	simm.s32 $0x1BF5;
	[smem:$0x3FB6] =	sst s0  }
0x18: {  	s0 =	sld [smem:$0x3F99];
	_ =	swait.ge [sflag:s4], $0x0  }
0x19: {  	s7 =	sld [smem:$0x3F9A]  }
0x1a: {  	s8 =	sadd.s32 $0xFFFFE003, lr  }
0x1b: {  	s9 =	sadd.s32 $0xFFFFFEF7, lr;
	s5 =	simm.s32 $0xFFFFFFFF;
	p2 =	slt.u32 s8, $0xFFFFF086  }
0x1c: {  	p1 =	slt.u32 s9, $0xF7A;
	s5 =	simm.s32 @!p2 $0x0  }
0x1d: {  	s5 =	simm.s32 @p1 $0x1;
	p0 =	seq.s32 s7, s2  }
0x1e: {  	s7 =	smul.u32 @!p0 $0xF7A, s2;
	p2 =	seq.s32 @!p0 s5, $0x0  }
0x1f: {  	s9 =	smul.u32 $0xF7A, s1;
	s8 =	simm.s32 @!p0 $0x1BF5;
	p2 =	por !p2, p0  }
0x20: {  	[sflag:s8] =	ssyncset.s32 @!p0 $0xFFFFF086;
	s6 =	sadd.s32 @!p0 s3, s7;
	s7 =	simm.s32 @!p0 $0x108  }
0x21: {  	s3 =	sadd.s32 s3, s9;
	s6 =	sadd.s32 @!p0 $0x88, s6;
	s7 =	simm.s32 @p2 $0x1082  }
0x22: {  	[simem:s7], [sflag:s8] =	dma.local @!p0 [hbm:s6], $0xF7A  }
0x23: {  	s9 =	sor.u32 $0xD0000000, s2;
	s6 =	simm.s32 $0x108;
	_ =	swait.ge @!p0 [sflag:s8], $0x0  }
0x24: {  	s3 =	sadd.s32 $0x88, s3;
	s6 =	simm.s32 @!p1 $0x1082;
	[sflag:s4] =	ssyncset.s32 $0xFFFFF086  }
0x25: {  	[simem:s6], [sflag:s4] =	dma.local [hbm:s3], $0xF7A  }
0x26: {  	[smem:$0x3F9A] =	sst s1;
	(tag) =	ssettag s2;
	_ =	strace s9  }
0x27: {  	s1 =	sld [smem:$0x3FAA]  }
0x28: {  	s2 =	sld [smem:$0x3FAB]  }
0x29: {  	s4 =	sld [smem:$0x3FAD]  }
0x2a: {  	p0 =	seq.s32 s5, $0x0;
	s5 =	sld [smem:$0x3FAE]  }
0x2b: {  	s6 =	sld [smem:$0x3FAF]  }
0x2c: {  	s7 =	sld [smem:$0x3FB0]  }
0x2d: {  	s3 =	simm.s32 $0x108;
	s8 =	sld [smem:$0x3FB1]  }
0x2e: {  	s3 =	simm.s32 @!p0 $0x1082;
	s9 =	sld [smem:$0x3FB2]  }
0x2f: {  	lr =	sadd.s32 s0, s3;
	s0 =	sld [smem:$0x3FA9]  }
0x30: {  	s3 =	sld [smem:$0x3FAC]  }
0x31: {  	[smem:$0x3FB5] =	sst s10  }
0x32: {  	s10 =	sld [smem:$0x3FB3];
	_ =	sdelay $0x3  }
0x33: {  	p0 =	seq.s32 s10, $0x1;
	s10 =	sld [smem:$0x3FB5];
	_ =	sdelay $0x3  }
0x34: {  	[smem:$0x3FB5] =	sst s10  }
0x35: {  	s10 =	sld [smem:$0x3FB4];
	_ =	sdelay $0x3  }
0x36: {  	p1 =	seq.s32 s10, $0x1;
	s10 =	sld [smem:$0x3FB5];
	_ =	sdelay $0x3  }
0x37: {  	[smem:$0x3FB5] =	sst s10  }
0x38: {  	s10 =	sld [smem:$0x3FB6]  }
0x39: {  	_ = 	snop;
	(pc) =	sbr.ind lr, $3  }
0x3a: {  	_ = 	snop  }
0x3b: {  	_ = 	snop  }
0x3c: {  	p2 =	seq.s32 s10, $0x1;
	s10 =	sld [smem:$0x3FB5]  }
0x3d: {  	_ =	shalt  }
0x3e: {  	_ =	shalt  }
0x3f: {  	_ =	shalt  }
0x40: {  	_ =	shalt  }
0x41: {  	_ =	shalt  }
0x42: {  	_ =	shalt  }
0x43: {  	_ =	shalt  }
0x44: {  	_ =	shalt  }
0x45: {  	_ =	shalt  }
0x46: {  	_ =	shalt  }
0x47: {  	_ =	shalt  }
0x48: {  	_ =	shalt  }
0x49: {  	_ =	shalt  }
0x4a: {  	_ =	shalt  }
0x4b: {  	_ =	shalt  }
0x4c: {  	_ =	shalt  }
0x4d: {  	_ =	shalt  }
0x4e: {  	_ =	shalt  }
0x4f: {  	_ =	shalt  }
0x50: {  	_ =	shalt  }
0x51: {  	_ =	shalt  }
0x52: {  	_ =	shalt  }
0x53: {  	_ =	shalt  }
0x54: {  	_ =	shalt  }
0x55: {  	_ =	shalt  }
0x56: {  	_ =	shalt  }
0x57: {  	_ =	shalt  }
0x58: {  	_ =	shalt  }
0x59: {  	_ =	shalt  }
0x5a: {  	_ =	shalt  }
0x5b: {  	_ =	shalt  }
0x5c: {  	_ =	shalt  }
0x5d: {  	_ =	shalt  }
0x5e: {  	_ =	shalt  }
0x5f: {  	_ =	shalt  }
0x60: {  	_ =	shalt  }
0x61: {  	_ =	shalt  }
0x62: {  	_ =	shalt  }
0x63: {  	_ =	shalt  }
0x64: {  	_ =	shalt  }
0x65: {  	_ =	shalt  }
0x66: {  	_ =	shalt  }
0x67: {  	_ =	shalt  }
0x68: {  	_ =	shalt  }
0x69: {  	_ =	shalt  }
0x6a: {  	_ =	shalt  }
0x6b: {  	_ =	shalt  }
0x6c: {  	_ =	shalt  }
0x6d: {  	_ =	shalt  }
0x6e: {  	_ =	shalt  }
0x6f: {  	_ =	shalt  }
0x70: {  	_ =	shalt  }
0x71: {  	_ =	shalt  }
0x72: {  	_ =	shalt  }
0x73: {  	_ =	shalt  }
0x74: {  	_ =	shalt  }
0x75: {  	_ =	shalt  }
0x76: {  	_ =	shalt  }
0x77: {  	_ =	shalt  }
0x78: {  	_ =	shalt  }
0x79: {  	_ =	shalt  }
0x7a: {  	_ =	shalt  }
0x7b: {  	_ =	shalt  }
0x7c: {  	_ =	shalt  }
0x7d: {  	_ =	shalt  }
0x7e: {  	_ =	shalt  }
0x7f: {  	_ =	shalt  }
0x80: {  	_ =	shalt  }
0x81: {  	_ =	shalt  }
0x82: {  	_ =	shalt  }
0x83: {  	_ =	shalt  }
0x84: {  	_ =	shalt  }
0x85: {  	_ =	shalt  }
0x86: {  	_ =	shalt  }
0x87: {  	_ =	shalt  }
.Lfunc_end0:
.L_simem_size_0:
called_computation_lowered:
.L_overlay_start_0:
0x88: {  	s2 =	sld [smem:$0x3FD9]  }
0x89: {  	s3 =	sld [smem:$0x3FFE];
	_ =	sdelay $0x1  }
0x8a: {  	s1 =	srdreg.scid  }
0x8b: {  	s0 =	sand.u32 $0x1, s1  }
0x8c: {  	s16 =	sshll.u32 s0, $0xA;
	s2 =	sadd.s32 s3, s2  }
0x8d: {  	s2 =	sadd.s32 s2, s16  }
0x8e: {  	[smem:$0x3FC1] =	sst s2  }
0x8f: {  	_ = 	snop  }
0x90: {  	(tm) =	ssettm $0x1  }
0x91: {  	s17 =	sld [smem:$0x3FFB];
	_ =	sdelay $0x3  }
0x92: {  	_ =	strace s17  }
0x93: {  	s2 =	sld [smem:$0x3FFC];
	_ =	sdelay $0x3  }
0x94: {  	_ =	strace s2  }
0x95: {  	s2 =	sld [smem:$0x3FFD];
	_ =	sdelay $0x3  }
0x96: {  	_ =	strace s2  }
0x97: {  	_ =	strace $0x8FFFFFFF  }
0x98: {  	s18 =	sld [smem:$0x3FDB];
	_ =	sdelay $0x1  }
0x99: {  	s19 =	simm.s32 $_scs_section_size  }
0x9a: {  	s4 =	simm.s32 $_size__tile_overlayer_lowered;
	s5 =	simm.s32 $_tile_overlayer_lowered  }
0x9b: {  	s22 =	simm.s32 $0x1BFF;
	s21 =	sshll.u32 s5, $0x1;
	s2 =	sadd.s32 s19, s18  }
0x9c: {  	s6 =	simm.s32 $0x0;
	s20 =	sshll.u32 s4, $0x1;
	s4 =	sadd.s32 s21, s2  }
0x9d: {  	[timem:s6], [sflag:s22] =	dma.local [hbm:s4], s20  }
0x9e: {  	_ =	swait.ge [sflag:s22], s20  }
0x9f: {  	s3 =	ssub.s32 $0x0, s20;
	[sflag:s22] =	ssyncset.done $0x0  }
0xa0: {  	[sflag:s22] =	ssyncadd.s32 s3;
	_ =	sdelay $0x1  }
0xa1: {  	s23 =	simm.s32 $0x1B8B  }
0xa2: {  	_ =	swait.ge [sflag:s23], $0x1  }
0xa3: {  	[sflag:s23] =	ssyncset.done $0x0  }
0xa4: {  	s25 =	simm.s32 $0x1B8E;
	s24 =	sld [smem:$0x3FFE];
	[sflag:s23] =	ssyncadd.s32 $0xFFFFFFFF  }
0xa5: {  	s26 =	simm.s32 $execute0_lowered;
	[smem:$0x3FD2] =	sst s25  }
0xa6: {  	s4 =	sshll.u32 s26, $0x1;
	_ =	strace $0x80000046;
	[dreg:$0x1] =	wrdreg $0xFFFFFFFF  }
0xa7: {  	s28 =	simm.s32 $_size_execute0_lowered;
	s2 =	sadd.s32 s2, s4;
	[dreg:$0x0] =	wrdreg $0x0  }
0xa8: {  	s4 =	sshll.u32 s28, $0x1;
	[dreg:$0x2] =	wrdreg s2  }
0xa9: {  	[dreg:$0x3] =	wrdreg s4  }
0xaa: {  	[dreg:$0x4] =	wrdreg $0xC0  }
0xab: {  	_ =	task [dreg:s6], $0x5FFFF  }
0xac: {  	[dreg:$0x1] =	wrdreg $0xFFFFFFFF  }
0xad: {  	[dreg:$0x0] =	wrdreg $0x60  }
0xae: {  	[dreg:$0x2] =	wrdreg s24  }
0xaf: {  	[dreg:$0x3] =	wrdreg $0x0  }
0xb0: {  	[dreg:$0x4] =	wrdreg $0x9  }
0xb1: {  	_ =	task.clear_ibuf [dreg:s6], $0x5FFFF;
	_ =	strace $0x90000046  }
0xb2: {  	s29 =	simm.s32 $0x9;
	_ =	strace $0x80000048  }
0xb3: {  	_ =	swait.ge [sflag:s29], $0x1  }
0xb4: {  	[sflag:s29] =	ssyncadd.s32 $0xFFFFFFFF  }
0xb5: {  	_ =	strace $0x90000048  }
0xb6: {  	_ =	sfence  }
0xb7: {  	s30 =	sld [smem:$0x0];
	_ =	sdelay $0x2  }
0xb8: {  	s31 =	sshll.u32 s1, $0xD;
	s1 =	sshrl.u32 s1, $0x2  }
0xb9: {  	s3 =	sand.u32 $0x4000, s31;
	s1 =	sadd.s32 s1, s30  }
0xba: {  	s0 =	sor.u32 s3, s0;
	s1 =	sshll.u32 s1, $0x11  }
0xbb: {  	s0 =	sor.u32 s1, s0  }
0xbc: {  	s0 =	sadd.s32 $0x8F2B, s0  }
0xbd: {  	[sflag:s0] =	ssyncadd.remote.s32 $0x1  }
0xbe: {  	_ =	sfence.sel $0xFFFF  }
0xbf: {  	[dreg:$0x0] =	wrdreg $0xFFFFFFFF;
	(pc) =	sbr.abs _section_cstart, $3  }
0xc0: {  	[dreg:$0x1] =	wrdreg $0xFFFFFFFF  }
0xc1: {  	_ =	task.clear_ibuf [dreg:s6], $0x2FFFF;
	_ =	strace $0x9FFFFFFF  }
0xc2: {  	(tm) =	ssettm $0x7FFFFFFF  }
0xc3: {  	_ =	shalt  }
tec
execute0_lowered:
.L_overlay_start_1:
0x0: {  	(tag) =	ssettag $0x1  }
0x1: {  	s4 =	rddreg [dreg:$0x0];
	s0 =	stileid.u32  }
0x2: {  	s1 =	srdreg.scid;
	s2 =	rddreg [dreg:$0x1];
	s3 =	simm.s32 $0x0  }
0x3: {  	s10 =	simm.s32 $0x50;
	s11 =	simm.s32 $0xA0C0;
	s5 =	smul.u32 $0x9C4, s0  }
0x4: {  	s12 =	simm.s32 $0xA140;
	s16 =	simm.s32 $0x0;
	s8 =	smul.u32 $0x28000, s0  }
0x5: {  	s6 =	sand.u32 $0x1, s1;
	s1 =	rddreg [dreg:$0x2];
	s15 =	smul.u32 $0x1400, s0  }
0x6: {  	[smem:$0x7FF] =	sst s3;
	s31 =	sshll.u32 s0, $0x6;
	s7 =	smul.u32 $0x14000, s6  }
0x7: {  	_ =	strace $0x80000047;
	s29 =	ssub.s32 $0x2, s6;
	s14 =	smul.u32 $0x1400, s6  }
0x8: {  	s9 =	sadd.s32 s5, s4;
	s30 =	sshrl.u32 s29, $0x1;
	s8 =	sshrl.u32 s8, $0x2  }
0x9: {  	s7 =	sadd.s32 s7, s4;
	s5 =	ssub.s32 s29, s30;
	s4 =	sadd.s32 s8, s2  }
0xa: {  	s6 =	sadd.s32 $0x2800, s9;
	s8 =	simm.s32 $0x1;
	s9 =	simm.s32 $0xA040  }
0xb: {  	v0 =	vmov s14;
	s14 =	sor.u32 $0x1C01, s31;
	s13 =	sadd.s32 $0xC600, s7;
	s5 =	smax.u32 s5, $0x1  }
0xc: {  	v1 =	vimm.f32 $0.0e+00;
	v2 =	vimm.f32 $1.000000000e+00;
	s7 =	simm.s32 $0xC940;
	s13 =	sadd.s32 s15, s13;
	s15 =	sshrl.u32 s4, $0x3  }
.LBB2_1:
0xd: {  	s17 =	simm.s32 $0x0;
	s18 =	simm.s32 $0x200  }
.LBB2_2:
0xe: {  	p0 =	sne.s32 s18, $0x27E00;
	[tilespmem:s17+$0xC9B0] =	vst v1  }
0xf: {  	[tilespmem:s17+$0xC940] =	vst v1  }
0x10: {  	[tilespmem:s17+$0xC950] =	vst v1  }
.Ltmp0:
0x11: {  	[tilespmem:s17+$0xC960] =	vst v1;
	(pc) =	sbr.rel @p0 .LBB2_2-.Ltmp0, $4  }
0x12: {  	[tilespmem:s17+$0xC970] =	vst v1  }
0x13: {  	[tilespmem:s17+$0xC980] =	vst v1  }
0x14: {  	[tilespmem:s17+$0xC990] =	vst v1  }
0x15: {  	[tilespmem:s17+$0xC9A0] =	vst v1;
	s17 =	sshra.s32 s18, $0x2;
	s18 =	sadd.s32 $0x200, s18  }
0x16: {  	[tilespmem:s17+$0xC9B0] =	vst v1  }
0x17: {  	[tilespmem:s17+$0xC940] =	vst v1  }
0x18: {  	[tilespmem:s17+$0xC950] =	vst v1  }
0x19: {  	[tilespmem:s17+$0xC960] =	vst v1  }
0x1a: {  	[tilespmem:s17+$0xC970] =	vst v1  }
0x1b: {  	[tilespmem:s17+$0xC980] =	vst v1  }
0x1c: {  	[tilespmem:s17+$0xC990] =	vst v1  }
0x1d: {  	[tilespmem:s17+$0xC9A0] =	vst v1;
	s17 =	simm.s32 $0x0;
	s18 =	simm.s32 $0x200  }
.LBB2_4:
0x1e: {  	p0 =	sne.s32 s18, $0x9E00;
	[tilespmem:s17+$0xA1B0] =	vst v2  }
0x1f: {  	[tilespmem:s17+$0xA140] =	vst v2  }
0x20: {  	[tilespmem:s17+$0xA150] =	vst v2  }
.Ltmp1:
0x21: {  	[tilespmem:s17+$0xA160] =	vst v2;
	(pc) =	sbr.rel @p0 .LBB2_4-.Ltmp1, $4  }
0x22: {  	[tilespmem:s17+$0xA170] =	vst v2  }
0x23: {  	[tilespmem:s17+$0xA180] =	vst v2  }
0x24: {  	[tilespmem:s17+$0xA190] =	vst v2  }
0x25: {  	[tilespmem:s17+$0xA1A0] =	vst v2;
	s17 =	sshra.s32 s18, $0x2;
	s18 =	sadd.s32 $0x200, s18  }
0x26: {  	[tilespmem:s17+$0xA1B0] =	vst v2  }
0x27: {  	[tilespmem:s17+$0xA140] =	vst v2  }
0x28: {  	[tilespmem:s17+$0xA150] =	vst v2  }
0x29: {  	[tilespmem:s17+$0xA160] =	vst v2  }
0x2a: {  	[tilespmem:s17+$0xA170] =	vst v2  }
0x2b: {  	[tilespmem:s17+$0xA180] =	vst v2  }
0x2c: {  	[tilespmem:s17+$0xA190] =	vst v2  }
0x2d: {  	[tilespmem:s17+$0xA1A0] =	vst v2  }
0x2e: {  	[spmem:s4] =	stream.linear.scatter [tilespmem:s7], [sflag:$0x1], $0xA000, $0x38;
	[tilespmem:$0x16940] =	vst v63  }
0x2f: {  	_ =	swait.ge [sflag:s8], $0xA000  }
0x30: {  	[sflag:s8] =	ssyncset.done $0x0  }
0x31: {  	[sflag:s8] =	ssyncadd.s32 $0xFFFF6000  }
0x32: {  	s31 =	sadd.s32 $0x0, s6;
	[bflag:$0x0] =	sbarrier.arrive $0xFFFF  }
0x33: {  	[tilespmem:s9], [sflag:$0x1] =	stream.linear.gather [hbm4b:s31+s3], $0x50, $0x38;
	[tilespmem:$0x16940] =	vst v63  }
0x34: {  	_ =	swait.ge [sflag:s8], $0x50  }
0x35: {  	[sflag:s8] =	ssyncset.done $0x0  }
0x36: {  	[sflag:s8] =	ssyncadd.s32 $0xFFFFFFB0  }
0x37: {  	v3 =	vld [tilespmem:$0xA080]  }
0x38: {  	v4 =	vld [tilespmem:$0xA070]  }
0x39: {  	v5 =	vld [tilespmem:$0xA060]  }
0x3a: {  	v6 =	vld [tilespmem:$0xA050]  }
0x3b: {  	v7 =	vld [tilespmem:$0xA040]  }
0x3c: {  	v3 =	vsub.s32 v3, v0  }
0x3d: {  	v4 =	vsub.s32 v4, v0;
	v3 =	vmin.u32 v3, $0x1400  }
0x3e: {  	v5 =	vsub.s32 v5, v0;
	v4 =	vmin.u32 v4, $0x1400;
	[tilespmem:$0xA100] =	vst v3  }
0x3f: {  	v5 =	vmin.u32 v5, $0x1400;
	v3 =	vsub.s32 v6, v0;
	[tilespmem:$0xA0F0] =	vst v4  }
0x40: {  	v4 =	vsub.s32 v7, v0;
	[tilespmem:$0xA0E0] =	vst v5;
	v6 =	vmin.u32 v3, $0x1400  }
0x41: {  	s17 =	simm.s32 $0xA;
	v3 =	vmin.u32 v4, $0x1400;
	[tilespmem:$0xA0D0] =	vst v6  }
.LBB2_6:
0x42: {  	p0 =	sne.s32 s17, $0x9BA;
	[tilespmem:$0xA0C0] =	vst v3;
	s18 =	smov.u32 s17;
	s17 =	sadd.s32 $0xA, s17  }
0x43: {  	[spmem:s2] =	stream.indirect.scatter.add.f32 [tilespmem:s12], [sflag:$0x1], $0x80, s11, s10, $0xb8;
	[tilespmem:$0x16940] =	vst v63  }
0x44: {  	_ =	swait.ge [sflag:s8], $0x2800  }
0x45: {  	[sflag:s8] =	ssyncset.done $0x0  }
0x46: {  	s18 =	sadd.s32 s18, s6;
	[sflag:s8] =	ssyncadd.s32 $0xFFFFD800  }
0x47: {  	[tilespmem:s9], [sflag:$0x1] =	stream.linear.gather [hbm4b:s18+s3], $0x50, $0x38;
	[tilespmem:$0x16940] =	vst v63  }
0x48: {  	_ =	swait.ge [sflag:s8], $0x50  }
0x49: {  	[sflag:s8] =	ssyncset.done $0x0  }
0x4a: {  	[sflag:s8] =	ssyncadd.s32 $0xFFFFFFB0  }
0x4b: {  	v3 =	vld [tilespmem:$0xA080]  }
0x4c: {  	v4 =	vld [tilespmem:$0xA070]  }
0x4d: {  	v5 =	vld [tilespmem:$0xA060]  }
0x4e: {  	v6 =	vld [tilespmem:$0xA050]  }
0x4f: {  	v7 =	vld [tilespmem:$0xA040]  }
0x50: {  	v3 =	vsub.s32 v3, v0  }
.Ltmp2:
0x51: {  	v4 =	vsub.s32 v4, v0;
	v3 =	vmin.u32 v3, $0x1400;
	(pc) =	sbr.rel @p0 .LBB2_6-.Ltmp2, $4  }
0x52: {  	v5 =	vsub.s32 v5, v0;
	v4 =	vmin.u32 v4, $0x1400;
	[tilespmem:$0xA100] =	vst v3  }
0x53: {  	v3 =	vsub.s32 v6, v0;
	v5 =	vmin.u32 v5, $0x1400;
	[tilespmem:$0xA0F0] =	vst v4  }
0x54: {  	v4 =	vsub.s32 v7, v0;
	v6 =	vmin.u32 v3, $0x1400;
	[tilespmem:$0xA0E0] =	vst v5  }
0x55: {  	v3 =	vmin.u32 v4, $0x1400;
	[tilespmem:$0xA0D0] =	vst v6  }
0x56: {  	[tilespmem:$0xA0C0] =	vst v3  }
0x57: {  	[spmem:s2] =	stream.indirect.scatter.add.f32 [tilespmem:s12], [sflag:$0x1], $0x80, s11, s10, $0xb8;
	[tilespmem:$0x16940] =	vst v63  }
0x58: {  	_ =	swait.ge [sflag:s8], $0x2800  }
0x59: {  	s16 =	sadd.s32 $0x1, s16;
	[sflag:s8] =	ssyncset.done $0x0  }
0x5a: {  	p0 =	sne.s32 s16, s5;
	[sflag:s8] =	ssyncadd.s32 $0xFFFFD800  }
.Ltmp3:
0x5b: {  	[bflag:$0x0] =	sbarrier.arrive $0xFFFF;
	(pc) =	sbr.rel @p0 .LBB2_1-.Ltmp3, $4  }
0x5c: {  	[hbm:s13], [sflag:s14] =	dma.local [spmem:s15], $0x1400  }
0x5d: {  	_ =	swait.ge [sflag:s8], $0x1400  }
0x5e: {  	[sflag:s8] =	ssyncset.done $0x0  }
0x5f: {  	[sflag:s8] =	ssyncadd.s32 $0xFFFFEC00  }
0x60: {  	_ =	sfence.sel $0x180000  }
0x61: {  	[bflag:$0x0] =	sbarrier.arrive $0xFFFF  }
0x62: {  	p0 =	sne.s32 s0, $0x0;
	_ =	strace $0x90000047  }
0x63: {  	s0 =	sadd.s32 @!p0 $0x100000, s1;
	[bflag:$0x2] =	sbarrier.arrive $0xFFFF  }
0x64: {  	[sflag:s0] =	ssyncadd.tile.s32 @!p0 $0x1;
	_ =	shalt  }
.Lfunc_end2:
_tile_overlayer_lowered:
.L_overlay_start_2:
0x65: {  	(tag) =	ssettag $0x2  }
0x66: {  	s0 =	rddreg [dreg:$0x0];
	s2 =	stileid.u32  }
0x67: {  	s1 =	rddreg [dreg:$0x1];
	p0 =	sne.s32 s2, $0x0  }
0x68: {  	s3 =	rddreg [dreg:$0x2];
	[bflag:$0x3] =	sbarrier.arrive $0xFFFF;
	s2 =	simm.s32 @!p0 $0x1C01  }
0x69: {  	[timem:s3], [sflag:s2] =	dma.local @!p0 [hbm:s0], s1  }
0x6a: {  	s0 =	simm.s32 @!p0 $0x1  }
0x6b: {  	_ =	swait.ge @!p0 [sflag:s0], s1  }
0x6c: {  	s1 =	ssub.s32 @!p0 $0x0, s1;
	[sflag:s0] =	ssyncset.done @!p0 $0x0  }
0x6d: {  	[sflag:s0] =	ssyncadd.s32 @!p0 s1  }
0x6e: {  	[bflag:$0x3] =	sbarrier.arrive $0xFFFF  }
0x6f: {  	_ =	shalt  }

</sc_bundles>
